<compile_context>
chip_gen: v7x
topology: tpu7x:2x2x1
jax: 0.10.2.dev20260603
libtpu: 0.0.44.dev20260713+nightly
codegen_flags: <defaults>
</compile_context>

<pallas_src>
import dataclasses

import jax
import jax.numpy as jnp
from jax import lax
from jax.experimental import pallas as pl
from jax.experimental.pallas import tpu as pltpu
from jax.experimental.pallas import tpu_sc as plsc

_N = 10000
_E = 320000
_D = 128
_EPS = 1e-5
_CHUNK = 128
_NCHUNKS = _E // _CHUNK
_NTILES = 32
_ZP = 80

_NACC = _N
_ZPIECES = _NACC // _ZP
_DPIECES = _N // _ZP
_ZITERS = (_ZPIECES + 15) // 16
_DITERS = (_DPIECES + 15) // 16
_UNROLL = 3



def _sc_compiler_params():
    cp = pltpu.CompilerParams()
    if "needs_layout_passes" in pltpu.CompilerParams.__dataclass_fields__:
        cp = dataclasses.replace(cp, needs_layout_passes=False)
    return cp

def _sc_degree_body(col_hbm, out_hbm, counts, col_v):
    cid = lax.axis_index("c")
    sid = lax.axis_index("s")
    w = sid * 2 + cid

    zero16 = jnp.zeros((16,), jnp.float32)
    one16 = jnp.ones((16,), jnp.float32)

    @pl.loop(0, _N // 16)
    def _(i):
        counts[pl.ds(i * 16, 16)] = zero16

    @pl.loop(0, (_NCHUNKS + _NTILES - 1) // _NTILES)
    def _(kk):
        ch = kk * _NTILES + w

        @pl.when(ch < _NCHUNKS)
        def _():
            pltpu.sync_copy(col_hbm.at[pl.ds(ch * _CHUNK, _CHUNK)], col_v)
            for j in range(_CHUNK // 16):
                idx = col_v[pl.ds(j * 16, 16)]
                plsc.addupdate_scatter(counts, [idx], one16)

    pltpu.sync_copy(counts, out_hbm.at[w, 0])


def _sc_degree(col1d):
    mesh = plsc.VectorSubcoreMesh(core_axis_name="c", subcore_axis_name="s")
    kern = pl.kernel(
        _sc_degree_body,
        out_type=jax.ShapeDtypeStruct((_NTILES, 1, _N), jnp.float32),
        mesh=mesh,
        scratch_types=[
            pltpu.VMEM((_N,), jnp.float32),
            pltpu.VMEM((_CHUNK,), jnp.int32),
        ],
        compiler_params=_sc_compiler_params(),
    )
    return kern(col1d)


def _sc_propagate_body(h_hbm, rc_hbm, out_hbm, acc, rc_v, msgs, gsems,
                       ssems):
    cid = lax.axis_index("c")
    sid = lax.axis_index("s")
    w = sid * 2 + cid

    zero16 = jnp.zeros((16,), jnp.float32)

    @pl.loop(0, _ZP)
    def _(rr):
        for jj in range(_D // 16):
            msgs[0, rr, pl.ds(jj * 16, 16)] = zero16

    @pl.loop(0, _ZITERS)
    def _(kk):
        p = kk * 16 + sid

        @pl.when(p < _ZPIECES)
        def _():
            pltpu.sync_copy(msgs.at[0, pl.ds(0, _ZP)],
                            acc.at[pl.ds(p * _ZP, _ZP)])

    plsc.subcore_barrier()

    def _one(ch, b):
        pltpu.sync_copy(rc_hbm.at[ch], rc_v.at[b])
        return pltpu.async_copy(h_hbm.at[rc_v.at[b, 0]], msgs.at[b],
                                gsems.at[b])

    def _flush(b):
        pltpu.sync_copy(msgs.at[b], acc.at[rc_v.at[b, 1]], add=True)

    @pl.loop(0, _NCHUNKS // _NTILES // _UNROLL)
    def _(kg):
        base = (_UNROLL * kg) * _NTILES + w
        cps = [_one(base + b * _NTILES, b) for b in range(_UNROLL)]
        scs = []
        for b in range(_UNROLL):
            cps[b].wait()
            scs.append(pltpu.async_copy(msgs.at[b], acc.at[rc_v.at[b, 1]],
                                        ssems.at[b], add=True))
        for sc in scs:
            sc.wait()

    @pl.when(w < _NCHUNKS - (_NCHUNKS // _NTILES) * _NTILES)
    def _():
        ch = (_NCHUNKS // _NTILES) * _NTILES + w
        cp = _one(ch, 0)
        cp.wait()
        _flush(0)

    plsc.subcore_barrier()

    @pl.loop(0, _DITERS)
    def _(kk):
        p = kk * 16 + sid

        @pl.when(p < _DPIECES)
        def _():
            pltpu.sync_copy(acc.at[pl.ds(p * _ZP, _ZP)],
                            out_hbm.at[cid, pl.ds(p * _ZP, _ZP)])


def _sc_propagate(h, rc3d):
    mesh = plsc.VectorSubcoreMesh(core_axis_name="c", subcore_axis_name="s")
    kern = pl.kernel(
        _sc_propagate_body,
        out_type=jax.ShapeDtypeStruct((2, _N, _D), jnp.float32),
        mesh=mesh,
        scratch_types=[
            pltpu.VMEM_SHARED((_NACC, _D), jnp.float32),
            pltpu.VMEM((_UNROLL, 2, _CHUNK), jnp.int32),
            pltpu.VMEM((_UNROLL, _CHUNK, _D), jnp.float32),
            pltpu.SemaphoreType.DMA((_UNROLL,)),
            pltpu.SemaphoreType.DMA((_UNROLL,)),
        ],
        compiler_params=_sc_compiler_params(),
    )
    return kern(h, rc3d)



def _matmul_t(a, w_ref):
    return lax.dot_general(a, w_ref[...], (((1,), (1,)), ((), ())),
                           preferred_element_type=jnp.float32,
                           precision=lax.Precision.HIGHEST)


def _bn(h, g, b):
    m = jnp.mean(h, axis=0, keepdims=True)
    v = jnp.mean((h - m) ** 2, axis=0, keepdims=True)
    return (h - m) / jnp.sqrt(v + _EPS) * g + b


def _rsqrt_deg(degp):
    dp = degp[:, 0, :]
    ones = jnp.ones((_NTILES, 1), jnp.float32)
    deg = lax.dot_general(dp, ones, (((0,), (0,)), ((), ())),
                          preferred_element_type=jnp.float32,
                          precision=lax.Precision.HIGHEST)
    return jnp.where(deg > 0.0, lax.rsqrt(deg), 0.0)


def _stage_a_body(x_ref, w_ref, b_ref, g_ref, bb_ref, o_ref):
    h = _matmul_t(x_ref[...], w_ref) + b_ref[...]
    h = _bn(h, g_ref[...], bb_ref[...])
    o_ref[...] = jnp.maximum(h, 0.0)


def _scale_body(h_ref, degp_ref, o_ref):
    r = _rsqrt_deg(degp_ref[...])
    o_ref[...] = h_ref[...] * r


def _stage_c_body(sp_ref, degp_ref, h0_ref, w_ref, b_ref, g_ref, bb_ref,
                  o_ref):
    r = _rsqrt_deg(degp_ref[...])
    sp = sp_ref[...]
    s = (sp[0] + sp[1]) * r
    h = _matmul_t(s, w_ref) + b_ref[...]
    h = jnp.maximum(_bn(h, g_ref[...], bb_ref[...]), 0.0) + h0_ref[...]
    o_ref[...] = h * r


def _stage_d_body(sp_ref, degp_ref, h0_ref, w_ref, b_ref, g_ref, bb_ref,
                  wc_ref, bc_ref, o_ref):
    r = _rsqrt_deg(degp_ref[...])
    sp = sp_ref[...]
    s = (sp[0] + sp[1]) * r
    h = _matmul_t(s, w_ref) + b_ref[...]
    h = jnp.maximum(_bn(h, g_ref[...], bb_ref[...]), 0.0) + h0_ref[...]
    o_ref[...] = _matmul_t(h, wc_ref) + bc_ref[...]


def _f32_out(shape):
    return jax.ShapeDtypeStruct(shape, jnp.float32)



def kernel(x, edge_index, fc0_W, fc0_b, conv1_W, conv1_b, conv2_W, conv2_b,
           bn0_g, bn0_b, bn1_g, bn1_b, bn2_g, bn2_b, cls_W, cls_b):
    ei = edge_index.astype(jnp.int32)
    col1d = ei[1]
    rc3d = ei.reshape(2, _NCHUNKS, _CHUNK).transpose(1, 0, 2)

    b0 = fc0_b.reshape(1, _D)
    g0 = bn0_g.reshape(1, _D)
    bb0 = bn0_b.reshape(1, _D)
    b1 = conv1_b.reshape(1, _D)
    g1 = bn1_g.reshape(1, _D)
    bb1 = bn1_b.reshape(1, _D)
    b2 = conv2_b.reshape(1, _D)
    g2 = bn2_g.reshape(1, _D)
    bb2 = bn2_b.reshape(1, _D)
    bc = cls_b.reshape(1, _D)

    degp = _sc_degree(col1d)

    h0 = pl.pallas_call(_stage_a_body, out_shape=_f32_out((_N, _D)))(
        x, fc0_W, b0, g0, bb0)

    h0s = pl.pallas_call(_scale_body, out_shape=_f32_out((_N, _D)))(
        h0, degp)

    s1p = _sc_propagate(h0s, rc3d)

    h1s = pl.pallas_call(_stage_c_body, out_shape=_f32_out((_N, _D)))(
        s1p, degp, h0, conv1_W, b1, g1, bb1)

    s2p = _sc_propagate(h1s, rc3d)

    out = pl.pallas_call(_stage_d_body, out_shape=_f32_out((_N, _D)))(
        s2p, degp, h0, conv2_W, b2, g2, bb2, cls_W, bc)

    return out

# --- scband reference (transcript-rebuilt; emitter-appended) ---
"""Pipeline reference for scband-graph-conv-4879082848619 (READ-ONLY COPY).

The authoritative reference and input builder live on the scoring server;
editing this copy changes nothing except your own understanding.
"""

import jax, jax.numpy as jnp
import numpy as np

N = 10000
E = 320000
D_IN = 128
D_H = 128
D_OUT = 128
EPS = 1e-5


def setup_inputs(seed: int = 0) -> dict:
    key = jax.random.key(seed)
    ks = jax.random.split(key, 20)
    x = jax.random.normal(ks[0], (N, D_IN), dtype=jnp.float32)
    edge_index = jax.random.randint(ks[1], (2, E), 0, N)
    s_in = 1.0 / np.sqrt(D_IN)
    s_h = 1.0 / np.sqrt(D_H)
    return {
        "x": x,
        "edge_index": edge_index,
        "fc0_W": jax.random.uniform(ks[2], (D_H, D_IN), jnp.float32, -s_in, s_in),
        "fc0_b": jax.random.uniform(ks[3], (D_H,), jnp.float32, -s_in, s_in),
        "conv1_W": jax.random.uniform(ks[4], (D_H, D_H), jnp.float32, -s_h, s_h),
        "conv1_b": jax.random.uniform(ks[5], (D_H,), jnp.float32, -s_h, s_h),
        "conv2_W": jax.random.uniform(ks[6], (D_H, D_H), jnp.float32, -s_h, s_h),
        "conv2_b": jax.random.uniform(ks[7], (D_H,), jnp.float32, -s_h, s_h),
        "bn0_g": jnp.ones((D_H,), jnp.float32),
        "bn0_b": jnp.zeros((D_H,), jnp.float32),
        "bn1_g": jnp.ones((D_H,), jnp.float32),
        "bn1_b": jnp.zeros((D_H,), jnp.float32),
        "bn2_g": jnp.ones((D_H,), jnp.float32),
        "bn2_b": jnp.zeros((D_H,), jnp.float32),
        "cls_W": jax.random.uniform(ks[8], (D_OUT, D_H), jnp.float32, -s_h, s_h),
        "cls_b": jax.random.uniform(ks[9], (D_OUT,), jnp.float32, -s_h, s_h),
    }


def _bn(x, g, b):
    m = jnp.mean(x, axis=0)
    v = jnp.var(x, axis=0)
    return (x - m) / jnp.sqrt(v + EPS) * g + b


def _propagate(x, row, col, n):
    d = jnp.bincount(col, length=n).astype(jnp.float32)
    d_norm_in = jnp.sqrt(1.0 / d[col])
    d_norm_out = jnp.sqrt(1.0 / d[row])
    value = d_norm_in * d_norm_out
    value = jnp.nan_to_num(value, nan=0.0, posinf=0.0, neginf=0.0)
    msgs = value[:, None] * jnp.take(x, row, axis=0)
    return jax.ops.segment_sum(msgs, col, num_segments=n)


def reference(x, edge_index, fc0_W, fc0_b, conv1_W, conv1_b, conv2_W, conv2_b,
              bn0_g, bn0_b, bn1_g, bn1_b, bn2_g, bn2_b, cls_W, cls_b):
    row = edge_index[0]
    col = edge_index[1]
    n = x.shape[0]
    h = x @ fc0_W.T + fc0_b
    h = _bn(h, bn0_g, bn0_b)
    h = jax.nn.relu(h)
    layer0 = h
    # conv layer 1
    h = _propagate(h, row, col, n)
    h = h @ conv1_W.T + conv1_b
    h = _bn(h, bn1_g, bn1_b)
    h = jax.nn.relu(h)
    h = h + layer0
    # conv layer 2
    h = _propagate(h, row, col, n)
    h = h @ conv2_W.T + conv2_b
    h = _bn(h, bn2_g, bn2_b)
    h = jax.nn.relu(h)
    h = h + layer0
    return h @ cls_W.T + cls_b

if __name__ == "__main__":
    import jax
    _d = setup_inputs()
    print(jax.jit(kernel)(*tuple(_d.values())))

</pallas_src>

<mosaic_0001>
#map = affine_map<(d0, d1) -> (0)>
#map1 = affine_map<(d0, d1) -> (0, 0, 0)>
module attributes {stable_mosaic.version = 14 : i64} {
  func.func @_sc_degree_body(%arg0: i32, %arg1: i32, %arg2: memref<320000xi32, #tpu.memory_space<hbm>>, %arg3: memref<32x1x10000xf32, #tpu.memory_space<hbm>>, %arg4: memref<10000xf32, #tpu.memory_space<vmem>>, %arg5: memref<128xi32, #tpu.memory_space<vmem>>) attributes {dimension_semantics = [#tpu.dimension_semantics<core_parallel>, #tpu.dimension_semantics<subcore_parallel>], iteration_bounds = array<i64: 2, 16>, scalar_prefetch = 0 : i64, scratch_operands = 2 : i64, tpu.core_type = #tpu.core_type<sc_vector_subcore>, window_params = [{transform_indices = #map}, {transform_indices = #map1}]} {
    %mul3A = arith.constant 2 : i32
    %mul3A_0 = arith.muli %arg1, %mul3A : i32
    %add3A = arith.addi %mul3A_0, %arg0 : i32
    %broadcast_in_dim3A = arith.constant 0.000000e+00 : f32
    %broadcast_in_dim3A_1 = vector.broadcast %broadcast_in_dim3A : f32 to vector<16xf32>
    %broadcast_in_dim3A_2 = arith.constant 1.000000e+00 : f32
    %broadcast_in_dim3A_3 = vector.broadcast %broadcast_in_dim3A_2 : f32 to vector<16xf32>
    %scan3A = arith.constant 0 : i32
    %scan3A_4 = arith.constant 625 : i32
    %scan3A_5 = arith.addi %scan3A, %scan3A_4 : i32
    %scan3A_6 = arith.constant 1 : i32
    scf.for %scan3A_13 = %scan3A to %scan3A_5 step %scan3A_6  : i32 {
      %mul3A_14 = arith.constant 1 : i32
      %mul3A_15 = arith.muli %scan3A_13, %mul3A_14 : i32
      %add3A_16 = arith.constant 0 : i32
      %add3A_17 = arith.addi %add3A_16, %mul3A_15 : i32
      %mul3A_18 = arith.constant 16 : i32
      %mul3A_19 = arith.muli %add3A_17, %mul3A_18 : i32
      %swap3A = arith.index_cast %mul3A_19 : i32 to index
      %swap3A_20 = tpu.vector_load %arg4[%swap3A] {strides = array<i32>} : memref<10000xf32, #tpu.memory_space<vmem>>, vector<16xf32>,
      tpu.vector_store %arg4[%swap3A], %broadcast_in_dim3A_1 {strides = array<i32>} : memref<10000xf32, #tpu.memory_space<vmem>>, vector<16xf32>,
    }
    %scan3A_7 = arith.constant 625 : i32
    %scan3A_8 = arith.constant 0 : i32
    %scan3A_9 = arith.constant 79 : i32
    %scan3A_10 = arith.addi %scan3A_8, %scan3A_9 : i32
    %scan3A_11 = arith.constant 1 : i32
    scf.for %scan3A_13 = %scan3A_8 to %scan3A_10 step %scan3A_11  : i32 {
      %mul3A_14 = arith.constant 1 : i32
      %mul3A_15 = arith.muli %scan3A_13, %mul3A_14 : i32
      %add3A_16 = arith.constant 0 : i32
      %add3A_17 = arith.addi %add3A_16, %mul3A_15 : i32
      %mul3A_18 = arith.constant 32 : i32
      %mul3A_19 = arith.muli %add3A_17, %mul3A_18 : i32
      %add3A_20 = arith.addi %mul3A_19, %add3A : i32
      %lt3A = arith.constant 2500 : i32
      %lt3A_21 = arith.cmpi slt, %add3A_20, %lt3A : i32
      %convert_element_type3A = arith.extui %lt3A_21 : i1 to i32
      %cond3A = arith.constant 0 : i32
      %cond3A_22 = arith.cmpi ne, %convert_element_type3A, %cond3A : i32
      scf.if %cond3A_22 {
        %mul3A_23 = arith.constant 128 : i32
        %mul3A_24 = arith.muli %add3A_20, %mul3A_23 : i32
        "tpu.region"() ({
          %run_scoped3A_40 = tpu.sem_alloc : memref<!tpu.dma_semaphore, #tpu.memory_space<semaphore_mem>>
          %dma_start3A = tpu.memref_slice %arg2[%mul3A_24] : memref<320000xi32, #tpu.memory_space<hbm>> -> memref<128xi32, #tpu.memory_space<hbm>>
          %dma_start3A_41 = tpu.memref_slice %arg2[%mul3A_24] : memref<320000xi32, #tpu.memory_space<hbm>> -> memref<128xi32, #tpu.memory_space<hbm>>
          tpu.enqueue_dma source(%dma_start3A_41 : memref<128xi32, #tpu.memory_space<hbm>>) target(%arg5 : memref<128xi32, #tpu.memory_space<vmem>>) target_semaphore(%run_scoped3A_40 : memref<!tpu.dma_semaphore, #tpu.memory_space<semaphore_mem>>)
          %dma_wait3A = tpu.memref_slice %arg2[%mul3A_24] : memref<320000xi32, #tpu.memory_space<hbm>> -> memref<128xi32, #tpu.memory_space<hbm>>
          %dma_wait3A_42 = tpu.memref_slice %arg2[%mul3A_24] : memref<320000xi32, #tpu.memory_space<hbm>> -> memref<128xi32, #tpu.memory_space<hbm>>
          tpu.wait_dma2 semaphore(%run_scoped3A_40 : memref<!tpu.dma_semaphore, #tpu.memory_space<semaphore_mem>>) src(%dma_wait3A_42 : memref<128xi32, #tpu.memory_space<hbm>>) dst(%arg5 : memref<128xi32, #tpu.memory_space<vmem>>)
          tpu.yield
        }) : () -> ()
        %get3A = arith.constant 0 : index
        %get3A_25 = tpu.vector_load %arg5[%get3A] {strides = array<i32>} : memref<128xi32, #tpu.memory_space<vmem>>, vector<16xi32>,
        tpu.vector_store_idx %arg4[%get3A_25], %broadcast_in_dim3A_3 {add = true} : memref<10000xf32, #tpu.memory_space<vmem>>[vector<16xi32>], vector<16xf32>,
        %get3A_26 = arith.constant 16 : index
        %get3A_27 = tpu.vector_load %arg5[%get3A_26] {strides = array<i32>} : memref<128xi32, #tpu.memory_space<vmem>>, vector<16xi32>,
        tpu.vector_store_idx %arg4[%get3A_27], %broadcast_in_dim3A_3 {add = true} : memref<10000xf32, #tpu.memory_space<vmem>>[vector<16xi32>], vector<16xf32>,
        %get3A_28 = arith.constant 32 : index
        %get3A_29 = tpu.vector_load %arg5[%get3A_28] {strides = array<i32>} : memref<128xi32, #tpu.memory_space<vmem>>, vector<16xi32>,
        tpu.vector_store_idx %arg4[%get3A_29], %broadcast_in_dim3A_3 {add = true} : memref<10000xf32, #tpu.memory_space<vmem>>[vector<16xi32>], vector<16xf32>,
        %get3A_30 = arith.constant 48 : index
        %get3A_31 = tpu.vector_load %arg5[%get3A_30] {strides = array<i32>} : memref<128xi32, #tpu.memory_space<vmem>>, vector<16xi32>,
        tpu.vector_store_idx %arg4[%get3A_31], %broadcast_in_dim3A_3 {add = true} : memref<10000xf32, #tpu.memory_space<vmem>>[vector<16xi32>], vector<16xf32>,
        %get3A_32 = arith.constant 64 : index
        %get3A_33 = tpu.vector_load %arg5[%get3A_32] {strides = array<i32>} : memref<128xi32, #tpu.memory_space<vmem>>, vector<16xi32>,
        tpu.vector_store_idx %arg4[%get3A_33], %broadcast_in_dim3A_3 {add = true} : memref<10000xf32, #tpu.memory_space<vmem>>[vector<16xi32>], vector<16xf32>,
        %get3A_34 = arith.constant 80 : index
        %get3A_35 = tpu.vector_load %arg5[%get3A_34] {strides = array<i32>} : memref<128xi32, #tpu.memory_space<vmem>>, vector<16xi32>,
        tpu.vector_store_idx %arg4[%get3A_35], %broadcast_in_dim3A_3 {add = true} : memref<10000xf32, #tpu.memory_space<vmem>>[vector<16xi32>], vector<16xf32>,
        %get3A_36 = arith.constant 96 : index
        %get3A_37 = tpu.vector_load %arg5[%get3A_36] {strides = array<i32>} : memref<128xi32, #tpu.memory_space<vmem>>, vector<16xi32>,
        tpu.vector_store_idx %arg4[%get3A_37], %broadcast_in_dim3A_3 {add = true} : memref<10000xf32, #tpu.memory_space<vmem>>[vector<16xi32>], vector<16xf32>,
        %get3A_38 = arith.constant 112 : index
        %get3A_39 = tpu.vector_load %arg5[%get3A_38] {strides = array<i32>} : memref<128xi32, #tpu.memory_space<vmem>>, vector<16xi32>,
        tpu.vector_store_idx %arg4[%get3A_39], %broadcast_in_dim3A_3 {add = true} : memref<10000xf32, #tpu.memory_space<vmem>>[vector<16xi32>], vector<16xf32>,
      } else {
      }
    }
    %scan3A_12 = arith.constant 79 : i32
    %run_scoped3A = arith.constant 0 : i32
    "tpu.region"() ({
      %run_scoped3A_13 = tpu.sem_alloc : memref<!tpu.dma_semaphore, #tpu.memory_space<semaphore_mem>>
      %dma_start3A = arith.constant 0 : i32
      %dma_start3A_14 = tpu.memref_slice %arg3[%add3A, %run_scoped3A, %dma_start3A] : memref<32x1x10000xf32, #tpu.memory_space<hbm>> -> memref<1x1x10000xf32, #tpu.memory_space<hbm>>
      %dma_start3A_15 = tpu.memref_squeeze %dma_start3A_14 : memref<1x1x10000xf32, #tpu.memory_space<hbm>> -> memref<10000xf32, #tpu.memory_space<hbm>>
      %dma_start3A_16 = arith.constant 0 : i32
      %dma_start3A_17 = tpu.memref_slice %arg3[%add3A, %run_scoped3A, %dma_start3A_16] : memref<32x1x10000xf32, #tpu.memory_space<hbm>> -> memref<1x1x10000xf32, #tpu.memory_space<hbm>>
      %dma_start3A_18 = tpu.memref_squeeze %dma_start3A_17 : memref<1x1x10000xf32, #tpu.memory_space<hbm>> -> memref<10000xf32, #tpu.memory_space<hbm>>
      tpu.enqueue_dma source(%arg4 : memref<10000xf32, #tpu.memory_space<vmem>>) target(%dma_start3A_18 : memref<10000xf32, #tpu.memory_space<hbm>>) target_semaphore(%run_scoped3A_13 : memref<!tpu.dma_semaphore, #tpu.memory_space<semaphore_mem>>)
      %dma_wait3A = arith.constant 0 : i32
      %dma_wait3A_19 = tpu.memref_slice %arg3[%add3A, %run_scoped3A, %dma_wait3A] : memref<32x1x10000xf32, #tpu.memory_space<hbm>> -> memref<1x1x10000xf32, #tpu.memory_space<hbm>>
      %dma_wait3A_20 = tpu.memref_squeeze %dma_wait3A_19 : memref<1x1x10000xf32, #tpu.memory_space<hbm>> -> memref<10000xf32, #tpu.memory_space<hbm>>
      %dma_wait3A_21 = arith.constant 0 : i32
      %dma_wait3A_22 = tpu.memref_slice %arg3[%add3A, %run_scoped3A, %dma_wait3A_21] : memref<32x1x10000xf32, #tpu.memory_space<hbm>> -> memref<1x1x10000xf32, #tpu.memory_space<hbm>>
      %dma_wait3A_23 = tpu.memref_squeeze %dma_wait3A_22 : memref<1x1x10000xf32, #tpu.memory_space<hbm>> -> memref<10000xf32, #tpu.memory_space<hbm>>
      tpu.wait_dma2 semaphore(%run_scoped3A_13 : memref<!tpu.dma_semaphore, #tpu.memory_space<semaphore_mem>>) src(%arg4 : memref<10000xf32, #tpu.memory_space<vmem>>) dst(%dma_wait3A_23 : memref<10000xf32, #tpu.memory_space<hbm>>)
      tpu.yield
    }) : () -> ()
    return
  }
}

#map = affine_map<(d0, d1) -> (0, 0)>
#map1 = affine_map<(d0, d1) -> (0, 0, 0)>
module attributes {stable_mosaic.version = 14 : i64} {
  func.func @_sc_propagate_body(%arg0: i32, %arg1: i32, %arg2: memref<10000x128xf32, #tpu.memory_space<hbm>>, %arg3: memref<2500x2x128xi32, #tpu.memory_space<hbm>>, %arg4: memref<2x10000x128xf32, #tpu.memory_space<hbm>>, %arg5: memref<10000x128xf32, #tpu.memory_space<vmem_shared>>, %arg6: memref<3x2x128xi32, #tpu.memory_space<vmem>>, %arg7: memref<3x128x128xf32, #tpu.memory_space<vmem>>, %arg8: memref<3x!tpu.dma_semaphore, #tpu.memory_space<semaphore_mem>>, %arg9: memref<3x!tpu.dma_semaphore, #tpu.memory_space<semaphore_mem>>) attributes {dimension_semantics = [#tpu.dimension_semantics<core_parallel>, #tpu.dimension_semantics<subcore_parallel>], iteration_bounds = array<i64: 2, 16>, scalar_prefetch = 0 : i64, scratch_operands = 5 : i64, tpu.core_type = #tpu.core_type<sc_vector_subcore>, window_params = [{transform_indices = #map}, {transform_indices = #map1}, {transform_indices = #map1}]} {
    %mul3A = arith.constant 2 : i32
    %mul3A_0 = arith.muli %arg1, %mul3A : i32
    %add3A = arith.addi %mul3A_0, %arg0 : i32
    %broadcast_in_dim3A = arith.constant 0.000000e+00 : f32
    %broadcast_in_dim3A_1 = vector.broadcast %broadcast_in_dim3A : f32 to vector<16xf32>
    %scan3A = arith.constant 0 : i32
    %scan3A_2 = arith.constant 80 : i32
    %scan3A_3 = arith.addi %scan3A, %scan3A_2 : i32
    %scan3A_4 = arith.constant 1 : i32
    scf.for %scan3A_24 = %scan3A to %scan3A_3 step %scan3A_4  : i32 {
      %mul3A_25 = arith.constant 1 : i32
      %mul3A_26 = arith.muli %scan3A_24, %mul3A_25 : i32
      %add3A_27 = arith.constant 0 : i32
      %add3A_28 = arith.addi %add3A_27, %mul3A_26 : i32
      %swap3A = arith.constant 0 : i32
      %swap3A_29 = arith.index_cast %swap3A : i32 to index
      %swap3A_30 = arith.index_cast %add3A_28 : i32 to index
      %swap3A_31 = arith.constant 0 : index
      %swap3A_32 = tpu.vector_load %arg7[%swap3A_29, %swap3A_30, %swap3A_31] {strides = array<i32>} : memref<3x128x128xf32, #tpu.memory_space<vmem>>, vector<16xf32>,
      tpu.vector_store %arg7[%swap3A_29, %swap3A_30, %swap3A_31], %broadcast_in_dim3A_1 {strides = array<i32>} : memref<3x128x128xf32, #tpu.memory_space<vmem>>, vector<16xf32>,
      %swap3A_33 = arith.constant 0 : i32
      %swap3A_34 = arith.index_cast %swap3A_33 : i32 to index
      %swap3A_35 = arith.index_cast %add3A_28 : i32 to index
      %swap3A_36 = arith.constant 16 : index
      %swap3A_37 = tpu.vector_load %arg7[%swap3A_34, %swap3A_35, %swap3A_36] {strides = array<i32>} : memref<3x128x128xf32, #tpu.memory_space<vmem>>, vector<16xf32>,
      tpu.vector_store %arg7[%swap3A_34, %swap3A_35, %swap3A_36], %broadcast_in_dim3A_1 {strides = array<i32>} : memref<3x128x128xf32, #tpu.memory_space<vmem>>, vector<16xf32>,
      %swap3A_38 = arith.constant 0 : i32
      %swap3A_39 = arith.index_cast %swap3A_38 : i32 to index
      %swap3A_40 = arith.index_cast %add3A_28 : i32 to index
      %swap3A_41 = arith.constant 32 : index
      %swap3A_42 = tpu.vector_load %arg7[%swap3A_39, %swap3A_40, %swap3A_41] {strides = array<i32>} : memref<3x128x128xf32, #tpu.memory_space<vmem>>, vector<16xf32>,
      tpu.vector_store %arg7[%swap3A_39, %swap3A_40, %swap3A_41], %broadcast_in_dim3A_1 {strides = array<i32>} : memref<3x128x128xf32, #tpu.memory_space<vmem>>, vector<16xf32>,
      %swap3A_43 = arith.constant 0 : i32
      %swap3A_44 = arith.index_cast %swap3A_43 : i32 to index
      %swap3A_45 = arith.index_cast %add3A_28 : i32 to index
      %swap3A_46 = arith.constant 48 : index
      %swap3A_47 = tpu.vector_load %arg7[%swap3A_44, %swap3A_45, %swap3A_46] {strides = array<i32>} : memref<3x128x128xf32, #tpu.memory_space<vmem>>, vector<16xf32>,
      tpu.vector_store %arg7[%swap3A_44, %swap3A_45, %swap3A_46], %broadcast_in_dim3A_1 {strides = array<i32>} : memref<3x128x128xf32, #tpu.memory_space<vmem>>, vector<16xf32>,
      %swap3A_48 = arith.constant 0 : i32
      %swap3A_49 = arith.index_cast %swap3A_48 : i32 to index
      %swap3A_50 = arith.index_cast %add3A_28 : i32 to index
      %swap3A_51 = arith.constant 64 : index
      %swap3A_52 = tpu.vector_load %arg7[%swap3A_49, %swap3A_50, %swap3A_51] {strides = array<i32>} : memref<3x128x128xf32, #tpu.memory_space<vmem>>, vector<16xf32>,
      tpu.vector_store %arg7[%swap3A_49, %swap3A_50, %swap3A_51], %broadcast_in_dim3A_1 {strides = array<i32>} : memref<3x128x128xf32, #tpu.memory_space<vmem>>, vector<16xf32>,
      %swap3A_53 = arith.constant 0 : i32
      %swap3A_54 = arith.index_cast %swap3A_53 : i32 to index
      %swap3A_55 = arith.index_cast %add3A_28 : i32 to index
      %swap3A_56 = arith.constant 80 : index
      %swap3A_57 = tpu.vector_load %arg7[%swap3A_54, %swap3A_55, %swap3A_56] {strides = array<i32>} : memref<3x128x128xf32, #tpu.memory_space<vmem>>, vector<16xf32>,
      tpu.vector_store %arg7[%swap3A_54, %swap3A_55, %swap3A_56], %broadcast_in_dim3A_1 {strides = array<i32>} : memref<3x128x128xf32, #tpu.memory_space<vmem>>, vector<16xf32>,
      %swap3A_58 = arith.constant 0 : i32
      %swap3A_59 = arith.index_cast %swap3A_58 : i32 to index
      %swap3A_60 = arith.index_cast %add3A_28 : i32 to index
      %swap3A_61 = arith.constant 96 : index
      %swap3A_62 = tpu.vector_load %arg7[%swap3A_59, %swap3A_60, %swap3A_61] {strides = array<i32>} : memref<3x128x128xf32, #tpu.memory_space<vmem>>, vector<16xf32>,
      tpu.vector_store %arg7[%swap3A_59, %swap3A_60, %swap3A_61], %broadcast_in_dim3A_1 {strides = array<i32>} : memref<3x128x128xf32, #tpu.memory_space<vmem>>, vector<16xf32>,
      %swap3A_63 = arith.constant 0 : i32
      %swap3A_64 = arith.index_cast %swap3A_63 : i32 to index
      %swap3A_65 = arith.index_cast %add3A_28 : i32 to index
      %swap3A_66 = arith.constant 112 : index
      %swap3A_67 = tpu.vector_load %arg7[%swap3A_64, %swap3A_65, %swap3A_66] {strides = array<i32>} : memref<3x128x128xf32, #tpu.memory_space<vmem>>, vector<16xf32>,
      tpu.vector_store %arg7[%swap3A_64, %swap3A_65, %swap3A_66], %broadcast_in_dim3A_1 {strides = array<i32>} : memref<3x128x128xf32, #tpu.memory_space<vmem>>, vector<16xf32>,
    }
    %scan3A_5 = arith.constant 80 : i32
    %scan3A_6 = arith.constant 0 : i32
    %scan3A_7 = arith.constant 8 : i32
    %scan3A_8 = arith.addi %scan3A_6, %scan3A_7 : i32
    %scan3A_9 = arith.constant 1 : i32
    scf.for %scan3A_24 = %scan3A_6 to %scan3A_8 step %scan3A_9  : i32 {
      %mul3A_25 = arith.constant 1 : i32
      %mul3A_26 = arith.muli %scan3A_24, %mul3A_25 : i32
      %add3A_27 = arith.constant 0 : i32
      %add3A_28 = arith.addi %add3A_27, %mul3A_26 : i32
      %mul3A_29 = arith.constant 16 : i32
      %mul3A_30 = arith.muli %add3A_28, %mul3A_29 : i32
      %add3A_31 = arith.addi %mul3A_30, %arg1 : i32
      %lt3A_32 = arith.constant 125 : i32
      %lt3A_33 = arith.cmpi slt, %add3A_31, %lt3A_32 : i32
      %convert_element_type3A_34 = arith.extui %lt3A_33 : i1 to i32
      %cond3A_35 = arith.constant 0 : i32
      %cond3A_36 = arith.cmpi ne, %convert_element_type3A_34, %cond3A_35 : i32
      scf.if %cond3A_36 {
        %mul3A_37 = arith.constant 80 : i32
        %mul3A_38 = arith.muli %add3A_31, %mul3A_37 : i32
        %run_scoped3A = arith.constant 0 : i32
        "tpu.region"() ({
          %run_scoped3A_39 = tpu.sem_alloc : memref<!tpu.dma_semaphore, #tpu.memory_space<semaphore_mem>>
          %dma_start3A = arith.constant 0 : i32
          %dma_start3A_40 = arith.constant 0 : i32
          %dma_start3A_41 = tpu.memref_slice %arg7[%run_scoped3A, %dma_start3A, %dma_start3A_40] : memref<3x128x128xf32, #tpu.memory_space<vmem>> -> memref<1x80x128xf32, #tpu.memory_space<vmem>>
          %dma_start3A_42 = tpu.memref_squeeze %dma_start3A_41 : memref<1x80x128xf32, #tpu.memory_space<vmem>> -> memref<80x128xf32, #tpu.memory_space<vmem>>
          %dma_start3A_43 = arith.constant 0 : i32
          %dma_start3A_44 = tpu.memref_slice %arg5[%mul3A_38, %dma_start3A_43] : memref<10000x128xf32, #tpu.memory_space<vmem_shared>> -> memref<80x128xf32, #tpu.memory_space<vmem_shared>>
          %dma_start3A_45 = arith.constant 0 : i32
          %dma_start3A_46 = tpu.memref_slice %arg5[%mul3A_38, %dma_start3A_45] : memref<10000x128xf32, #tpu.memory_space<vmem_shared>> -> memref<80x128xf32, #tpu.memory_space<vmem_shared>>
          %dma_start3A_47 = arith.constant 0 : i32
          %dma_start3A_48 = arith.constant 0 : i32
          %dma_start3A_49 = tpu.memref_slice %arg7[%run_scoped3A, %dma_start3A_47, %dma_start3A_48] : memref<3x128x128xf32, #tpu.memory_space<vmem>> -> memref<1x80x128xf32, #tpu.memory_space<vmem>>
          %dma_start3A_50 = tpu.memref_squeeze %dma_start3A_49 : memref<1x80x128xf32, #tpu.memory_space<vmem>> -> memref<80x128xf32, #tpu.memory_space<vmem>>
          tpu.enqueue_dma source(%dma_start3A_50 : memref<80x128xf32, #tpu.memory_space<vmem>>) target(%dma_start3A_46 : memref<80x128xf32, #tpu.memory_space<vmem_shared>>) target_semaphore(%run_scoped3A_39 : memref<!tpu.dma_semaphore, #tpu.memory_space<semaphore_mem>>)
          %dma_wait3A = arith.constant 0 : i32
          %dma_wait3A_51 = arith.constant 0 : i32
          %dma_wait3A_52 = tpu.memref_slice %arg7[%run_scoped3A, %dma_wait3A, %dma_wait3A_51] : memref<3x128x128xf32, #tpu.memory_space<vmem>> -> memref<1x80x128xf32, #tpu.memory_space<vmem>>
          %dma_wait3A_53 = tpu.memref_squeeze %dma_wait3A_52 : memref<1x80x128xf32, #tpu.memory_space<vmem>> -> memref<80x128xf32, #tpu.memory_space<vmem>>
          %dma_wait3A_54 = arith.constant 0 : i32
          %dma_wait3A_55 = tpu.memref_slice %arg5[%mul3A_38, %dma_wait3A_54] : memref<10000x128xf32, #tpu.memory_space<vmem_shared>> -> memref<80x128xf32, #tpu.memory_space<vmem_shared>>
          %dma_wait3A_56 = arith.constant 0 : i32
          %dma_wait3A_57 = tpu.memref_slice %arg5[%mul3A_38, %dma_wait3A_56] : memref<10000x128xf32, #tpu.memory_space<vmem_shared>> -> memref<80x128xf32, #tpu.memory_space<vmem_shared>>
          %dma_wait3A_58 = arith.constant 0 : i32
          %dma_wait3A_59 = arith.constant 0 : i32
          %dma_wait3A_60 = tpu.memref_slice %arg7[%run_scoped3A, %dma_wait3A_58, %dma_wait3A_59] : memref<3x128x128xf32, #tpu.memory_space<vmem>> -> memref<1x80x128xf32, #tpu.memory_space<vmem>>
          %dma_wait3A_61 = tpu.memref_squeeze %dma_wait3A_60 : memref<1x80x128xf32, #tpu.memory_space<vmem>> -> memref<80x128xf32, #tpu.memory_space<vmem>>
          tpu.wait_dma2 semaphore(%run_scoped3A_39 : memref<!tpu.dma_semaphore, #tpu.memory_space<semaphore_mem>>) src(%dma_wait3A_61 : memref<80x128xf32, #tpu.memory_space<vmem>>) dst(%dma_wait3A_57 : memref<80x128xf32, #tpu.memory_space<vmem_shared>>)
          tpu.yield
        }) : () -> ()
      } else {
      }
    }
    %scan3A_10 = arith.constant 8 : i32
    %barrier3A = arith.constant 0 : index
    tpu.barrier barrier_id(%barrier3A)
    %scan3A_11 = arith.constant 0 : i32
    %scan3A_12 = arith.constant 26 : i32
    %scan3A_13 = arith.addi %scan3A_11, %scan3A_12 : i32
    %scan3A_14 = arith.constant 1 : i32
    scf.for %scan3A_24 = %scan3A_11 to %scan3A_13 step %scan3A_14  : i32 {
      %mul3A_25 = arith.constant 1 : i32
      %mul3A_26 = arith.muli %scan3A_24, %mul3A_25 : i32
      %add3A_27 = arith.constant 0 : i32
      %add3A_28 = arith.addi %add3A_27, %mul3A_26 : i32
      %mul3A_29 = arith.constant 3 : i32
      %mul3A_30 = arith.muli %mul3A_29, %add3A_28 : i32
      %mul3A_31 = arith.constant 32 : i32
      %mul3A_32 = arith.muli %mul3A_30, %mul3A_31 : i32
      %add3A_33 = arith.addi %mul3A_32, %add3A : i32
      %add3A_34 = arith.constant 0 : i32
      %add3A_35 = arith.addi %add3A_33, %add3A_34 : i32
      %run_scoped3A = arith.constant 0 : i32
      "tpu.region"() ({
        %run_scoped3A_232 = tpu.sem_alloc : memref<!tpu.dma_semaphore, #tpu.memory_space<semaphore_mem>>
        %dma_start3A_233 = arith.constant 0 : i32
        %dma_start3A_234 = arith.constant 0 : i32
        %dma_start3A_235 = tpu.memref_slice %arg6[%run_scoped3A, %dma_start3A_233, %dma_start3A_234] : memref<3x2x128xi32, #tpu.memory_space<vmem>> -> memref<1x2x128xi32, #tpu.memory_space<vmem>>
        %dma_start3A_236 = tpu.memref_squeeze %dma_start3A_235 : memref<1x2x128xi32, #tpu.memory_space<vmem>> -> memref<2x128xi32, #tpu.memory_space<vmem>>
        %dma_start3A_237 = arith.constant 0 : i32
        %dma_start3A_238 = arith.constant 0 : i32
        %dma_start3A_239 = tpu.memref_slice %arg3[%add3A_35, %dma_start3A_237, %dma_start3A_238] : memref<2500x2x128xi32, #tpu.memory_space<hbm>> -> memref<1x2x128xi32, #tpu.memory_space<hbm>>
        %dma_start3A_240 = tpu.memref_squeeze %dma_start3A_239 : memref<1x2x128xi32, #tpu.memory_space<hbm>> -> memref<2x128xi32, #tpu.memory_space<hbm>>
        %dma_start3A_241 = arith.constant 0 : i32
        %dma_start3A_242 = arith.constant 0 : i32
        %dma_start3A_243 = tpu.memref_slice %arg6[%run_scoped3A, %dma_start3A_241, %dma_start3A_242] : memref<3x2x128xi32, #tpu.memory_space<vmem>> -> memref<1x2x128xi32, #tpu.memory_space<vmem>>
        %dma_start3A_244 = tpu.memref_squeeze %dma_start3A_243 : memref<1x2x128xi32, #tpu.memory_space<vmem>> -> memref<2x128xi32, #tpu.memory_space<vmem>>
        %dma_start3A_245 = arith.constant 0 : i32
        %dma_start3A_246 = arith.constant 0 : i32
        %dma_start3A_247 = tpu.memref_slice %arg3[%add3A_35, %dma_start3A_245, %dma_start3A_246] : memref<2500x2x128xi32, #tpu.memory_space<hbm>> -> memref<1x2x128xi32, #tpu.memory_space<hbm>>
        %dma_start3A_248 = tpu.memref_squeeze %dma_start3A_247 : memref<1x2x128xi32, #tpu.memory_space<hbm>> -> memref<2x128xi32, #tpu.memory_space<hbm>>
        tpu.enqueue_dma source(%dma_start3A_248 : memref<2x128xi32, #tpu.memory_space<hbm>>) target(%dma_start3A_244 : memref<2x128xi32, #tpu.memory_space<vmem>>) target_semaphore(%run_scoped3A_232 : memref<!tpu.dma_semaphore, #tpu.memory_space<semaphore_mem>>)
        %dma_wait3A_249 = arith.constant 0 : i32
        %dma_wait3A_250 = arith.constant 0 : i32
        %dma_wait3A_251 = tpu.memref_slice %arg6[%run_scoped3A, %dma_wait3A_249, %dma_wait3A_250] : memref<3x2x128xi32, #tpu.memory_space<vmem>> -> memref<1x2x128xi32, #tpu.memory_space<vmem>>
        %dma_wait3A_252 = tpu.memref_squeeze %dma_wait3A_251 : memref<1x2x128xi32, #tpu.memory_space<vmem>> -> memref<2x128xi32, #tpu.memory_space<vmem>>
        %dma_wait3A_253 = arith.constant 0 : i32
        %dma_wait3A_254 = arith.constant 0 : i32
        %dma_wait3A_255 = tpu.memref_slice %arg3[%add3A_35, %dma_wait3A_253, %dma_wait3A_254] : memref<2500x2x128xi32, #tpu.memory_space<hbm>> -> memref<1x2x128xi32, #tpu.memory_space<hbm>>
        %dma_wait3A_256 = tpu.memref_squeeze %dma_wait3A_255 : memref<1x2x128xi32, #tpu.memory_space<hbm>> -> memref<2x128xi32, #tpu.memory_space<hbm>>
        %dma_wait3A_257 = arith.constant 0 : i32
        %dma_wait3A_258 = arith.constant 0 : i32
        %dma_wait3A_259 = tpu.memref_slice %arg6[%run_scoped3A, %dma_wait3A_257, %dma_wait3A_258] : memref<3x2x128xi32, #tpu.memory_space<vmem>> -> memref<1x2x128xi32, #tpu.memory_space<vmem>>
        %dma_wait3A_260 = tpu.memref_squeeze %dma_wait3A_259 : memref<1x2x128xi32, #tpu.memory_space<vmem>> -> memref<2x128xi32, #tpu.memory_space<vmem>>
        %dma_wait3A_261 = arith.constant 0 : i32
        %dma_wait3A_262 = arith.constant 0 : i32
        %dma_wait3A_263 = tpu.memref_slice %arg3[%add3A_35, %dma_wait3A_261, %dma_wait3A_262] : memref<2500x2x128xi32, #tpu.memory_space<hbm>> -> memref<1x2x128xi32, #tpu.memory_space<hbm>>
        %dma_wait3A_264 = tpu.memref_squeeze %dma_wait3A_263 : memref<1x2x128xi32, #tpu.memory_space<hbm>> -> memref<2x128xi32, #tpu.memory_space<hbm>>
        tpu.wait_dma2 semaphore(%run_scoped3A_232 : memref<!tpu.dma_semaphore, #tpu.memory_space<semaphore_mem>>) src(%dma_wait3A_264 : memref<2x128xi32, #tpu.memory_space<hbm>>) dst(%dma_wait3A_260 : memref<2x128xi32, #tpu.memory_space<vmem>>)
        tpu.yield
      }) : () -> ()
      %dma_start3A = arith.constant 0 : i32
      %dma_start3A_36 = arith.constant 0 : i32
      %dma_start3A_37 = arith.constant 0 : i32
      %dma_start3A_38 = arith.constant 0 : i32
      %dma_start3A_39 = arith.constant 0 : i32
      %dma_start3A_40 = arith.constant 0 : i32
      %dma_start3A_41 = tpu.memref_slice %arg7[%dma_start3A_37, %dma_start3A_39, %dma_start3A_40] : memref<3x128x128xf32, #tpu.memory_space<vmem>> -> memref<1x128x128xf32, #tpu.memory_space<vmem>>
      %dma_start3A_42 = tpu.memref_squeeze %dma_start3A_41 : memref<1x128x128xf32, #tpu.memory_space<vmem>> -> memref<128x128xf32, #tpu.memory_space<vmem>>
      %dma_start3A_43 = arith.constant 0 : i32
      %dma_start3A_44 = tpu.memref_slice %arg6[%dma_start3A, %dma_start3A_36, %dma_start3A_43] : memref<3x2x128xi32, #tpu.memory_space<vmem>> -> memref<1x1x128xi32, #tpu.memory_space<vmem>>
      %dma_start3A_45 = tpu.memref_squeeze %dma_start3A_44 : memref<1x1x128xi32, #tpu.memory_space<vmem>> -> memref<128xi32, #tpu.memory_space<vmem>>
      %dma_start3A_46 = arith.constant 0 : i32
      %dma_start3A_47 = arith.constant 0 : i32
      %dma_start3A_48 = tpu.memref_slice %arg2[%dma_start3A_46, %dma_start3A_47] : memref<10000x128xf32, #tpu.memory_space<hbm>> -> memref<10000x128xf32, #tpu.memory_space<hbm>>
      %dma_start3A_49 = tpu.memref_slice %arg8[%dma_start3A_38] : memref<3x!tpu.dma_semaphore, #tpu.memory_space<semaphore_mem>> -> memref<1x!tpu.dma_semaphore, #tpu.memory_space<semaphore_mem>>
      %dma_start3A_50 = tpu.memref_squeeze %dma_start3A_49 : memref<1x!tpu.dma_semaphore, #tpu.memory_space<semaphore_mem>> -> memref<!tpu.dma_semaphore, #tpu.memory_space<semaphore_mem>>
      tpu.enqueue_indirect_dma source(%dma_start3A_48 : memref<10000x128xf32, #tpu.memory_space<hbm>>) target(%dma_start3A_42 : memref<128x128xf32, #tpu.memory_space<vmem>>) offsets(%dma_start3A_45 : memref<128xi32, #tpu.memory_space<vmem>>) semaphore(%dma_start3A_50 : memref<!tpu.dma_semaphore, #tpu.memory_space<semaphore_mem>>)
      %add3A_51 = arith.constant 32 : i32
      %add3A_52 = arith.addi %add3A_33, %add3A_51 : i32
      %run_scoped3A_53 = arith.constant 1 : i32
      "tpu.region"() ({
        %run_scoped3A_232 = tpu.sem_alloc : memref<!tpu.dma_semaphore, #tpu.memory_space<semaphore_mem>>
        %dma_start3A_233 = arith.constant 0 : i32
        %dma_start3A_234 = arith.constant 0 : i32
        %dma_start3A_235 = tpu.memref_slice %arg6[%run_scoped3A_53, %dma_start3A_233, %dma_start3A_234] : memref<3x2x128xi32, #tpu.memory_space<vmem>> -> memref<1x2x128xi32, #tpu.memory_space<vmem>>
        %dma_start3A_236 = tpu.memref_squeeze %dma_start3A_235 : memref<1x2x128xi32, #tpu.memory_space<vmem>> -> memref<2x128xi32, #tpu.memory_space<vmem>>
        %dma_start3A_237 = arith.constant 0 : i32
        %dma_start3A_238 = arith.constant 0 : i32
        %dma_start3A_239 = tpu.memref_slice %arg3[%add3A_52, %dma_start3A_237, %dma_start3A_238] : memref<2500x2x128xi32, #tpu.memory_space<hbm>> -> memref<1x2x128xi32, #tpu.memory_space<hbm>>
        %dma_start3A_240 = tpu.memref_squeeze %dma_start3A_239 : memref<1x2x128xi32, #tpu.memory_space<hbm>> -> memref<2x128xi32, #tpu.memory_space<hbm>>
        %dma_start3A_241 = arith.constant 0 : i32
        %dma_start3A_242 = arith.constant 0 : i32
        %dma_start3A_243 = tpu.memref_slice %arg6[%run_scoped3A_53, %dma_start3A_241, %dma_start3A_242] : memref<3x2x128xi32, #tpu.memory_space<vmem>> -> memref<1x2x128xi32, #tpu.memory_space<vmem>>
        %dma_start3A_244 = tpu.memref_squeeze %dma_start3A_243 : memref<1x2x128xi32, #tpu.memory_space<vmem>> -> memref<2x128xi32, #tpu.memory_space<vmem>>
        %dma_start3A_245 = arith.constant 0 : i32
        %dma_start3A_246 = arith.constant 0 : i32
        %dma_start3A_247 = tpu.memref_slice %arg3[%add3A_52, %dma_start3A_245, %dma_start3A_246] : memref<2500x2x128xi32, #tpu.memory_space<hbm>> -> memref<1x2x128xi32, #tpu.memory_space<hbm>>
        %dma_start3A_248 = tpu.memref_squeeze %dma_start3A_247 : memref<1x2x128xi32, #tpu.memory_space<hbm>> -> memref<2x128xi32, #tpu.memory_space<hbm>>
        tpu.enqueue_dma source(%dma_start3A_248 : memref<2x128xi32, #tpu.memory_space<hbm>>) target(%dma_start3A_244 : memref<2x128xi32, #tpu.memory_space<vmem>>) target_semaphore(%run_scoped3A_232 : memref<!tpu.dma_semaphore, #tpu.memory_space<semaphore_mem>>)
        %dma_wait3A_249 = arith.constant 0 : i32
        %dma_wait3A_250 = arith.constant 0 : i32
        %dma_wait3A_251 = tpu.memref_slice %arg6[%run_scoped3A_53, %dma_wait3A_249, %dma_wait3A_250] : memref<3x2x128xi32, #tpu.memory_space<vmem>> -> memref<1x2x128xi32, #tpu.memory_space<vmem>>
        %dma_wait3A_252 = tpu.memref_squeeze %dma_wait3A_251 : memref<1x2x128xi32, #tpu.memory_space<vmem>> -> memref<2x128xi32, #tpu.memory_space<vmem>>
        %dma_wait3A_253 = arith.constant 0 : i32
        %dma_wait3A_254 = arith.constant 0 : i32
        %dma_wait3A_255 = tpu.memref_slice %arg3[%add3A_52, %dma_wait3A_253, %dma_wait3A_254] : memref<2500x2x128xi32, #tpu.memory_space<hbm>> -> memref<1x2x128xi32, #tpu.memory_space<hbm>>
        %dma_wait3A_256 = tpu.memref_squeeze %dma_wait3A_255 : memref<1x2x128xi32, #tpu.memory_space<hbm>> -> memref<2x128xi32, #tpu.memory_space<hbm>>
        %dma_wait3A_257 = arith.constant 0 : i32
        %dma_wait3A_258 = arith.constant 0 : i32
        %dma_wait3A_259 = tpu.memref_slice %arg6[%run_scoped3A_53, %dma_wait3A_257, %dma_wait3A_258] : memref<3x2x128xi32, #tpu.memory_space<vmem>> -> memref<1x2x128xi32, #tpu.memory_space<vmem>>
        %dma_wait3A_260 = tpu.memref_squeeze %dma_wait3A_259 : memref<1x2x128xi32, #tpu.memory_space<vmem>> -> memref<2x128xi32, #tpu.memory_space<vmem>>
        %dma_wait3A_261 = arith.constant 0 : i32
        %dma_wait3A_262 = arith.constant 0 : i32
        %dma_wait3A_263 = tpu.memref_slice %arg3[%add3A_52, %dma_wait3A_261, %dma_wait3A_262] : memref<2500x2x128xi32, #tpu.memory_space<hbm>> -> memref<1x2x128xi32, #tpu.memory_space<hbm>>
        %dma_wait3A_264 = tpu.memref_squeeze %dma_wait3A_263 : memref<1x2x128xi32, #tpu.memory_space<hbm>> -> memref<2x128xi32, #tpu.memory_space<hbm>>
        tpu.wait_dma2 semaphore(%run_scoped3A_232 : memref<!tpu.dma_semaphore, #tpu.memory_space<semaphore_mem>>) src(%dma_wait3A_264 : memref<2x128xi32, #tpu.memory_space<hbm>>) dst(%dma_wait3A_260 : memref<2x128xi32, #tpu.memory_space<vmem>>)
        tpu.yield
      }) : () -> ()
      %dma_start3A_54 = arith.constant 1 : i32
      %dma_start3A_55 = arith.constant 0 : i32
      %dma_start3A_56 = arith.constant 1 : i32
      %dma_start3A_57 = arith.constant 1 : i32
      %dma_start3A_58 = arith.constant 0 : i32
      %dma_start3A_59 = arith.constant 0 : i32
      %dma_start3A_60 = tpu.memref_slice %arg7[%dma_start3A_56, %dma_start3A_58, %dma_start3A_59] : memref<3x128x128xf32, #tpu.memory_space<vmem>> -> memref<1x128x128xf32, #tpu.memory_space<vmem>>
      %dma_start3A_61 = tpu.memref_squeeze %dma_start3A_60 : memref<1x128x128xf32, #tpu.memory_space<vmem>> -> memref<128x128xf32, #tpu.memory_space<vmem>>
      %dma_start3A_62 = arith.constant 0 : i32
      %dma_start3A_63 = tpu.memref_slice %arg6[%dma_start3A_54, %dma_start3A_55, %dma_start3A_62] : memref<3x2x128xi32, #tpu.memory_space<vmem>> -> memref<1x1x128xi32, #tpu.memory_space<vmem>>
      %dma_start3A_64 = tpu.memref_squeeze %dma_start3A_63 : memref<1x1x128xi32, #tpu.memory_space<vmem>> -> memref<128xi32, #tpu.memory_space<vmem>>
      %dma_start3A_65 = arith.constant 0 : i32
      %dma_start3A_66 = arith.constant 0 : i32
      %dma_start3A_67 = tpu.memref_slice %arg2[%dma_start3A_65, %dma_start3A_66] : memref<10000x128xf32, #tpu.memory_space<hbm>> -> memref<10000x128xf32, #tpu.memory_space<hbm>>
      %dma_start3A_68 = tpu.memref_slice %arg8[%dma_start3A_57] : memref<3x!tpu.dma_semaphore, #tpu.memory_space<semaphore_mem>> -> memref<1x!tpu.dma_semaphore, #tpu.memory_space<semaphore_mem>>
      %dma_start3A_69 = tpu.memref_squeeze %dma_start3A_68 : memref<1x!tpu.dma_semaphore, #tpu.memory_space<semaphore_mem>> -> memref<!tpu.dma_semaphore, #tpu.memory_space<semaphore_mem>>
      tpu.enqueue_indirect_dma source(%dma_start3A_67 : memref<10000x128xf32, #tpu.memory_space<hbm>>) target(%dma_start3A_61 : memref<128x128xf32, #tpu.memory_space<vmem>>) offsets(%dma_start3A_64 : memref<128xi32, #tpu.memory_space<vmem>>) semaphore(%dma_start3A_69 : memref<!tpu.dma_semaphore, #tpu.memory_space<semaphore_mem>>)
      %add3A_70 = arith.constant 64 : i32
      %add3A_71 = arith.addi %add3A_33, %add3A_70 : i32
      %run_scoped3A_72 = arith.constant 2 : i32
      "tpu.region"() ({
        %run_scoped3A_232 = tpu.sem_alloc : memref<!tpu.dma_semaphore, #tpu.memory_space<semaphore_mem>>
        %dma_start3A_233 = arith.constant 0 : i32
        %dma_start3A_234 = arith.constant 0 : i32
        %dma_start3A_235 = tpu.memref_slice %arg6[%run_scoped3A_72, %dma_start3A_233, %dma_start3A_234] : memref<3x2x128xi32, #tpu.memory_space<vmem>> -> memref<1x2x128xi32, #tpu.memory_space<vmem>>
        %dma_start3A_236 = tpu.memref_squeeze %dma_start3A_235 : memref<1x2x128xi32, #tpu.memory_space<vmem>> -> memref<2x128xi32, #tpu.memory_space<vmem>>
        %dma_start3A_237 = arith.constant 0 : i32
        %dma_start3A_238 = arith.constant 0 : i32
        %dma_start3A_239 = tpu.memref_slice %arg3[%add3A_71, %dma_start3A_237, %dma_start3A_238] : memref<2500x2x128xi32, #tpu.memory_space<hbm>> -> memref<1x2x128xi32, #tpu.memory_space<hbm>>
        %dma_start3A_240 = tpu.memref_squeeze %dma_start3A_239 : memref<1x2x128xi32, #tpu.memory_space<hbm>> -> memref<2x128xi32, #tpu.memory_space<hbm>>
        %dma_start3A_241 = arith.constant 0 : i32
        %dma_start3A_242 = arith.constant 0 : i32
        %dma_start3A_243 = tpu.memref_slice %arg6[%run_scoped3A_72, %dma_start3A_241, %dma_start3A_242] : memref<3x2x128xi32, #tpu.memory_space<vmem>> -> memref<1x2x128xi32, #tpu.memory_space<vmem>>
        %dma_start3A_244 = tpu.memref_squeeze %dma_start3A_243 : memref<1x2x128xi32, #tpu.memory_space<vmem>> -> memref<2x128xi32, #tpu.memory_space<vmem>>
        %dma_start3A_245 = arith.constant 0 : i32
        %dma_start3A_246 = arith.constant 0 : i32
        %dma_start3A_247 = tpu.memref_slice %arg3[%add3A_71, %dma_start3A_245, %dma_start3A_246] : memref<2500x2x128xi32, #tpu.memory_space<hbm>> -> memref<1x2x128xi32, #tpu.memory_space<hbm>>
        %dma_start3A_248 = tpu.memref_squeeze %dma_start3A_247 : memref<1x2x128xi32, #tpu.memory_space<hbm>> -> memref<2x128xi32, #tpu.memory_space<hbm>>
        tpu.enqueue_dma source(%dma_start3A_248 : memref<2x128xi32, #tpu.memory_space<hbm>>) target(%dma_start3A_244 : memref<2x128xi32, #tpu.memory_space<vmem>>) target_semaphore(%run_scoped3A_232 : memref<!tpu.dma_semaphore, #tpu.memory_space<semaphore_mem>>)
        %dma_wait3A_249 = arith.constant 0 : i32
        %dma_wait3A_250 = arith.constant 0 : i32
        %dma_wait3A_251 = tpu.memref_slice %arg6[%run_scoped3A_72, %dma_wait3A_249, %dma_wait3A_250] : memref<3x2x128xi32, #tpu.memory_space<vmem>> -> memref<1x2x128xi32, #tpu.memory_space<vmem>>
        %dma_wait3A_252 = tpu.memref_squeeze %dma_wait3A_251 : memref<1x2x128xi32, #tpu.memory_space<vmem>> -> memref<2x128xi32, #tpu.memory_space<vmem>>
        %dma_wait3A_253 = arith.constant 0 : i32
        %dma_wait3A_254 = arith.constant 0 : i32
        %dma_wait3A_255 = tpu.memref_slice %arg3[%add3A_71, %dma_wait3A_253, %dma_wait3A_254] : memref<2500x2x128xi32, #tpu.memory_space<hbm>> -> memref<1x2x128xi32, #tpu.memory_space<hbm>>
        %dma_wait3A_256 = tpu.memref_squeeze %dma_wait3A_255 : memref<1x2x128xi32, #tpu.memory_space<hbm>> -> memref<2x128xi32, #tpu.memory_space<hbm>>
        %dma_wait3A_257 = arith.constant 0 : i32
        %dma_wait3A_258 = arith.constant 0 : i32
        %dma_wait3A_259 = tpu.memref_slice %arg6[%run_scoped3A_72, %dma_wait3A_257, %dma_wait3A_258] : memref<3x2x128xi32, #tpu.memory_space<vmem>> -> memref<1x2x128xi32, #tpu.memory_space<vmem>>
        %dma_wait3A_260 = tpu.memref_squeeze %dma_wait3A_259 : memref<1x2x128xi32, #tpu.memory_space<vmem>> -> memref<2x128xi32, #tpu.memory_space<vmem>>
        %dma_wait3A_261 = arith.constant 0 : i32
        %dma_wait3A_262 = arith.constant 0 : i32
        %dma_wait3A_263 = tpu.memref_slice %arg3[%add3A_71, %dma_wait3A_261, %dma_wait3A_262] : memref<2500x2x128xi32, #tpu.memory_space<hbm>> -> memref<1x2x128xi32, #tpu.memory_space<hbm>>
        %dma_wait3A_264 = tpu.memref_squeeze %dma_wait3A_263 : memref<1x2x128xi32, #tpu.memory_space<hbm>> -> memref<2x128xi32, #tpu.memory_space<hbm>>
        tpu.wait_dma2 semaphore(%run_scoped3A_232 : memref<!tpu.dma_semaphore, #tpu.memory_space<semaphore_mem>>) src(%dma_wait3A_264 : memref<2x128xi32, #tpu.memory_space<hbm>>) dst(%dma_wait3A_260 : memref<2x128xi32, #tpu.memory_space<vmem>>)
        tpu.yield
      }) : () -> ()
      %dma_start3A_73 = arith.constant 2 : i32
      %dma_start3A_74 = arith.constant 0 : i32
      %dma_start3A_75 = arith.constant 2 : i32
      %dma_start3A_76 = arith.constant 2 : i32
      %dma_start3A_77 = arith.constant 0 : i32
      %dma_start3A_78 = arith.constant 0 : i32
      %dma_start3A_79 = tpu.memref_slice %arg7[%dma_start3A_75, %dma_start3A_77, %dma_start3A_78] : memref<3x128x128xf32, #tpu.memory_space<vmem>> -> memref<1x128x128xf32, #tpu.memory_space<vmem>>
      %dma_start3A_80 = tpu.memref_squeeze %dma_start3A_79 : memref<1x128x128xf32, #tpu.memory_space<vmem>> -> memref<128x128xf32, #tpu.memory_space<vmem>>
      %dma_start3A_81 = arith.constant 0 : i32
      %dma_start3A_82 = tpu.memref_slice %arg6[%dma_start3A_73, %dma_start3A_74, %dma_start3A_81] : memref<3x2x128xi32, #tpu.memory_space<vmem>> -> memref<1x1x128xi32, #tpu.memory_space<vmem>>
      %dma_start3A_83 = tpu.memref_squeeze %dma_start3A_82 : memref<1x1x128xi32, #tpu.memory_space<vmem>> -> memref<128xi32, #tpu.memory_space<vmem>>
      %dma_start3A_84 = arith.constant 0 : i32
      %dma_start3A_85 = arith.constant 0 : i32
      %dma_start3A_86 = tpu.memref_slice %arg2[%dma_start3A_84, %dma_start3A_85] : memref<10000x128xf32, #tpu.memory_space<hbm>> -> memref<10000x128xf32, #tpu.memory_space<hbm>>
      %dma_start3A_87 = tpu.memref_slice %arg8[%dma_start3A_76] : memref<3x!tpu.dma_semaphore, #tpu.memory_space<semaphore_mem>> -> memref<1x!tpu.dma_semaphore, #tpu.memory_space<semaphore_mem>>
      %dma_start3A_88 = tpu.memref_squeeze %dma_start3A_87 : memref<1x!tpu.dma_semaphore, #tpu.memory_space<semaphore_mem>> -> memref<!tpu.dma_semaphore, #tpu.memory_space<semaphore_mem>>
      tpu.enqueue_indirect_dma source(%dma_start3A_86 : memref<10000x128xf32, #tpu.memory_space<hbm>>) target(%dma_start3A_80 : memref<128x128xf32, #tpu.memory_space<vmem>>) offsets(%dma_start3A_83 : memref<128xi32, #tpu.memory_space<vmem>>) semaphore(%dma_start3A_88 : memref<!tpu.dma_semaphore, #tpu.memory_space<semaphore_mem>>)
      %dma_wait3A = arith.constant 0 : i32
      %dma_wait3A_89 = arith.constant 0 : i32
      %dma_wait3A_90 = arith.constant 0 : i32
      %dma_wait3A_91 = arith.constant 0 : i32
      %dma_wait3A_92 = arith.constant 0 : i32
      %dma_wait3A_93 = arith.constant 0 : i32
      %dma_wait3A_94 = tpu.memref_slice %arg7[%dma_wait3A_90, %dma_wait3A_92, %dma_wait3A_93] : memref<3x128x128xf32, #tpu.memory_space<vmem>> -> memref<1x128x128xf32, #tpu.memory_space<vmem>>
      %dma_wait3A_95 = tpu.memref_squeeze %dma_wait3A_94 : memref<1x128x128xf32, #tpu.memory_space<vmem>> -> memref<128x128xf32, #tpu.memory_space<vmem>>
      %dma_wait3A_96 = arith.constant 0 : i32
      %dma_wait3A_97 = tpu.memref_slice %arg6[%dma_wait3A, %dma_wait3A_89, %dma_wait3A_96] : memref<3x2x128xi32, #tpu.memory_space<vmem>> -> memref<1x1x128xi32, #tpu.memory_space<vmem>>
      %dma_wait3A_98 = tpu.memref_squeeze %dma_wait3A_97 : memref<1x1x128xi32, #tpu.memory_space<vmem>> -> memref<128xi32, #tpu.memory_space<vmem>>
      %dma_wait3A_99 = arith.constant 0 : i32
      %dma_wait3A_100 = arith.constant 0 : i32
      %dma_wait3A_101 = tpu.memref_slice %arg2[%dma_wait3A_99, %dma_wait3A_100] : memref<10000x128xf32, #tpu.memory_space<hbm>> -> memref<10000x128xf32, #tpu.memory_space<hbm>>
      %dma_wait3A_102 = tpu.memref_slice %arg8[%dma_wait3A_91] : memref<3x!tpu.dma_semaphore, #tpu.memory_space<semaphore_mem>> -> memref<1x!tpu.dma_semaphore, #tpu.memory_space<semaphore_mem>>
      %dma_wait3A_103 = tpu.memref_squeeze %dma_wait3A_102 : memref<1x!tpu.dma_semaphore, #tpu.memory_space<semaphore_mem>> -> memref<!tpu.dma_semaphore, #tpu.memory_space<semaphore_mem>>
      tpu.wait_indirect_dma semaphore(%dma_wait3A_103 : memref<!tpu.dma_semaphore, #tpu.memory_space<semaphore_mem>>) src(%dma_wait3A_101 : memref<10000x128xf32, #tpu.memory_space<hbm>>) dst(%dma_wait3A_95 : memref<128x128xf32, #tpu.memory_space<vmem>>)
      %dma_start3A_104 = arith.constant 0 : i32
      %dma_start3A_105 = arith.constant 0 : i32
      %dma_start3A_106 = arith.constant 1 : i32
      %dma_start3A_107 = arith.constant 0 : i32
      %dma_start3A_108 = arith.constant 0 : i32
      %dma_start3A_109 = arith.constant 0 : i32
      %dma_start3A_110 = tpu.memref_slice %arg7[%dma_start3A_104, %dma_start3A_108, %dma_start3A_109] : memref<3x128x128xf32, #tpu.memory_space<vmem>> -> memref<1x128x128xf32, #tpu.memory_space<vmem>>
      %dma_start3A_111 = tpu.memref_squeeze %dma_start3A_110 : memref<1x128x128xf32, #tpu.memory_space<vmem>> -> memref<128x128xf32, #tpu.memory_space<vmem>>
      %dma_start3A_112 = arith.constant 0 : i32
      %dma_start3A_113 = tpu.memref_slice %arg6[%dma_start3A_105, %dma_start3A_106, %dma_start3A_112] : memref<3x2x128xi32, #tpu.memory_space<vmem>> -> memref<1x1x128xi32, #tpu.memory_space<vmem>>
      %dma_start3A_114 = tpu.memref_squeeze %dma_start3A_113 : memref<1x1x128xi32, #tpu.memory_space<vmem>> -> memref<128xi32, #tpu.memory_space<vmem>>
      %dma_start3A_115 = arith.constant 0 : i32
      %dma_start3A_116 = arith.constant 0 : i32
      %dma_start3A_117 = tpu.memref_slice %arg5[%dma_start3A_115, %dma_start3A_116] : memref<10000x128xf32, #tpu.memory_space<vmem_shared>> -> memref<10000x128xf32, #tpu.memory_space<vmem_shared>>
      %dma_start3A_118 = tpu.memref_slice %arg9[%dma_start3A_107] : memref<3x!tpu.dma_semaphore, #tpu.memory_space<semaphore_mem>> -> memref<1x!tpu.dma_semaphore, #tpu.memory_space<semaphore_mem>>
      %dma_start3A_119 = tpu.memref_squeeze %dma_start3A_118 : memref<1x!tpu.dma_semaphore, #tpu.memory_space<semaphore_mem>> -> memref<!tpu.dma_semaphore, #tpu.memory_space<semaphore_mem>>
      tpu.enqueue_indirect_dma source(%dma_start3A_111 : memref<128x128xf32, #tpu.memory_space<vmem>>) target(%dma_start3A_117 : memref<10000x128xf32, #tpu.memory_space<vmem_shared>>) offsets(%dma_start3A_114 : memref<128xi32, #tpu.memory_space<vmem>>) semaphore(%dma_start3A_119 : memref<!tpu.dma_semaphore, #tpu.memory_space<semaphore_mem>>) {add = true}
      %dma_wait3A_120 = arith.constant 1 : i32
      %dma_wait3A_121 = arith.constant 0 : i32
      %dma_wait3A_122 = arith.constant 1 : i32
      %dma_wait3A_123 = arith.constant 1 : i32
      %dma_wait3A_124 = arith.constant 0 : i32
      %dma_wait3A_125 = arith.constant 0 : i32
      %dma_wait3A_126 = tpu.memref_slice %arg7[%dma_wait3A_122, %dma_wait3A_124, %dma_wait3A_125] : memref<3x128x128xf32, #tpu.memory_space<vmem>> -> memref<1x128x128xf32, #tpu.memory_space<vmem>>
      %dma_wait3A_127 = tpu.memref_squeeze %dma_wait3A_126 : memref<1x128x128xf32, #tpu.memory_space<vmem>> -> memref<128x128xf32, #tpu.memory_space<vmem>>
      %dma_wait3A_128 = arith.constant 0 : i32
      %dma_wait3A_129 = tpu.memref_slice %arg6[%dma_wait3A_120, %dma_wait3A_121, %dma_wait3A_128] : memref<3x2x128xi32, #tpu.memory_space<vmem>> -> memref<1x1x128xi32, #tpu.memory_space<vmem>>
      %dma_wait3A_130 = tpu.memref_squeeze %dma_wait3A_129 : memref<1x1x128xi32, #tpu.memory_space<vmem>> -> memref<128xi32, #tpu.memory_space<vmem>>
      %dma_wait3A_131 = arith.constant 0 : i32
      %dma_wait3A_132 = arith.constant 0 : i32
      %dma_wait3A_133 = tpu.memref_slice %arg2[%dma_wait3A_131, %dma_wait3A_132] : memref<10000x128xf32, #tpu.memory_space<hbm>> -> memref<10000x128xf32, #tpu.memory_space<hbm>>
      %dma_wait3A_134 = tpu.memref_slice %arg8[%dma_wait3A_123] : memref<3x!tpu.dma_semaphore, #tpu.memory_space<semaphore_mem>> -> memref<1x!tpu.dma_semaphore, #tpu.memory_space<semaphore_mem>>
      %dma_wait3A_135 = tpu.memref_squeeze %dma_wait3A_134 : memref<1x!tpu.dma_semaphore, #tpu.memory_space<semaphore_mem>> -> memref<!tpu.dma_semaphore, #tpu.memory_space<semaphore_mem>>
      tpu.wait_indirect_dma semaphore(%dma_wait3A_135 : memref<!tpu.dma_semaphore, #tpu.memory_space<semaphore_mem>>) src(%dma_wait3A_133 : memref<10000x128xf32, #tpu.memory_space<hbm>>) dst(%dma_wait3A_127 : memref<128x128xf32, #tpu.memory_space<vmem>>)
      %dma_start3A_136 = arith.constant 1 : i32
      %dma_start3A_137 = arith.constant 1 : i32
      %dma_start3A_138 = arith.constant 1 : i32
      %dma_start3A_139 = arith.constant 1 : i32
      %dma_start3A_140 = arith.constant 0 : i32
      %dma_start3A_141 = arith.constant 0 : i32
      %dma_start3A_142 = tpu.memref_slice %arg7[%dma_start3A_136, %dma_start3A_140, %dma_start3A_141] : memref<3x128x128xf32, #tpu.memory_space<vmem>> -> memref<1x128x128xf32, #tpu.memory_space<vmem>>
      %dma_start3A_143 = tpu.memref_squeeze %dma_start3A_142 : memref<1x128x128xf32, #tpu.memory_space<vmem>> -> memref<128x128xf32, #tpu.memory_space<vmem>>
      %dma_start3A_144 = arith.constant 0 : i32
      %dma_start3A_145 = tpu.memref_slice %arg6[%dma_start3A_137, %dma_start3A_138, %dma_start3A_144] : memref<3x2x128xi32, #tpu.memory_space<vmem>> -> memref<1x1x128xi32, #tpu.memory_space<vmem>>
      %dma_start3A_146 = tpu.memref_squeeze %dma_start3A_145 : memref<1x1x128xi32, #tpu.memory_space<vmem>> -> memref<128xi32, #tpu.memory_space<vmem>>
      %dma_start3A_147 = arith.constant 0 : i32
      %dma_start3A_148 = arith.constant 0 : i32
      %dma_start3A_149 = tpu.memref_slice %arg5[%dma_start3A_147, %dma_start3A_148] : memref<10000x128xf32, #tpu.memory_space<vmem_shared>> -> memref<10000x128xf32, #tpu.memory_space<vmem_shared>>
      %dma_start3A_150 = tpu.memref_slice %arg9[%dma_start3A_139] : memref<3x!tpu.dma_semaphore, #tpu.memory_space<semaphore_mem>> -> memref<1x!tpu.dma_semaphore, #tpu.memory_space<semaphore_mem>>
      %dma_start3A_151 = tpu.memref_squeeze %dma_start3A_150 : memref<1x!tpu.dma_semaphore, #tpu.memory_space<semaphore_mem>> -> memref<!tpu.dma_semaphore, #tpu.memory_space<semaphore_mem>>
      tpu.enqueue_indirect_dma source(%dma_start3A_143 : memref<128x128xf32, #tpu.memory_space<vmem>>) target(%dma_start3A_149 : memref<10000x128xf32, #tpu.memory_space<vmem_shared>>) offsets(%dma_start3A_146 : memref<128xi32, #tpu.memory_space<vmem>>) semaphore(%dma_start3A_151 : memref<!tpu.dma_semaphore, #tpu.memory_space<semaphore_mem>>) {add = true}
      %dma_wait3A_152 = arith.constant 2 : i32
      %dma_wait3A_153 = arith.constant 0 : i32
      %dma_wait3A_154 = arith.constant 2 : i32
      %dma_wait3A_155 = arith.constant 2 : i32
      %dma_wait3A_156 = arith.constant 0 : i32
      %dma_wait3A_157 = arith.constant 0 : i32
      %dma_wait3A_158 = tpu.memref_slice %arg7[%dma_wait3A_154, %dma_wait3A_156, %dma_wait3A_157] : memref<3x128x128xf32, #tpu.memory_space<vmem>> -> memref<1x128x128xf32, #tpu.memory_space<vmem>>
      %dma_wait3A_159 = tpu.memref_squeeze %dma_wait3A_158 : memref<1x128x128xf32, #tpu.memory_space<vmem>> -> memref<128x128xf32, #tpu.memory_space<vmem>>
      %dma_wait3A_160 = arith.constant 0 : i32
      %dma_wait3A_161 = tpu.memref_slice %arg6[%dma_wait3A_152, %dma_wait3A_153, %dma_wait3A_160] : memref<3x2x128xi32, #tpu.memory_space<vmem>> -> memref<1x1x128xi32, #tpu.memory_space<vmem>>
      %dma_wait3A_162 = tpu.memref_squeeze %dma_wait3A_161 : memref<1x1x128xi32, #tpu.memory_space<vmem>> -> memref<128xi32, #tpu.memory_space<vmem>>
      %dma_wait3A_163 = arith.constant 0 : i32
      %dma_wait3A_164 = arith.constant 0 : i32
      %dma_wait3A_165 = tpu.memref_slice %arg2[%dma_wait3A_163, %dma_wait3A_164] : memref<10000x128xf32, #tpu.memory_space<hbm>> -> memref<10000x128xf32, #tpu.memory_space<hbm>>
      %dma_wait3A_166 = tpu.memref_slice %arg8[%dma_wait3A_155] : memref<3x!tpu.dma_semaphore, #tpu.memory_space<semaphore_mem>> -> memref<1x!tpu.dma_semaphore, #tpu.memory_space<semaphore_mem>>
      %dma_wait3A_167 = tpu.memref_squeeze %dma_wait3A_166 : memref<1x!tpu.dma_semaphore, #tpu.memory_space<semaphore_mem>> -> memref<!tpu.dma_semaphore, #tpu.memory_space<semaphore_mem>>
      tpu.wait_indirect_dma semaphore(%dma_wait3A_167 : memref<!tpu.dma_semaphore, #tpu.memory_space<semaphore_mem>>) src(%dma_wait3A_165 : memref<10000x128xf32, #tpu.memory_space<hbm>>) dst(%dma_wait3A_159 : memref<128x128xf32, #tpu.memory_space<vmem>>)
      %dma_start3A_168 = arith.constant 2 : i32
      %dma_start3A_169 = arith.constant 2 : i32
      %dma_start3A_170 = arith.constant 1 : i32
      %dma_start3A_171 = arith.constant 2 : i32
      %dma_start3A_172 = arith.constant 0 : i32
      %dma_start3A_173 = arith.constant 0 : i32
      %dma_start3A_174 = tpu.memref_slice %arg7[%dma_start3A_168, %dma_start3A_172, %dma_start3A_173] : memref<3x128x128xf32, #tpu.memory_space<vmem>> -> memref<1x128x128xf32, #tpu.memory_space<vmem>>
      %dma_start3A_175 = tpu.memref_squeeze %dma_start3A_174 : memref<1x128x128xf32, #tpu.memory_space<vmem>> -> memref<128x128xf32, #tpu.memory_space<vmem>>
      %dma_start3A_176 = arith.constant 0 : i32
      %dma_start3A_177 = tpu.memref_slice %arg6[%dma_start3A_169, %dma_start3A_170, %dma_start3A_176] : memref<3x2x128xi32, #tpu.memory_space<vmem>> -> memref<1x1x128xi32, #tpu.memory_space<vmem>>
      %dma_start3A_178 = tpu.memref_squeeze %dma_start3A_177 : memref<1x1x128xi32, #tpu.memory_space<vmem>> -> memref<128xi32, #tpu.memory_space<vmem>>
      %dma_start3A_179 = arith.constant 0 : i32
      %dma_start3A_180 = arith.constant 0 : i32
      %dma_start3A_181 = tpu.memref_slice %arg5[%dma_start3A_179, %dma_start3A_180] : memref<10000x128xf32, #tpu.memory_space<vmem_shared>> -> memref<10000x128xf32, #tpu.memory_space<vmem_shared>>
      %dma_start3A_182 = tpu.memref_slice %arg9[%dma_start3A_171] : memref<3x!tpu.dma_semaphore, #tpu.memory_space<semaphore_mem>> -> memref<1x!tpu.dma_semaphore, #tpu.memory_space<semaphore_mem>>
      %dma_start3A_183 = tpu.memref_squeeze %dma_start3A_182 : memref<1x!tpu.dma_semaphore, #tpu.memory_space<semaphore_mem>> -> memref<!tpu.dma_semaphore, #tpu.memory_space<semaphore_mem>>
      tpu.enqueue_indirect_dma source(%dma_start3A_175 : memref<128x128xf32, #tpu.memory_space<vmem>>) target(%dma_start3A_181 : memref<10000x128xf32, #tpu.memory_space<vmem_shared>>) offsets(%dma_start3A_178 : memref<128xi32, #tpu.memory_space<vmem>>) semaphore(%dma_start3A_183 : memref<!tpu.dma_semaphore, #tpu.memory_space<semaphore_mem>>) {add = true}
      %dma_wait3A_184 = arith.constant 0 : i32
      %dma_wait3A_185 = arith.constant 0 : i32
      %dma_wait3A_186 = arith.constant 1 : i32
      %dma_wait3A_187 = arith.constant 0 : i32
      %dma_wait3A_188 = arith.constant 0 : i32
      %dma_wait3A_189 = arith.constant 0 : i32
      %dma_wait3A_190 = tpu.memref_slice %arg7[%dma_wait3A_184, %dma_wait3A_188, %dma_wait3A_189] : memref<3x128x128xf32, #tpu.memory_space<vmem>> -> memref<1x128x128xf32, #tpu.memory_space<vmem>>
      %dma_wait3A_191 = tpu.memref_squeeze %dma_wait3A_190 : memref<1x128x128xf32, #tpu.memory_space<vmem>> -> memref<128x128xf32, #tpu.memory_space<vmem>>
      %dma_wait3A_192 = arith.constant 0 : i32
      %dma_wait3A_193 = tpu.memref_slice %arg6[%dma_wait3A_185, %dma_wait3A_186, %dma_wait3A_192] : memref<3x2x128xi32, #tpu.memory_space<vmem>> -> memref<1x1x128xi32, #tpu.memory_space<vmem>>
      %dma_wait3A_194 = tpu.memref_squeeze %dma_wait3A_193 : memref<1x1x128xi32, #tpu.memory_space<vmem>> -> memref<128xi32, #tpu.memory_space<vmem>>
      %dma_wait3A_195 = arith.constant 0 : i32
      %dma_wait3A_196 = arith.constant 0 : i32
      %dma_wait3A_197 = tpu.memref_slice %arg5[%dma_wait3A_195, %dma_wait3A_196] : memref<10000x128xf32, #tpu.memory_space<vmem_shared>> -> memref<10000x128xf32, #tpu.memory_space<vmem_shared>>
      %dma_wait3A_198 = tpu.memref_slice %arg9[%dma_wait3A_187] : memref<3x!tpu.dma_semaphore, #tpu.memory_space<semaphore_mem>> -> memref<1x!tpu.dma_semaphore, #tpu.memory_space<semaphore_mem>>
      %dma_wait3A_199 = tpu.memref_squeeze %dma_wait3A_198 : memref<1x!tpu.dma_semaphore, #tpu.memory_space<semaphore_mem>> -> memref<!tpu.dma_semaphore, #tpu.memory_space<semaphore_mem>>
      tpu.wait_indirect_dma semaphore(%dma_wait3A_199 : memref<!tpu.dma_semaphore, #tpu.memory_space<semaphore_mem>>) src(%dma_wait3A_191 : memref<128x128xf32, #tpu.memory_space<vmem>>) dst(%dma_wait3A_197 : memref<10000x128xf32, #tpu.memory_space<vmem_shared>>)
      %dma_wait3A_200 = arith.constant 1 : i32
      %dma_wait3A_201 = arith.constant 1 : i32
      %dma_wait3A_202 = arith.constant 1 : i32
      %dma_wait3A_203 = arith.constant 1 : i32
      %dma_wait3A_204 = arith.constant 0 : i32
      %dma_wait3A_205 = arith.constant 0 : i32
      %dma_wait3A_206 = tpu.memref_slice %arg7[%dma_wait3A_200, %dma_wait3A_204, %dma_wait3A_205] : memref<3x128x128xf32, #tpu.memory_space<vmem>> -> memref<1x128x128xf32, #tpu.memory_space<vmem>>
      %dma_wait3A_207 = tpu.memref_squeeze %dma_wait3A_206 : memref<1x128x128xf32, #tpu.memory_space<vmem>> -> memref<128x128xf32, #tpu.memory_space<vmem>>
      %dma_wait3A_208 = arith.constant 0 : i32
      %dma_wait3A_209 = tpu.memref_slice %arg6[%dma_wait3A_201, %dma_wait3A_202, %dma_wait3A_208] : memref<3x2x128xi32, #tpu.memory_space<vmem>> -> memref<1x1x128xi32, #tpu.memory_space<vmem>>
      %dma_wait3A_210 = tpu.memref_squeeze %dma_wait3A_209 : memref<1x1x128xi32, #tpu.memory_space<vmem>> -> memref<128xi32, #tpu.memory_space<vmem>>
      %dma_wait3A_211 = arith.constant 0 : i32
      %dma_wait3A_212 = arith.constant 0 : i32
      %dma_wait3A_213 = tpu.memref_slice %arg5[%dma_wait3A_211, %dma_wait3A_212] : memref<10000x128xf32, #tpu.memory_space<vmem_shared>> -> memref<10000x128xf32, #tpu.memory_space<vmem_shared>>
      %dma_wait3A_214 = tpu.memref_slice %arg9[%dma_wait3A_203] : memref<3x!tpu.dma_semaphore, #tpu.memory_space<semaphore_mem>> -> memref<1x!tpu.dma_semaphore, #tpu.memory_space<semaphore_mem>>
      %dma_wait3A_215 = tpu.memref_squeeze %dma_wait3A_214 : memref<1x!tpu.dma_semaphore, #tpu.memory_space<semaphore_mem>> -> memref<!tpu.dma_semaphore, #tpu.memory_space<semaphore_mem>>
      tpu.wait_indirect_dma semaphore(%dma_wait3A_215 : memref<!tpu.dma_semaphore, #tpu.memory_space<semaphore_mem>>) src(%dma_wait3A_207 : memref<128x128xf32, #tpu.memory_space<vmem>>) dst(%dma_wait3A_213 : memref<10000x128xf32, #tpu.memory_space<vmem_shared>>)
      %dma_wait3A_216 = arith.constant 2 : i32
      %dma_wait3A_217 = arith.constant 2 : i32
      %dma_wait3A_218 = arith.constant 1 : i32
      %dma_wait3A_219 = arith.constant 2 : i32
      %dma_wait3A_220 = arith.constant 0 : i32
      %dma_wait3A_221 = arith.constant 0 : i32
      %dma_wait3A_222 = tpu.memref_slice %arg7[%dma_wait3A_216, %dma_wait3A_220, %dma_wait3A_221] : memref<3x128x128xf32, #tpu.memory_space<vmem>> -> memref<1x128x128xf32, #tpu.memory_space<vmem>>
      %dma_wait3A_223 = tpu.memref_squeeze %dma_wait3A_222 : memref<1x128x128xf32, #tpu.memory_space<vmem>> -> memref<128x128xf32, #tpu.memory_space<vmem>>
      %dma_wait3A_224 = arith.constant 0 : i32
      %dma_wait3A_225 = tpu.memref_slice %arg6[%dma_wait3A_217, %dma_wait3A_218, %dma_wait3A_224] : memref<3x2x128xi32, #tpu.memory_space<vmem>> -> memref<1x1x128xi32, #tpu.memory_space<vmem>>
      %dma_wait3A_226 = tpu.memref_squeeze %dma_wait3A_225 : memref<1x1x128xi32, #tpu.memory_space<vmem>> -> memref<128xi32, #tpu.memory_space<vmem>>
      %dma_wait3A_227 = arith.constant 0 : i32
      %dma_wait3A_228 = arith.constant 0 : i32
      %dma_wait3A_229 = tpu.memref_slice %arg5[%dma_wait3A_227, %dma_wait3A_228] : memref<10000x128xf32, #tpu.memory_space<vmem_shared>> -> memref<10000x128xf32, #tpu.memory_space<vmem_shared>>
      %dma_wait3A_230 = tpu.memref_slice %arg9[%dma_wait3A_219] : memref<3x!tpu.dma_semaphore, #tpu.memory_space<semaphore_mem>> -> memref<1x!tpu.dma_semaphore, #tpu.memory_space<semaphore_mem>>
      %dma_wait3A_231 = tpu.memref_squeeze %dma_wait3A_230 : memref<1x!tpu.dma_semaphore, #tpu.memory_space<semaphore_mem>> -> memref<!tpu.dma_semaphore, #tpu.memory_space<semaphore_mem>>
      tpu.wait_indirect_dma semaphore(%dma_wait3A_231 : memref<!tpu.dma_semaphore, #tpu.memory_space<semaphore_mem>>) src(%dma_wait3A_223 : memref<128x128xf32, #tpu.memory_space<vmem>>) dst(%dma_wait3A_229 : memref<10000x128xf32, #tpu.memory_space<vmem_shared>>)
    }
    %scan3A_15 = arith.constant 26 : i32
    %lt3A = arith.constant 4 : i32
    %lt3A_16 = arith.cmpi slt, %add3A, %lt3A : i32
    %convert_element_type3A = arith.extui %lt3A_16 : i1 to i32
    %cond3A = arith.constant 0 : i32
    %cond3A_17 = arith.cmpi ne, %convert_element_type3A, %cond3A : i32
    scf.if %cond3A_17 {
      %add3A_24 = arith.constant 2496 : i32
      %add3A_25 = arith.addi %add3A_24, %add3A : i32
      %run_scoped3A = arith.constant 0 : i32
      "tpu.region"() ({
        %run_scoped3A_59 = tpu.sem_alloc : memref<!tpu.dma_semaphore, #tpu.memory_space<semaphore_mem>>
        %dma_start3A_60 = arith.constant 0 : i32
        %dma_start3A_61 = arith.constant 0 : i32
        %dma_start3A_62 = tpu.memref_slice %arg6[%run_scoped3A, %dma_start3A_60, %dma_start3A_61] : memref<3x2x128xi32, #tpu.memory_space<vmem>> -> memref<1x2x128xi32, #tpu.memory_space<vmem>>
        %dma_start3A_63 = tpu.memref_squeeze %dma_start3A_62 : memref<1x2x128xi32, #tpu.memory_space<vmem>> -> memref<2x128xi32, #tpu.memory_space<vmem>>
        %dma_start3A_64 = arith.constant 0 : i32
        %dma_start3A_65 = arith.constant 0 : i32
        %dma_start3A_66 = tpu.memref_slice %arg3[%add3A_25, %dma_start3A_64, %dma_start3A_65] : memref<2500x2x128xi32, #tpu.memory_space<hbm>> -> memref<1x2x128xi32, #tpu.memory_space<hbm>>
        %dma_start3A_67 = tpu.memref_squeeze %dma_start3A_66 : memref<1x2x128xi32, #tpu.memory_space<hbm>> -> memref<2x128xi32, #tpu.memory_space<hbm>>
        %dma_start3A_68 = arith.constant 0 : i32
        %dma_start3A_69 = arith.constant 0 : i32
        %dma_start3A_70 = tpu.memref_slice %arg6[%run_scoped3A, %dma_start3A_68, %dma_start3A_69] : memref<3x2x128xi32, #tpu.memory_space<vmem>> -> memref<1x2x128xi32, #tpu.memory_space<vmem>>
        %dma_start3A_71 = tpu.memref_squeeze %dma_start3A_70 : memref<1x2x128xi32, #tpu.memory_space<vmem>> -> memref<2x128xi32, #tpu.memory_space<vmem>>
        %dma_start3A_72 = arith.constant 0 : i32
        %dma_start3A_73 = arith.constant 0 : i32
        %dma_start3A_74 = tpu.memref_slice %arg3[%add3A_25, %dma_start3A_72, %dma_start3A_73] : memref<2500x2x128xi32, #tpu.memory_space<hbm>> -> memref<1x2x128xi32, #tpu.memory_space<hbm>>
        %dma_start3A_75 = tpu.memref_squeeze %dma_start3A_74 : memref<1x2x128xi32, #tpu.memory_space<hbm>> -> memref<2x128xi32, #tpu.memory_space<hbm>>
        tpu.enqueue_dma source(%dma_start3A_75 : memref<2x128xi32, #tpu.memory_space<hbm>>) target(%dma_start3A_71 : memref<2x128xi32, #tpu.memory_space<vmem>>) target_semaphore(%run_scoped3A_59 : memref<!tpu.dma_semaphore, #tpu.memory_space<semaphore_mem>>)
        %dma_wait3A_76 = arith.constant 0 : i32
        %dma_wait3A_77 = arith.constant 0 : i32
        %dma_wait3A_78 = tpu.memref_slice %arg6[%run_scoped3A, %dma_wait3A_76, %dma_wait3A_77] : memref<3x2x128xi32, #tpu.memory_space<vmem>> -> memref<1x2x128xi32, #tpu.memory_space<vmem>>
        %dma_wait3A_79 = tpu.memref_squeeze %dma_wait3A_78 : memref<1x2x128xi32, #tpu.memory_space<vmem>> -> memref<2x128xi32, #tpu.memory_space<vmem>>
        %dma_wait3A_80 = arith.constant 0 : i32
        %dma_wait3A_81 = arith.constant 0 : i32
        %dma_wait3A_82 = tpu.memref_slice %arg3[%add3A_25, %dma_wait3A_80, %dma_wait3A_81] : memref<2500x2x128xi32, #tpu.memory_space<hbm>> -> memref<1x2x128xi32, #tpu.memory_space<hbm>>
        %dma_wait3A_83 = tpu.memref_squeeze %dma_wait3A_82 : memref<1x2x128xi32, #tpu.memory_space<hbm>> -> memref<2x128xi32, #tpu.memory_space<hbm>>
        %dma_wait3A_84 = arith.constant 0 : i32
        %dma_wait3A_85 = arith.constant 0 : i32
        %dma_wait3A_86 = tpu.memref_slice %arg6[%run_scoped3A, %dma_wait3A_84, %dma_wait3A_85] : memref<3x2x128xi32, #tpu.memory_space<vmem>> -> memref<1x2x128xi32, #tpu.memory_space<vmem>>
        %dma_wait3A_87 = tpu.memref_squeeze %dma_wait3A_86 : memref<1x2x128xi32, #tpu.memory_space<vmem>> -> memref<2x128xi32, #tpu.memory_space<vmem>>
        %dma_wait3A_88 = arith.constant 0 : i32
        %dma_wait3A_89 = arith.constant 0 : i32
        %dma_wait3A_90 = tpu.memref_slice %arg3[%add3A_25, %dma_wait3A_88, %dma_wait3A_89] : memref<2500x2x128xi32, #tpu.memory_space<hbm>> -> memref<1x2x128xi32, #tpu.memory_space<hbm>>
        %dma_wait3A_91 = tpu.memref_squeeze %dma_wait3A_90 : memref<1x2x128xi32, #tpu.memory_space<hbm>> -> memref<2x128xi32, #tpu.memory_space<hbm>>
        tpu.wait_dma2 semaphore(%run_scoped3A_59 : memref<!tpu.dma_semaphore, #tpu.memory_space<semaphore_mem>>) src(%dma_wait3A_91 : memref<2x128xi32, #tpu.memory_space<hbm>>) dst(%dma_wait3A_87 : memref<2x128xi32, #tpu.memory_space<vmem>>)
        tpu.yield
      }) : () -> ()
      %dma_start3A = arith.constant 0 : i32
      %dma_start3A_26 = arith.constant 0 : i32
      %dma_start3A_27 = arith.constant 0 : i32
      %dma_start3A_28 = arith.constant 0 : i32
      %dma_start3A_29 = arith.constant 0 : i32
      %dma_start3A_30 = arith.constant 0 : i32
      %dma_start3A_31 = tpu.memref_slice %arg7[%dma_start3A_27, %dma_start3A_29, %dma_start3A_30] : memref<3x128x128xf32, #tpu.memory_space<vmem>> -> memref<1x128x128xf32, #tpu.memory_space<vmem>>
      %dma_start3A_32 = tpu.memref_squeeze %dma_start3A_31 : memref<1x128x128xf32, #tpu.memory_space<vmem>> -> memref<128x128xf32, #tpu.memory_space<vmem>>
      %dma_start3A_33 = arith.constant 0 : i32
      %dma_start3A_34 = tpu.memref_slice %arg6[%dma_start3A, %dma_start3A_26, %dma_start3A_33] : memref<3x2x128xi32, #tpu.memory_space<vmem>> -> memref<1x1x128xi32, #tpu.memory_space<vmem>>
      %dma_start3A_35 = tpu.memref_squeeze %dma_start3A_34 : memref<1x1x128xi32, #tpu.memory_space<vmem>> -> memref<128xi32, #tpu.memory_space<vmem>>
      %dma_start3A_36 = arith.constant 0 : i32
      %dma_start3A_37 = arith.constant 0 : i32
      %dma_start3A_38 = tpu.memref_slice %arg2[%dma_start3A_36, %dma_start3A_37] : memref<10000x128xf32, #tpu.memory_space<hbm>> -> memref<10000x128xf32, #tpu.memory_space<hbm>>
      %dma_start3A_39 = tpu.memref_slice %arg8[%dma_start3A_28] : memref<3x!tpu.dma_semaphore, #tpu.memory_space<semaphore_mem>> -> memref<1x!tpu.dma_semaphore, #tpu.memory_space<semaphore_mem>>
      %dma_start3A_40 = tpu.memref_squeeze %dma_start3A_39 : memref<1x!tpu.dma_semaphore, #tpu.memory_space<semaphore_mem>> -> memref<!tpu.dma_semaphore, #tpu.memory_space<semaphore_mem>>
      tpu.enqueue_indirect_dma source(%dma_start3A_38 : memref<10000x128xf32, #tpu.memory_space<hbm>>) target(%dma_start3A_32 : memref<128x128xf32, #tpu.memory_space<vmem>>) offsets(%dma_start3A_35 : memref<128xi32, #tpu.memory_space<vmem>>) semaphore(%dma_start3A_40 : memref<!tpu.dma_semaphore, #tpu.memory_space<semaphore_mem>>)
      %dma_wait3A = arith.constant 0 : i32
      %dma_wait3A_41 = arith.constant 0 : i32
      %dma_wait3A_42 = arith.constant 0 : i32
      %dma_wait3A_43 = arith.constant 0 : i32
      %dma_wait3A_44 = arith.constant 0 : i32
      %dma_wait3A_45 = arith.constant 0 : i32
      %dma_wait3A_46 = tpu.memref_slice %arg7[%dma_wait3A_42, %dma_wait3A_44, %dma_wait3A_45] : memref<3x128x128xf32, #tpu.memory_space<vmem>> -> memref<1x128x128xf32, #tpu.memory_space<vmem>>
      %dma_wait3A_47 = tpu.memref_squeeze %dma_wait3A_46 : memref<1x128x128xf32, #tpu.memory_space<vmem>> -> memref<128x128xf32, #tpu.memory_space<vmem>>
      %dma_wait3A_48 = arith.constant 0 : i32
      %dma_wait3A_49 = tpu.memref_slice %arg6[%dma_wait3A, %dma_wait3A_41, %dma_wait3A_48] : memref<3x2x128xi32, #tpu.memory_space<vmem>> -> memref<1x1x128xi32, #tpu.memory_space<vmem>>
      %dma_wait3A_50 = tpu.memref_squeeze %dma_wait3A_49 : memref<1x1x128xi32, #tpu.memory_space<vmem>> -> memref<128xi32, #tpu.memory_space<vmem>>
      %dma_wait3A_51 = arith.constant 0 : i32
      %dma_wait3A_52 = arith.constant 0 : i32
      %dma_wait3A_53 = tpu.memref_slice %arg2[%dma_wait3A_51, %dma_wait3A_52] : memref<10000x128xf32, #tpu.memory_space<hbm>> -> memref<10000x128xf32, #tpu.memory_space<hbm>>
      %dma_wait3A_54 = tpu.memref_slice %arg8[%dma_wait3A_43] : memref<3x!tpu.dma_semaphore, #tpu.memory_space<semaphore_mem>> -> memref<1x!tpu.dma_semaphore, #tpu.memory_space<semaphore_mem>>
      %dma_wait3A_55 = tpu.memref_squeeze %dma_wait3A_54 : memref<1x!tpu.dma_semaphore, #tpu.memory_space<semaphore_mem>> -> memref<!tpu.dma_semaphore, #tpu.memory_space<semaphore_mem>>
      tpu.wait_indirect_dma semaphore(%dma_wait3A_55 : memref<!tpu.dma_semaphore, #tpu.memory_space<semaphore_mem>>) src(%dma_wait3A_53 : memref<10000x128xf32, #tpu.memory_space<hbm>>) dst(%dma_wait3A_47 : memref<128x128xf32, #tpu.memory_space<vmem>>)
      %run_scoped3A_56 = arith.constant 0 : i32
      %run_scoped3A_57 = arith.constant 0 : i32
      %run_scoped3A_58 = arith.constant 1 : i32
      "tpu.region"() ({
        %run_scoped3A_59 = tpu.sem_alloc : memref<!tpu.dma_semaphore, #tpu.memory_space<semaphore_mem>>
        %dma_start3A_60 = arith.constant 0 : i32
        %dma_start3A_61 = arith.constant 0 : i32
        %dma_start3A_62 = tpu.memref_slice %arg7[%run_scoped3A_56, %dma_start3A_60, %dma_start3A_61] : memref<3x128x128xf32, #tpu.memory_space<vmem>> -> memref<1x128x128xf32, #tpu.memory_space<vmem>>
        %dma_start3A_63 = tpu.memref_squeeze %dma_start3A_62 : memref<1x128x128xf32, #tpu.memory_space<vmem>> -> memref<128x128xf32, #tpu.memory_space<vmem>>
        %dma_start3A_64 = arith.constant 0 : i32
        %dma_start3A_65 = tpu.memref_slice %arg6[%run_scoped3A_57, %run_scoped3A_58, %dma_start3A_64] : memref<3x2x128xi32, #tpu.memory_space<vmem>> -> memref<1x1x128xi32, #tpu.memory_space<vmem>>
        %dma_start3A_66 = tpu.memref_squeeze %dma_start3A_65 : memref<1x1x128xi32, #tpu.memory_space<vmem>> -> memref<128xi32, #tpu.memory_space<vmem>>
        %dma_start3A_67 = arith.constant 0 : i32
        %dma_start3A_68 = arith.constant 0 : i32
        %dma_start3A_69 = tpu.memref_slice %arg5[%dma_start3A_67, %dma_start3A_68] : memref<10000x128xf32, #tpu.memory_space<vmem_shared>> -> memref<10000x128xf32, #tpu.memory_space<vmem_shared>>
        tpu.enqueue_indirect_dma source(%dma_start3A_63 : memref<128x128xf32, #tpu.memory_space<vmem>>) target(%dma_start3A_69 : memref<10000x128xf32, #tpu.memory_space<vmem_shared>>) offsets(%dma_start3A_66 : memref<128xi32, #tpu.memory_space<vmem>>) semaphore(%run_scoped3A_59 : memref<!tpu.dma_semaphore, #tpu.memory_space<semaphore_mem>>) {add = true}
        %dma_wait3A_70 = arith.constant 0 : i32
        %dma_wait3A_71 = arith.constant 0 : i32
        %dma_wait3A_72 = tpu.memref_slice %arg7[%run_scoped3A_56, %dma_wait3A_70, %dma_wait3A_71] : memref<3x128x128xf32, #tpu.memory_space<vmem>> -> memref<1x128x128xf32, #tpu.memory_space<vmem>>
        %dma_wait3A_73 = tpu.memref_squeeze %dma_wait3A_72 : memref<1x128x128xf32, #tpu.memory_space<vmem>> -> memref<128x128xf32, #tpu.memory_space<vmem>>
        %dma_wait3A_74 = arith.constant 0 : i32
        %dma_wait3A_75 = tpu.memref_slice %arg6[%run_scoped3A_57, %run_scoped3A_58, %dma_wait3A_74] : memref<3x2x128xi32, #tpu.memory_space<vmem>> -> memref<1x1x128xi32, #tpu.memory_space<vmem>>
        %dma_wait3A_76 = tpu.memref_squeeze %dma_wait3A_75 : memref<1x1x128xi32, #tpu.memory_space<vmem>> -> memref<128xi32, #tpu.memory_space<vmem>>
        %dma_wait3A_77 = arith.constant 0 : i32
        %dma_wait3A_78 = arith.constant 0 : i32
        %dma_wait3A_79 = tpu.memref_slice %arg5[%dma_wait3A_77, %dma_wait3A_78] : memref<10000x128xf32, #tpu.memory_space<vmem_shared>> -> memref<10000x128xf32, #tpu.memory_space<vmem_shared>>
        tpu.wait_indirect_dma semaphore(%run_scoped3A_59 : memref<!tpu.dma_semaphore, #tpu.memory_space<semaphore_mem>>) src(%dma_wait3A_73 : memref<128x128xf32, #tpu.memory_space<vmem>>) dst(%dma_wait3A_79 : memref<10000x128xf32, #tpu.memory_space<vmem_shared>>)
        tpu.yield
      }) : () -> ()
    } else {
    }
    %barrier3A_18 = arith.constant 0 : index
    tpu.barrier barrier_id(%barrier3A_18)
    %scan3A_19 = arith.constant 0 : i32
    %scan3A_20 = arith.constant 8 : i32
    %scan3A_21 = arith.addi %scan3A_19, %scan3A_20 : i32
    %scan3A_22 = arith.constant 1 : i32
    scf.for %scan3A_24 = %scan3A_19 to %scan3A_21 step %scan3A_22  : i32 {
      %mul3A_25 = arith.constant 1 : i32
      %mul3A_26 = arith.muli %scan3A_24, %mul3A_25 : i32
      %add3A_27 = arith.constant 0 : i32
      %add3A_28 = arith.addi %add3A_27, %mul3A_26 : i32
      %mul3A_29 = arith.constant 16 : i32
      %mul3A_30 = arith.muli %add3A_28, %mul3A_29 : i32
      %add3A_31 = arith.addi %mul3A_30, %arg1 : i32
      %lt3A_32 = arith.constant 125 : i32
      %lt3A_33 = arith.cmpi slt, %add3A_31, %lt3A_32 : i32
      %convert_element_type3A_34 = arith.extui %lt3A_33 : i1 to i32
      %cond3A_35 = arith.constant 0 : i32
      %cond3A_36 = arith.cmpi ne, %convert_element_type3A_34, %cond3A_35 : i32
      scf.if %cond3A_36 {
        %mul3A_37 = arith.constant 80 : i32
        %mul3A_38 = arith.muli %add3A_31, %mul3A_37 : i32
        %mul3A_39 = arith.constant 80 : i32
        %mul3A_40 = arith.muli %add3A_31, %mul3A_39 : i32
        "tpu.region"() ({
          %run_scoped3A = tpu.sem_alloc : memref<!tpu.dma_semaphore, #tpu.memory_space<semaphore_mem>>
          %dma_start3A = arith.constant 0 : i32
          %dma_start3A_41 = tpu.memref_slice %arg4[%arg0, %mul3A_40, %dma_start3A] : memref<2x10000x128xf32, #tpu.memory_space<hbm>> -> memref<1x80x128xf32, #tpu.memory_space<hbm>>
          %dma_start3A_42 = tpu.memref_squeeze %dma_start3A_41 : memref<1x80x128xf32, #tpu.memory_space<hbm>> -> memref<80x128xf32, #tpu.memory_space<hbm>>
          %dma_start3A_43 = arith.constant 0 : i32
          %dma_start3A_44 = tpu.memref_slice %arg5[%mul3A_38, %dma_start3A_43] : memref<10000x128xf32, #tpu.memory_space<vmem_shared>> -> memref<80x128xf32, #tpu.memory_space<vmem_shared>>
          tpu.enqueue_dma source(%dma_start3A_44 : memref<80x128xf32, #tpu.memory_space<vmem_shared>>) target(%dma_start3A_42 : memref<80x128xf32, #tpu.memory_space<hbm>>) target_semaphore(%run_scoped3A : memref<!tpu.dma_semaphore, #tpu.memory_space<semaphore_mem>>)
          %dma_wait3A = arith.constant 0 : i32
          %dma_wait3A_45 = tpu.memref_slice %arg4[%arg0, %mul3A_40, %dma_wait3A] : memref<2x10000x128xf32, #tpu.memory_space<hbm>> -> memref<1x80x128xf32, #tpu.memory_space<hbm>>
          %dma_wait3A_46 = tpu.memref_squeeze %dma_wait3A_45 : memref<1x80x128xf32, #tpu.memory_space<hbm>> -> memref<80x128xf32, #tpu.memory_space<hbm>>
          %dma_wait3A_47 = arith.constant 0 : i32
          %dma_wait3A_48 = tpu.memref_slice %arg5[%mul3A_38, %dma_wait3A_47] : memref<10000x128xf32, #tpu.memory_space<vmem_shared>> -> memref<80x128xf32, #tpu.memory_space<vmem_shared>>
          tpu.wait_dma2 semaphore(%run_scoped3A : memref<!tpu.dma_semaphore, #tpu.memory_space<semaphore_mem>>) src(%dma_wait3A_48 : memref<80x128xf32, #tpu.memory_space<vmem_shared>>) dst(%dma_wait3A_46 : memref<80x128xf32, #tpu.memory_space<hbm>>)
          tpu.yield
        }) : () -> ()
      } else {
      }
    }
    %scan3A_23 = arith.constant 8 : i32
    return
  }
}

#map = affine_map<(d0, d1) -> (0, 0)>
#map1 = affine_map<(d0, d1) -> (0, 0, 0)>
module attributes {stable_mosaic.version = 14 : i64} {
  func.func @_sc_propagate_body(%arg0: i32, %arg1: i32, %arg2: memref<10000x128xf32, #tpu.memory_space<hbm>>, %arg3: memref<2500x2x128xi32, #tpu.memory_space<hbm>>, %arg4: memref<2x10000x128xf32, #tpu.memory_space<hbm>>, %arg5: memref<10000x128xf32, #tpu.memory_space<vmem_shared>>, %arg6: memref<3x2x128xi32, #tpu.memory_space<vmem>>, %arg7: memref<3x128x128xf32, #tpu.memory_space<vmem>>, %arg8: memref<3x!tpu.dma_semaphore, #tpu.memory_space<semaphore_mem>>, %arg9: memref<3x!tpu.dma_semaphore, #tpu.memory_space<semaphore_mem>>) attributes {dimension_semantics = [#tpu.dimension_semantics<core_parallel>, #tpu.dimension_semantics<subcore_parallel>], iteration_bounds = array<i64: 2, 16>, scalar_prefetch = 0 : i64, scratch_operands = 5 : i64, tpu.core_type = #tpu.core_type<sc_vector_subcore>, window_params = [{transform_indices = #map}, {transform_indices = #map1}, {transform_indices = #map1}]} {
    %mul3A = arith.constant 2 : i32
    %mul3A_0 = arith.muli %arg1, %mul3A : i32
    %add3A = arith.addi %mul3A_0, %arg0 : i32
    %broadcast_in_dim3A = arith.constant 0.000000e+00 : f32
    %broadcast_in_dim3A_1 = vector.broadcast %broadcast_in_dim3A : f32 to vector<16xf32>
    %scan3A = arith.constant 0 : i32
    %scan3A_2 = arith.constant 80 : i32
    %scan3A_3 = arith.addi %scan3A, %scan3A_2 : i32
    %scan3A_4 = arith.constant 1 : i32
    scf.for %scan3A_24 = %scan3A to %scan3A_3 step %scan3A_4  : i32 {
      %mul3A_25 = arith.constant 1 : i32
      %mul3A_26 = arith.muli %scan3A_24, %mul3A_25 : i32
      %add3A_27 = arith.constant 0 : i32
      %add3A_28 = arith.addi %add3A_27, %mul3A_26 : i32
      %swap3A = arith.constant 0 : i32
      %swap3A_29 = arith.index_cast %swap3A : i32 to index
      %swap3A_30 = arith.index_cast %add3A_28 : i32 to index
      %swap3A_31 = arith.constant 0 : index
      %swap3A_32 = tpu.vector_load %arg7[%swap3A_29, %swap3A_30, %swap3A_31] {strides = array<i32>} : memref<3x128x128xf32, #tpu.memory_space<vmem>>, vector<16xf32>,
      tpu.vector_store %arg7[%swap3A_29, %swap3A_30, %swap3A_31], %broadcast_in_dim3A_1 {strides = array<i32>} : memref<3x128x128xf32, #tpu.memory_space<vmem>>, vector<16xf32>,
      %swap3A_33 = arith.constant 0 : i32
      %swap3A_34 = arith.index_cast %swap3A_33 : i32 to index
      %swap3A_35 = arith.index_cast %add3A_28 : i32 to index
      %swap3A_36 = arith.constant 16 : index
      %swap3A_37 = tpu.vector_load %arg7[%swap3A_34, %swap3A_35, %swap3A_36] {strides = array<i32>} : memref<3x128x128xf32, #tpu.memory_space<vmem>>, vector<16xf32>,
      tpu.vector_store %arg7[%swap3A_34, %swap3A_35, %swap3A_36], %broadcast_in_dim3A_1 {strides = array<i32>} : memref<3x128x128xf32, #tpu.memory_space<vmem>>, vector<16xf32>,
      %swap3A_38 = arith.constant 0 : i32
      %swap3A_39 = arith.index_cast %swap3A_38 : i32 to index
      %swap3A_40 = arith.index_cast %add3A_28 : i32 to index
      %swap3A_41 = arith.constant 32 : index
      %swap3A_42 = tpu.vector_load %arg7[%swap3A_39, %swap3A_40, %swap3A_41] {strides = array<i32>} : memref<3x128x128xf32, #tpu.memory_space<vmem>>, vector<16xf32>,
      tpu.vector_store %arg7[%swap3A_39, %swap3A_40, %swap3A_41], %broadcast_in_dim3A_1 {strides = array<i32>} : memref<3x128x128xf32, #tpu.memory_space<vmem>>, vector<16xf32>,
      %swap3A_43 = arith.constant 0 : i32
      %swap3A_44 = arith.index_cast %swap3A_43 : i32 to index
      %swap3A_45 = arith.index_cast %add3A_28 : i32 to index
      %swap3A_46 = arith.constant 48 : index
      %swap3A_47 = tpu.vector_load %arg7[%swap3A_44, %swap3A_45, %swap3A_46] {strides = array<i32>} : memref<3x128x128xf32, #tpu.memory_space<vmem>>, vector<16xf32>,
      tpu.vector_store %arg7[%swap3A_44, %swap3A_45, %swap3A_46], %broadcast_in_dim3A_1 {strides = array<i32>} : memref<3x128x128xf32, #tpu.memory_space<vmem>>, vector<16xf32>,
      %swap3A_48 = arith.constant 0 : i32
      %swap3A_49 = arith.index_cast %swap3A_48 : i32 to index
      %swap3A_50 = arith.index_cast %add3A_28 : i32 to index
      %swap3A_51 = arith.constant 64 : index
      %swap3A_52 = tpu.vector_load %arg7[%swap3A_49, %swap3A_50, %swap3A_51] {strides = array<i32>} : memref<3x128x128xf32, #tpu.memory_space<vmem>>, vector<16xf32>,
      tpu.vector_store %arg7[%swap3A_49, %swap3A_50, %swap3A_51], %broadcast_in_dim3A_1 {strides = array<i32>} : memref<3x128x128xf32, #tpu.memory_space<vmem>>, vector<16xf32>,
      %swap3A_53 = arith.constant 0 : i32
      %swap3A_54 = arith.index_cast %swap3A_53 : i32 to index
      %swap3A_55 = arith.index_cast %add3A_28 : i32 to index
      %swap3A_56 = arith.constant 80 : index
      %swap3A_57 = tpu.vector_load %arg7[%swap3A_54, %swap3A_55, %swap3A_56] {strides = array<i32>} : memref<3x128x128xf32, #tpu.memory_space<vmem>>, vector<16xf32>,
      tpu.vector_store %arg7[%swap3A_54, %swap3A_55, %swap3A_56], %broadcast_in_dim3A_1 {strides = array<i32>} : memref<3x128x128xf32, #tpu.memory_space<vmem>>, vector<16xf32>,
      %swap3A_58 = arith.constant 0 : i32
      %swap3A_59 = arith.index_cast %swap3A_58 : i32 to index
      %swap3A_60 = arith.index_cast %add3A_28 : i32 to index
      %swap3A_61 = arith.constant 96 : index
      %swap3A_62 = tpu.vector_load %arg7[%swap3A_59, %swap3A_60, %swap3A_61] {strides = array<i32>} : memref<3x128x128xf32, #tpu.memory_space<vmem>>, vector<16xf32>,
      tpu.vector_store %arg7[%swap3A_59, %swap3A_60, %swap3A_61], %broadcast_in_dim3A_1 {strides = array<i32>} : memref<3x128x128xf32, #tpu.memory_space<vmem>>, vector<16xf32>,
      %swap3A_63 = arith.constant 0 : i32
      %swap3A_64 = arith.index_cast %swap3A_63 : i32 to index
      %swap3A_65 = arith.index_cast %add3A_28 : i32 to index
      %swap3A_66 = arith.constant 112 : index
      %swap3A_67 = tpu.vector_load %arg7[%swap3A_64, %swap3A_65, %swap3A_66] {strides = array<i32>} : memref<3x128x128xf32, #tpu.memory_space<vmem>>, vector<16xf32>,
      tpu.vector_store %arg7[%swap3A_64, %swap3A_65, %swap3A_66], %broadcast_in_dim3A_1 {strides = array<i32>} : memref<3x128x128xf32, #tpu.memory_space<vmem>>, vector<16xf32>,
    }
    %scan3A_5 = arith.constant 80 : i32
    %scan3A_6 = arith.constant 0 : i32
    %scan3A_7 = arith.constant 8 : i32
    %scan3A_8 = arith.addi %scan3A_6, %scan3A_7 : i32
    %scan3A_9 = arith.constant 1 : i32
    scf.for %scan3A_24 = %scan3A_6 to %scan3A_8 step %scan3A_9  : i32 {
      %mul3A_25 = arith.constant 1 : i32
      %mul3A_26 = arith.muli %scan3A_24, %mul3A_25 : i32
      %add3A_27 = arith.constant 0 : i32
      %add3A_28 = arith.addi %add3A_27, %mul3A_26 : i32
      %mul3A_29 = arith.constant 16 : i32
      %mul3A_30 = arith.muli %add3A_28, %mul3A_29 : i32
      %add3A_31 = arith.addi %mul3A_30, %arg1 : i32
      %lt3A_32 = arith.constant 125 : i32
      %lt3A_33 = arith.cmpi slt, %add3A_31, %lt3A_32 : i32
      %convert_element_type3A_34 = arith.extui %lt3A_33 : i1 to i32
      %cond3A_35 = arith.constant 0 : i32
      %cond3A_36 = arith.cmpi ne, %convert_element_type3A_34, %cond3A_35 : i32
      scf.if %cond3A_36 {
        %mul3A_37 = arith.constant 80 : i32
        %mul3A_38 = arith.muli %add3A_31, %mul3A_37 : i32
        %run_scoped3A = arith.constant 0 : i32
        "tpu.region"() ({
          %run_scoped3A_39 = tpu.sem_alloc : memref<!tpu.dma_semaphore, #tpu.memory_space<semaphore_mem>>
          %dma_start3A = arith.constant 0 : i32
          %dma_start3A_40 = arith.constant 0 : i32
          %dma_start3A_41 = tpu.memref_slice %arg7[%run_scoped3A, %dma_start3A, %dma_start3A_40] : memref<3x128x128xf32, #tpu.memory_space<vmem>> -> memref<1x80x128xf32, #tpu.memory_space<vmem>>
          %dma_start3A_42 = tpu.memref_squeeze %dma_start3A_41 : memref<1x80x128xf32, #tpu.memory_space<vmem>> -> memref<80x128xf32, #tpu.memory_space<vmem>>
          %dma_start3A_43 = arith.constant 0 : i32
          %dma_start3A_44 = tpu.memref_slice %arg5[%mul3A_38, %dma_start3A_43] : memref<10000x128xf32, #tpu.memory_space<vmem_shared>> -> memref<80x128xf32, #tpu.memory_space<vmem_shared>>
          %dma_start3A_45 = arith.constant 0 : i32
          %dma_start3A_46 = tpu.memref_slice %arg5[%mul3A_38, %dma_start3A_45] : memref<10000x128xf32, #tpu.memory_space<vmem_shared>> -> memref<80x128xf32, #tpu.memory_space<vmem_shared>>
          %dma_start3A_47 = arith.constant 0 : i32
          %dma_start3A_48 = arith.constant 0 : i32
          %dma_start3A_49 = tpu.memref_slice %arg7[%run_scoped3A, %dma_start3A_47, %dma_start3A_48] : memref<3x128x128xf32, #tpu.memory_space<vmem>> -> memref<1x80x128xf32, #tpu.memory_space<vmem>>
          %dma_start3A_50 = tpu.memref_squeeze %dma_start3A_49 : memref<1x80x128xf32, #tpu.memory_space<vmem>> -> memref<80x128xf32, #tpu.memory_space<vmem>>
          tpu.enqueue_dma source(%dma_start3A_50 : memref<80x128xf32, #tpu.memory_space<vmem>>) target(%dma_start3A_46 : memref<80x128xf32, #tpu.memory_space<vmem_shared>>) target_semaphore(%run_scoped3A_39 : memref<!tpu.dma_semaphore, #tpu.memory_space<semaphore_mem>>)
          %dma_wait3A = arith.constant 0 : i32
          %dma_wait3A_51 = arith.constant 0 : i32
          %dma_wait3A_52 = tpu.memref_slice %arg7[%run_scoped3A, %dma_wait3A, %dma_wait3A_51] : memref<3x128x128xf32, #tpu.memory_space<vmem>> -> memref<1x80x128xf32, #tpu.memory_space<vmem>>
          %dma_wait3A_53 = tpu.memref_squeeze %dma_wait3A_52 : memref<1x80x128xf32, #tpu.memory_space<vmem>> -> memref<80x128xf32, #tpu.memory_space<vmem>>
          %dma_wait3A_54 = arith.constant 0 : i32
          %dma_wait3A_55 = tpu.memref_slice %arg5[%mul3A_38, %dma_wait3A_54] : memref<10000x128xf32, #tpu.memory_space<vmem_shared>> -> memref<80x128xf32, #tpu.memory_space<vmem_shared>>
          %dma_wait3A_56 = arith.constant 0 : i32
          %dma_wait3A_57 = tpu.memref_slice %arg5[%mul3A_38, %dma_wait3A_56] : memref<10000x128xf32, #tpu.memory_space<vmem_shared>> -> memref<80x128xf32, #tpu.memory_space<vmem_shared>>
          %dma_wait3A_58 = arith.constant 0 : i32
          %dma_wait3A_59 = arith.constant 0 : i32
          %dma_wait3A_60 = tpu.memref_slice %arg7[%run_scoped3A, %dma_wait3A_58, %dma_wait3A_59] : memref<3x128x128xf32, #tpu.memory_space<vmem>> -> memref<1x80x128xf32, #tpu.memory_space<vmem>>
          %dma_wait3A_61 = tpu.memref_squeeze %dma_wait3A_60 : memref<1x80x128xf32, #tpu.memory_space<vmem>> -> memref<80x128xf32, #tpu.memory_space<vmem>>
          tpu.wait_dma2 semaphore(%run_scoped3A_39 : memref<!tpu.dma_semaphore, #tpu.memory_space<semaphore_mem>>) src(%dma_wait3A_61 : memref<80x128xf32, #tpu.memory_space<vmem>>) dst(%dma_wait3A_57 : memref<80x128xf32, #tpu.memory_space<vmem_shared>>)
          tpu.yield
        }) : () -> ()
      } else {
      }
    }
    %scan3A_10 = arith.constant 8 : i32
    %barrier3A = arith.constant 0 : index
    tpu.barrier barrier_id(%barrier3A)
    %scan3A_11 = arith.constant 0 : i32
    %scan3A_12 = arith.constant 26 : i32
    %scan3A_13 = arith.addi %scan3A_11, %scan3A_12 : i32
    %scan3A_14 = arith.constant 1 : i32
    scf.for %scan3A_24 = %scan3A_11 to %scan3A_13 step %scan3A_14  : i32 {
      %mul3A_25 = arith.constant 1 : i32
      %mul3A_26 = arith.muli %scan3A_24, %mul3A_25 : i32
      %add3A_27 = arith.constant 0 : i32
      %add3A_28 = arith.addi %add3A_27, %mul3A_26 : i32
      %mul3A_29 = arith.constant 3 : i32
      %mul3A_30 = arith.muli %mul3A_29, %add3A_28 : i32
      %mul3A_31 = arith.constant 32 : i32
      %mul3A_32 = arith.muli %mul3A_30, %mul3A_31 : i32
      %add3A_33 = arith.addi %mul3A_32, %add3A : i32
      %add3A_34 = arith.constant 0 : i32
      %add3A_35 = arith.addi %add3A_33, %add3A_34 : i32
      %run_scoped3A = arith.constant 0 : i32
      "tpu.region"() ({
        %run_scoped3A_232 = tpu.sem_alloc : memref<!tpu.dma_semaphore, #tpu.memory_space<semaphore_mem>>
        %dma_start3A_233 = arith.constant 0 : i32
        %dma_start3A_234 = arith.constant 0 : i32
        %dma_start3A_235 = tpu.memref_slice %arg6[%run_scoped3A, %dma_start3A_233, %dma_start3A_234] : memref<3x2x128xi32, #tpu.memory_space<vmem>> -> memref<1x2x128xi32, #tpu.memory_space<vmem>>
        %dma_start3A_236 = tpu.memref_squeeze %dma_start3A_235 : memref<1x2x128xi32, #tpu.memory_space<vmem>> -> memref<2x128xi32, #tpu.memory_space<vmem>>
        %dma_start3A_237 = arith.constant 0 : i32
        %dma_start3A_238 = arith.constant 0 : i32
        %dma_start3A_239 = tpu.memref_slice %arg3[%add3A_35, %dma_start3A_237, %dma_start3A_238] : memref<2500x2x128xi32, #tpu.memory_space<hbm>> -> memref<1x2x128xi32, #tpu.memory_space<hbm>>
        %dma_start3A_240 = tpu.memref_squeeze %dma_start3A_239 : memref<1x2x128xi32, #tpu.memory_space<hbm>> -> memref<2x128xi32, #tpu.memory_space<hbm>>
        %dma_start3A_241 = arith.constant 0 : i32
        %dma_start3A_242 = arith.constant 0 : i32
        %dma_start3A_243 = tpu.memref_slice %arg6[%run_scoped3A, %dma_start3A_241, %dma_start3A_242] : memref<3x2x128xi32, #tpu.memory_space<vmem>> -> memref<1x2x128xi32, #tpu.memory_space<vmem>>
        %dma_start3A_244 = tpu.memref_squeeze %dma_start3A_243 : memref<1x2x128xi32, #tpu.memory_space<vmem>> -> memref<2x128xi32, #tpu.memory_space<vmem>>
        %dma_start3A_245 = arith.constant 0 : i32
        %dma_start3A_246 = arith.constant 0 : i32
        %dma_start3A_247 = tpu.memref_slice %arg3[%add3A_35, %dma_start3A_245, %dma_start3A_246] : memref<2500x2x128xi32, #tpu.memory_space<hbm>> -> memref<1x2x128xi32, #tpu.memory_space<hbm>>
        %dma_start3A_248 = tpu.memref_squeeze %dma_start3A_247 : memref<1x2x128xi32, #tpu.memory_space<hbm>> -> memref<2x128xi32, #tpu.memory_space<hbm>>
        tpu.enqueue_dma source(%dma_start3A_248 : memref<2x128xi32, #tpu.memory_space<hbm>>) target(%dma_start3A_244 : memref<2x128xi32, #tpu.memory_space<vmem>>) target_semaphore(%run_scoped3A_232 : memref<!tpu.dma_semaphore, #tpu.memory_space<semaphore_mem>>)
        %dma_wait3A_249 = arith.constant 0 : i32
        %dma_wait3A_250 = arith.constant 0 : i32
        %dma_wait3A_251 = tpu.memref_slice %arg6[%run_scoped3A, %dma_wait3A_249, %dma_wait3A_250] : memref<3x2x128xi32, #tpu.memory_space<vmem>> -> memref<1x2x128xi32, #tpu.memory_space<vmem>>
        %dma_wait3A_252 = tpu.memref_squeeze %dma_wait3A_251 : memref<1x2x128xi32, #tpu.memory_space<vmem>> -> memref<2x128xi32, #tpu.memory_space<vmem>>
        %dma_wait3A_253 = arith.constant 0 : i32
        %dma_wait3A_254 = arith.constant 0 : i32
        %dma_wait3A_255 = tpu.memref_slice %arg3[%add3A_35, %dma_wait3A_253, %dma_wait3A_254] : memref<2500x2x128xi32, #tpu.memory_space<hbm>> -> memref<1x2x128xi32, #tpu.memory_space<hbm>>
        %dma_wait3A_256 = tpu.memref_squeeze %dma_wait3A_255 : memref<1x2x128xi32, #tpu.memory_space<hbm>> -> memref<2x128xi32, #tpu.memory_space<hbm>>
        %dma_wait3A_257 = arith.constant 0 : i32
        %dma_wait3A_258 = arith.constant 0 : i32
        %dma_wait3A_259 = tpu.memref_slice %arg6[%run_scoped3A, %dma_wait3A_257, %dma_wait3A_258] : memref<3x2x128xi32, #tpu.memory_space<vmem>> -> memref<1x2x128xi32, #tpu.memory_space<vmem>>
        %dma_wait3A_260 = tpu.memref_squeeze %dma_wait3A_259 : memref<1x2x128xi32, #tpu.memory_space<vmem>> -> memref<2x128xi32, #tpu.memory_space<vmem>>
        %dma_wait3A_261 = arith.constant 0 : i32
        %dma_wait3A_262 = arith.constant 0 : i32
        %dma_wait3A_263 = tpu.memref_slice %arg3[%add3A_35, %dma_wait3A_261, %dma_wait3A_262] : memref<2500x2x128xi32, #tpu.memory_space<hbm>> -> memref<1x2x128xi32, #tpu.memory_space<hbm>>
        %dma_wait3A_264 = tpu.memref_squeeze %dma_wait3A_263 : memref<1x2x128xi32, #tpu.memory_space<hbm>> -> memref<2x128xi32, #tpu.memory_space<hbm>>
        tpu.wait_dma2 semaphore(%run_scoped3A_232 : memref<!tpu.dma_semaphore, #tpu.memory_space<semaphore_mem>>) src(%dma_wait3A_264 : memref<2x128xi32, #tpu.memory_space<hbm>>) dst(%dma_wait3A_260 : memref<2x128xi32, #tpu.memory_space<vmem>>)
        tpu.yield
      }) : () -> ()
      %dma_start3A = arith.constant 0 : i32
      %dma_start3A_36 = arith.constant 0 : i32
      %dma_start3A_37 = arith.constant 0 : i32
      %dma_start3A_38 = arith.constant 0 : i32
      %dma_start3A_39 = arith.constant 0 : i32
      %dma_start3A_40 = arith.constant 0 : i32
      %dma_start3A_41 = tpu.memref_slice %arg7[%dma_start3A_37, %dma_start3A_39, %dma_start3A_40] : memref<3x128x128xf32, #tpu.memory_space<vmem>> -> memref<1x128x128xf32, #tpu.memory_space<vmem>>
      %dma_start3A_42 = tpu.memref_squeeze %dma_start3A_41 : memref<1x128x128xf32, #tpu.memory_space<vmem>> -> memref<128x128xf32, #tpu.memory_space<vmem>>
      %dma_start3A_43 = arith.constant 0 : i32
      %dma_start3A_44 = tpu.memref_slice %arg6[%dma_start3A, %dma_start3A_36, %dma_start3A_43] : memref<3x2x128xi32, #tpu.memory_space<vmem>> -> memref<1x1x128xi32, #tpu.memory_space<vmem>>
      %dma_start3A_45 = tpu.memref_squeeze %dma_start3A_44 : memref<1x1x128xi32, #tpu.memory_space<vmem>> -> memref<128xi32, #tpu.memory_space<vmem>>
      %dma_start3A_46 = arith.constant 0 : i32
      %dma_start3A_47 = arith.constant 0 : i32
      %dma_start3A_48 = tpu.memref_slice %arg2[%dma_start3A_46, %dma_start3A_47] : memref<10000x128xf32, #tpu.memory_space<hbm>> -> memref<10000x128xf32, #tpu.memory_space<hbm>>
      %dma_start3A_49 = tpu.memref_slice %arg8[%dma_start3A_38] : memref<3x!tpu.dma_semaphore, #tpu.memory_space<semaphore_mem>> -> memref<1x!tpu.dma_semaphore, #tpu.memory_space<semaphore_mem>>
      %dma_start3A_50 = tpu.memref_squeeze %dma_start3A_49 : memref<1x!tpu.dma_semaphore, #tpu.memory_space<semaphore_mem>> -> memref<!tpu.dma_semaphore, #tpu.memory_space<semaphore_mem>>
      tpu.enqueue_indirect_dma source(%dma_start3A_48 : memref<10000x128xf32, #tpu.memory_space<hbm>>) target(%dma_start3A_42 : memref<128x128xf32, #tpu.memory_space<vmem>>) offsets(%dma_start3A_45 : memref<128xi32, #tpu.memory_space<vmem>>) semaphore(%dma_start3A_50 : memref<!tpu.dma_semaphore, #tpu.memory_space<semaphore_mem>>)
      %add3A_51 = arith.constant 32 : i32
      %add3A_52 = arith.addi %add3A_33, %add3A_51 : i32
      %run_scoped3A_53 = arith.constant 1 : i32
      "tpu.region"() ({
        %run_scoped3A_232 = tpu.sem_alloc : memref<!tpu.dma_semaphore, #tpu.memory_space<semaphore_mem>>
        %dma_start3A_233 = arith.constant 0 : i32
        %dma_start3A_234 = arith.constant 0 : i32
        %dma_start3A_235 = tpu.memref_slice %arg6[%run_scoped3A_53, %dma_start3A_233, %dma_start3A_234] : memref<3x2x128xi32, #tpu.memory_space<vmem>> -> memref<1x2x128xi32, #tpu.memory_space<vmem>>
        %dma_start3A_236 = tpu.memref_squeeze %dma_start3A_235 : memref<1x2x128xi32, #tpu.memory_space<vmem>> -> memref<2x128xi32, #tpu.memory_space<vmem>>
        %dma_start3A_237 = arith.constant 0 : i32
        %dma_start3A_238 = arith.constant 0 : i32
        %dma_start3A_239 = tpu.memref_slice %arg3[%add3A_52, %dma_start3A_237, %dma_start3A_238] : memref<2500x2x128xi32, #tpu.memory_space<hbm>> -> memref<1x2x128xi32, #tpu.memory_space<hbm>>
        %dma_start3A_240 = tpu.memref_squeeze %dma_start3A_239 : memref<1x2x128xi32, #tpu.memory_space<hbm>> -> memref<2x128xi32, #tpu.memory_space<hbm>>
        %dma_start3A_241 = arith.constant 0 : i32
        %dma_start3A_242 = arith.constant 0 : i32
        %dma_start3A_243 = tpu.memref_slice %arg6[%run_scoped3A_53, %dma_start3A_241, %dma_start3A_242] : memref<3x2x128xi32, #tpu.memory_space<vmem>> -> memref<1x2x128xi32, #tpu.memory_space<vmem>>
        %dma_start3A_244 = tpu.memref_squeeze %dma_start3A_243 : memref<1x2x128xi32, #tpu.memory_space<vmem>> -> memref<2x128xi32, #tpu.memory_space<vmem>>
        %dma_start3A_245 = arith.constant 0 : i32
        %dma_start3A_246 = arith.constant 0 : i32
        %dma_start3A_247 = tpu.memref_slice %arg3[%add3A_52, %dma_start3A_245, %dma_start3A_246] : memref<2500x2x128xi32, #tpu.memory_space<hbm>> -> memref<1x2x128xi32, #tpu.memory_space<hbm>>
        %dma_start3A_248 = tpu.memref_squeeze %dma_start3A_247 : memref<1x2x128xi32, #tpu.memory_space<hbm>> -> memref<2x128xi32, #tpu.memory_space<hbm>>
        tpu.enqueue_dma source(%dma_start3A_248 : memref<2x128xi32, #tpu.memory_space<hbm>>) target(%dma_start3A_244 : memref<2x128xi32, #tpu.memory_space<vmem>>) target_semaphore(%run_scoped3A_232 : memref<!tpu.dma_semaphore, #tpu.memory_space<semaphore_mem>>)
        %dma_wait3A_249 = arith.constant 0 : i32
        %dma_wait3A_250 = arith.constant 0 : i32
        %dma_wait3A_251 = tpu.memref_slice %arg6[%run_scoped3A_53, %dma_wait3A_249, %dma_wait3A_250] : memref<3x2x128xi32, #tpu.memory_space<vmem>> -> memref<1x2x128xi32, #tpu.memory_space<vmem>>
        %dma_wait3A_252 = tpu.memref_squeeze %dma_wait3A_251 : memref<1x2x128xi32, #tpu.memory_space<vmem>> -> memref<2x128xi32, #tpu.memory_space<vmem>>
        %dma_wait3A_253 = arith.constant 0 : i32
        %dma_wait3A_254 = arith.constant 0 : i32
        %dma_wait3A_255 = tpu.memref_slice %arg3[%add3A_52, %dma_wait3A_253, %dma_wait3A_254] : memref<2500x2x128xi32, #tpu.memory_space<hbm>> -> memref<1x2x128xi32, #tpu.memory_space<hbm>>
        %dma_wait3A_256 = tpu.memref_squeeze %dma_wait3A_255 : memref<1x2x128xi32, #tpu.memory_space<hbm>> -> memref<2x128xi32, #tpu.memory_space<hbm>>
        %dma_wait3A_257 = arith.constant 0 : i32
        %dma_wait3A_258 = arith.constant 0 : i32
        %dma_wait3A_259 = tpu.memref_slice %arg6[%run_scoped3A_53, %dma_wait3A_257, %dma_wait3A_258] : memref<3x2x128xi32, #tpu.memory_space<vmem>> -> memref<1x2x128xi32, #tpu.memory_space<vmem>>
        %dma_wait3A_260 = tpu.memref_squeeze %dma_wait3A_259 : memref<1x2x128xi32, #tpu.memory_space<vmem>> -> memref<2x128xi32, #tpu.memory_space<vmem>>
        %dma_wait3A_261 = arith.constant 0 : i32
        %dma_wait3A_262 = arith.constant 0 : i32
        %dma_wait3A_263 = tpu.memref_slice %arg3[%add3A_52, %dma_wait3A_261, %dma_wait3A_262] : memref<2500x2x128xi32, #tpu.memory_space<hbm>> -> memref<1x2x128xi32, #tpu.memory_space<hbm>>
        %dma_wait3A_264 = tpu.memref_squeeze %dma_wait3A_263 : memref<1x2x128xi32, #tpu.memory_space<hbm>> -> memref<2x128xi32, #tpu.memory_space<hbm>>
        tpu.wait_dma2 semaphore(%run_scoped3A_232 : memref<!tpu.dma_semaphore, #tpu.memory_space<semaphore_mem>>) src(%dma_wait3A_264 : memref<2x128xi32, #tpu.memory_space<hbm>>) dst(%dma_wait3A_260 : memref<2x128xi32, #tpu.memory_space<vmem>>)
        tpu.yield
      }) : () -> ()
      %dma_start3A_54 = arith.constant 1 : i32
      %dma_start3A_55 = arith.constant 0 : i32
      %dma_start3A_56 = arith.constant 1 : i32
      %dma_start3A_57 = arith.constant 1 : i32
      %dma_start3A_58 = arith.constant 0 : i32
      %dma_start3A_59 = arith.constant 0 : i32
      %dma_start3A_60 = tpu.memref_slice %arg7[%dma_start3A_56, %dma_start3A_58, %dma_start3A_59] : memref<3x128x128xf32, #tpu.memory_space<vmem>> -> memref<1x128x128xf32, #tpu.memory_space<vmem>>
      %dma_start3A_61 = tpu.memref_squeeze %dma_start3A_60 : memref<1x128x128xf32, #tpu.memory_space<vmem>> -> memref<128x128xf32, #tpu.memory_space<vmem>>
      %dma_start3A_62 = arith.constant 0 : i32
      %dma_start3A_63 = tpu.memref_slice %arg6[%dma_start3A_54, %dma_start3A_55, %dma_start3A_62] : memref<3x2x128xi32, #tpu.memory_space<vmem>> -> memref<1x1x128xi32, #tpu.memory_space<vmem>>
      %dma_start3A_64 = tpu.memref_squeeze %dma_start3A_63 : memref<1x1x128xi32, #tpu.memory_space<vmem>> -> memref<128xi32, #tpu.memory_space<vmem>>
      %dma_start3A_65 = arith.constant 0 : i32
      %dma_start3A_66 = arith.constant 0 : i32
      %dma_start3A_67 = tpu.memref_slice %arg2[%dma_start3A_65, %dma_start3A_66] : memref<10000x128xf32, #tpu.memory_space<hbm>> -> memref<10000x128xf32, #tpu.memory_space<hbm>>
      %dma_start3A_68 = tpu.memref_slice %arg8[%dma_start3A_57] : memref<3x!tpu.dma_semaphore, #tpu.memory_space<semaphore_mem>> -> memref<1x!tpu.dma_semaphore, #tpu.memory_space<semaphore_mem>>
      %dma_start3A_69 = tpu.memref_squeeze %dma_start3A_68 : memref<1x!tpu.dma_semaphore, #tpu.memory_space<semaphore_mem>> -> memref<!tpu.dma_semaphore, #tpu.memory_space<semaphore_mem>>
      tpu.enqueue_indirect_dma source(%dma_start3A_67 : memref<10000x128xf32, #tpu.memory_space<hbm>>) target(%dma_start3A_61 : memref<128x128xf32, #tpu.memory_space<vmem>>) offsets(%dma_start3A_64 : memref<128xi32, #tpu.memory_space<vmem>>) semaphore(%dma_start3A_69 : memref<!tpu.dma_semaphore, #tpu.memory_space<semaphore_mem>>)
      %add3A_70 = arith.constant 64 : i32
      %add3A_71 = arith.addi %add3A_33, %add3A_70 : i32
      %run_scoped3A_72 = arith.constant 2 : i32
      "tpu.region"() ({
        %run_scoped3A_232 = tpu.sem_alloc : memref<!tpu.dma_semaphore, #tpu.memory_space<semaphore_mem>>
        %dma_start3A_233 = arith.constant 0 : i32
        %dma_start3A_234 = arith.constant 0 : i32
        %dma_start3A_235 = tpu.memref_slice %arg6[%run_scoped3A_72, %dma_start3A_233, %dma_start3A_234] : memref<3x2x128xi32, #tpu.memory_space<vmem>> -> memref<1x2x128xi32, #tpu.memory_space<vmem>>
        %dma_start3A_236 = tpu.memref_squeeze %dma_start3A_235 : memref<1x2x128xi32, #tpu.memory_space<vmem>> -> memref<2x128xi32, #tpu.memory_space<vmem>>
        %dma_start3A_237 = arith.constant 0 : i32
        %dma_start3A_238 = arith.constant 0 : i32
        %dma_start3A_239 = tpu.memref_slice %arg3[%add3A_71, %dma_start3A_237, %dma_start3A_238] : memref<2500x2x128xi32, #tpu.memory_space<hbm>> -> memref<1x2x128xi32, #tpu.memory_space<hbm>>
        %dma_start3A_240 = tpu.memref_squeeze %dma_start3A_239 : memref<1x2x128xi32, #tpu.memory_space<hbm>> -> memref<2x128xi32, #tpu.memory_space<hbm>>
        %dma_start3A_241 = arith.constant 0 : i32
        %dma_start3A_242 = arith.constant 0 : i32
        %dma_start3A_243 = tpu.memref_slice %arg6[%run_scoped3A_72, %dma_start3A_241, %dma_start3A_242] : memref<3x2x128xi32, #tpu.memory_space<vmem>> -> memref<1x2x128xi32, #tpu.memory_space<vmem>>
        %dma_start3A_244 = tpu.memref_squeeze %dma_start3A_243 : memref<1x2x128xi32, #tpu.memory_space<vmem>> -> memref<2x128xi32, #tpu.memory_space<vmem>>
        %dma_start3A_245 = arith.constant 0 : i32
        %dma_start3A_246 = arith.constant 0 : i32
        %dma_start3A_247 = tpu.memref_slice %arg3[%add3A_71, %dma_start3A_245, %dma_start3A_246] : memref<2500x2x128xi32, #tpu.memory_space<hbm>> -> memref<1x2x128xi32, #tpu.memory_space<hbm>>
        %dma_start3A_248 = tpu.memref_squeeze %dma_start3A_247 : memref<1x2x128xi32, #tpu.memory_space<hbm>> -> memref<2x128xi32, #tpu.memory_space<hbm>>
        tpu.enqueue_dma source(%dma_start3A_248 : memref<2x128xi32, #tpu.memory_space<hbm>>) target(%dma_start3A_244 : memref<2x128xi32, #tpu.memory_space<vmem>>) target_semaphore(%run_scoped3A_232 : memref<!tpu.dma_semaphore, #tpu.memory_space<semaphore_mem>>)
        %dma_wait3A_249 = arith.constant 0 : i32
        %dma_wait3A_250 = arith.constant 0 : i32
        %dma_wait3A_251 = tpu.memref_slice %arg6[%run_scoped3A_72, %dma_wait3A_249, %dma_wait3A_250] : memref<3x2x128xi32, #tpu.memory_space<vmem>> -> memref<1x2x128xi32, #tpu.memory_space<vmem>>
        %dma_wait3A_252 = tpu.memref_squeeze %dma_wait3A_251 : memref<1x2x128xi32, #tpu.memory_space<vmem>> -> memref<2x128xi32, #tpu.memory_space<vmem>>
        %dma_wait3A_253 = arith.constant 0 : i32
        %dma_wait3A_254 = arith.constant 0 : i32
        %dma_wait3A_255 = tpu.memref_slice %arg3[%add3A_71, %dma_wait3A_253, %dma_wait3A_254] : memref<2500x2x128xi32, #tpu.memory_space<hbm>> -> memref<1x2x128xi32, #tpu.memory_space<hbm>>
        %dma_wait3A_256 = tpu.memref_squeeze %dma_wait3A_255 : memref<1x2x128xi32, #tpu.memory_space<hbm>> -> memref<2x128xi32, #tpu.memory_space<hbm>>
        %dma_wait3A_257 = arith.constant 0 : i32
        %dma_wait3A_258 = arith.constant 0 : i32
        %dma_wait3A_259 = tpu.memref_slice %arg6[%run_scoped3A_72, %dma_wait3A_257, %dma_wait3A_258] : memref<3x2x128xi32, #tpu.memory_space<vmem>> -> memref<1x2x128xi32, #tpu.memory_space<vmem>>
        %dma_wait3A_260 = tpu.memref_squeeze %dma_wait3A_259 : memref<1x2x128xi32, #tpu.memory_space<vmem>> -> memref<2x128xi32, #tpu.memory_space<vmem>>
        %dma_wait3A_261 = arith.constant 0 : i32
        %dma_wait3A_262 = arith.constant 0 : i32
        %dma_wait3A_263 = tpu.memref_slice %arg3[%add3A_71, %dma_wait3A_261, %dma_wait3A_262] : memref<2500x2x128xi32, #tpu.memory_space<hbm>> -> memref<1x2x128xi32, #tpu.memory_space<hbm>>
        %dma_wait3A_264 = tpu.memref_squeeze %dma_wait3A_263 : memref<1x2x128xi32, #tpu.memory_space<hbm>> -> memref<2x128xi32, #tpu.memory_space<hbm>>
        tpu.wait_dma2 semaphore(%run_scoped3A_232 : memref<!tpu.dma_semaphore, #tpu.memory_space<semaphore_mem>>) src(%dma_wait3A_264 : memref<2x128xi32, #tpu.memory_space<hbm>>) dst(%dma_wait3A_260 : memref<2x128xi32, #tpu.memory_space<vmem>>)
        tpu.yield
      }) : () -> ()
      %dma_start3A_73 = arith.constant 2 : i32
      %dma_start3A_74 = arith.constant 0 : i32
      %dma_start3A_75 = arith.constant 2 : i32
      %dma_start3A_76 = arith.constant 2 : i32
      %dma_start3A_77 = arith.constant 0 : i32
      %dma_start3A_78 = arith.constant 0 : i32
      %dma_start3A_79 = tpu.memref_slice %arg7[%dma_start3A_75, %dma_start3A_77, %dma_start3A_78] : memref<3x128x128xf32, #tpu.memory_space<vmem>> -> memref<1x128x128xf32, #tpu.memory_space<vmem>>
      %dma_start3A_80 = tpu.memref_squeeze %dma_start3A_79 : memref<1x128x128xf32, #tpu.memory_space<vmem>> -> memref<128x128xf32, #tpu.memory_space<vmem>>
      %dma_start3A_81 = arith.constant 0 : i32
      %dma_start3A_82 = tpu.memref_slice %arg6[%dma_start3A_73, %dma_start3A_74, %dma_start3A_81] : memref<3x2x128xi32, #tpu.memory_space<vmem>> -> memref<1x1x128xi32, #tpu.memory_space<vmem>>
      %dma_start3A_83 = tpu.memref_squeeze %dma_start3A_82 : memref<1x1x128xi32, #tpu.memory_space<vmem>> -> memref<128xi32, #tpu.memory_space<vmem>>
      %dma_start3A_84 = arith.constant 0 : i32
      %dma_start3A_85 = arith.constant 0 : i32
      %dma_start3A_86 = tpu.memref_slice %arg2[%dma_start3A_84, %dma_start3A_85] : memref<10000x128xf32, #tpu.memory_space<hbm>> -> memref<10000x128xf32, #tpu.memory_space<hbm>>
      %dma_start3A_87 = tpu.memref_slice %arg8[%dma_start3A_76] : memref<3x!tpu.dma_semaphore, #tpu.memory_space<semaphore_mem>> -> memref<1x!tpu.dma_semaphore, #tpu.memory_space<semaphore_mem>>
      %dma_start3A_88 = tpu.memref_squeeze %dma_start3A_87 : memref<1x!tpu.dma_semaphore, #tpu.memory_space<semaphore_mem>> -> memref<!tpu.dma_semaphore, #tpu.memory_space<semaphore_mem>>
      tpu.enqueue_indirect_dma source(%dma_start3A_86 : memref<10000x128xf32, #tpu.memory_space<hbm>>) target(%dma_start3A_80 : memref<128x128xf32, #tpu.memory_space<vmem>>) offsets(%dma_start3A_83 : memref<128xi32, #tpu.memory_space<vmem>>) semaphore(%dma_start3A_88 : memref<!tpu.dma_semaphore, #tpu.memory_space<semaphore_mem>>)
      %dma_wait3A = arith.constant 0 : i32
      %dma_wait3A_89 = arith.constant 0 : i32
      %dma_wait3A_90 = arith.constant 0 : i32
      %dma_wait3A_91 = arith.constant 0 : i32
      %dma_wait3A_92 = arith.constant 0 : i32
      %dma_wait3A_93 = arith.constant 0 : i32
      %dma_wait3A_94 = tpu.memref_slice %arg7[%dma_wait3A_90, %dma_wait3A_92, %dma_wait3A_93] : memref<3x128x128xf32, #tpu.memory_space<vmem>> -> memref<1x128x128xf32, #tpu.memory_space<vmem>>
      %dma_wait3A_95 = tpu.memref_squeeze %dma_wait3A_94 : memref<1x128x128xf32, #tpu.memory_space<vmem>> -> memref<128x128xf32, #tpu.memory_space<vmem>>
      %dma_wait3A_96 = arith.constant 0 : i32
      %dma_wait3A_97 = tpu.memref_slice %arg6[%dma_wait3A, %dma_wait3A_89, %dma_wait3A_96] : memref<3x2x128xi32, #tpu.memory_space<vmem>> -> memref<1x1x128xi32, #tpu.memory_space<vmem>>
      %dma_wait3A_98 = tpu.memref_squeeze %dma_wait3A_97 : memref<1x1x128xi32, #tpu.memory_space<vmem>> -> memref<128xi32, #tpu.memory_space<vmem>>
      %dma_wait3A_99 = arith.constant 0 : i32
      %dma_wait3A_100 = arith.constant 0 : i32
      %dma_wait3A_101 = tpu.memref_slice %arg2[%dma_wait3A_99, %dma_wait3A_100] : memref<10000x128xf32, #tpu.memory_space<hbm>> -> memref<10000x128xf32, #tpu.memory_space<hbm>>
      %dma_wait3A_102 = tpu.memref_slice %arg8[%dma_wait3A_91] : memref<3x!tpu.dma_semaphore, #tpu.memory_space<semaphore_mem>> -> memref<1x!tpu.dma_semaphore, #tpu.memory_space<semaphore_mem>>
      %dma_wait3A_103 = tpu.memref_squeeze %dma_wait3A_102 : memref<1x!tpu.dma_semaphore, #tpu.memory_space<semaphore_mem>> -> memref<!tpu.dma_semaphore, #tpu.memory_space<semaphore_mem>>
      tpu.wait_indirect_dma semaphore(%dma_wait3A_103 : memref<!tpu.dma_semaphore, #tpu.memory_space<semaphore_mem>>) src(%dma_wait3A_101 : memref<10000x128xf32, #tpu.memory_space<hbm>>) dst(%dma_wait3A_95 : memref<128x128xf32, #tpu.memory_space<vmem>>)
      %dma_start3A_104 = arith.constant 0 : i32
      %dma_start3A_105 = arith.constant 0 : i32
      %dma_start3A_106 = arith.constant 1 : i32
      %dma_start3A_107 = arith.constant 0 : i32
      %dma_start3A_108 = arith.constant 0 : i32
      %dma_start3A_109 = arith.constant 0 : i32
      %dma_start3A_110 = tpu.memref_slice %arg7[%dma_start3A_104, %dma_start3A_108, %dma_start3A_109] : memref<3x128x128xf32, #tpu.memory_space<vmem>> -> memref<1x128x128xf32, #tpu.memory_space<vmem>>
      %dma_start3A_111 = tpu.memref_squeeze %dma_start3A_110 : memref<1x128x128xf32, #tpu.memory_space<vmem>> -> memref<128x128xf32, #tpu.memory_space<vmem>>
      %dma_start3A_112 = arith.constant 0 : i32
      %dma_start3A_113 = tpu.memref_slice %arg6[%dma_start3A_105, %dma_start3A_106, %dma_start3A_112] : memref<3x2x128xi32, #tpu.memory_space<vmem>> -> memref<1x1x128xi32, #tpu.memory_space<vmem>>
      %dma_start3A_114 = tpu.memref_squeeze %dma_start3A_113 : memref<1x1x128xi32, #tpu.memory_space<vmem>> -> memref<128xi32, #tpu.memory_space<vmem>>
      %dma_start3A_115 = arith.constant 0 : i32
      %dma_start3A_116 = arith.constant 0 : i32
      %dma_start3A_117 = tpu.memref_slice %arg5[%dma_start3A_115, %dma_start3A_116] : memref<10000x128xf32, #tpu.memory_space<vmem_shared>> -> memref<10000x128xf32, #tpu.memory_space<vmem_shared>>
      %dma_start3A_118 = tpu.memref_slice %arg9[%dma_start3A_107] : memref<3x!tpu.dma_semaphore, #tpu.memory_space<semaphore_mem>> -> memref<1x!tpu.dma_semaphore, #tpu.memory_space<semaphore_mem>>
      %dma_start3A_119 = tpu.memref_squeeze %dma_start3A_118 : memref<1x!tpu.dma_semaphore, #tpu.memory_space<semaphore_mem>> -> memref<!tpu.dma_semaphore, #tpu.memory_space<semaphore_mem>>
      tpu.enqueue_indirect_dma source(%dma_start3A_111 : memref<128x128xf32, #tpu.memory_space<vmem>>) target(%dma_start3A_117 : memref<10000x128xf32, #tpu.memory_space<vmem_shared>>) offsets(%dma_start3A_114 : memref<128xi32, #tpu.memory_space<vmem>>) semaphore(%dma_start3A_119 : memref<!tpu.dma_semaphore, #tpu.memory_space<semaphore_mem>>) {add = true}
      %dma_wait3A_120 = arith.constant 1 : i32
      %dma_wait3A_121 = arith.constant 0 : i32
      %dma_wait3A_122 = arith.constant 1 : i32
      %dma_wait3A_123 = arith.constant 1 : i32
      %dma_wait3A_124 = arith.constant 0 : i32
      %dma_wait3A_125 = arith.constant 0 : i32
      %dma_wait3A_126 = tpu.memref_slice %arg7[%dma_wait3A_122, %dma_wait3A_124, %dma_wait3A_125] : memref<3x128x128xf32, #tpu.memory_space<vmem>> -> memref<1x128x128xf32, #tpu.memory_space<vmem>>
      %dma_wait3A_127 = tpu.memref_squeeze %dma_wait3A_126 : memref<1x128x128xf32, #tpu.memory_space<vmem>> -> memref<128x128xf32, #tpu.memory_space<vmem>>
      %dma_wait3A_128 = arith.constant 0 : i32
      %dma_wait3A_129 = tpu.memref_slice %arg6[%dma_wait3A_120, %dma_wait3A_121, %dma_wait3A_128] : memref<3x2x128xi32, #tpu.memory_space<vmem>> -> memref<1x1x128xi32, #tpu.memory_space<vmem>>
      %dma_wait3A_130 = tpu.memref_squeeze %dma_wait3A_129 : memref<1x1x128xi32, #tpu.memory_space<vmem>> -> memref<128xi32, #tpu.memory_space<vmem>>
      %dma_wait3A_131 = arith.constant 0 : i32
      %dma_wait3A_132 = arith.constant 0 : i32
      %dma_wait3A_133 = tpu.memref_slice %arg2[%dma_wait3A_131, %dma_wait3A_132] : memref<10000x128xf32, #tpu.memory_space<hbm>> -> memref<10000x128xf32, #tpu.memory_space<hbm>>
      %dma_wait3A_134 = tpu.memref_slice %arg8[%dma_wait3A_123] : memref<3x!tpu.dma_semaphore, #tpu.memory_space<semaphore_mem>> -> memref<1x!tpu.dma_semaphore, #tpu.memory_space<semaphore_mem>>
      %dma_wait3A_135 = tpu.memref_squeeze %dma_wait3A_134 : memref<1x!tpu.dma_semaphore, #tpu.memory_space<semaphore_mem>> -> memref<!tpu.dma_semaphore, #tpu.memory_space<semaphore_mem>>
      tpu.wait_indirect_dma semaphore(%dma_wait3A_135 : memref<!tpu.dma_semaphore, #tpu.memory_space<semaphore_mem>>) src(%dma_wait3A_133 : memref<10000x128xf32, #tpu.memory_space<hbm>>) dst(%dma_wait3A_127 : memref<128x128xf32, #tpu.memory_space<vmem>>)
      %dma_start3A_136 = arith.constant 1 : i32
      %dma_start3A_137 = arith.constant 1 : i32
      %dma_start3A_138 = arith.constant 1 : i32
      %dma_start3A_139 = arith.constant 1 : i32
      %dma_start3A_140 = arith.constant 0 : i32
      %dma_start3A_141 = arith.constant 0 : i32
      %dma_start3A_142 = tpu.memref_slice %arg7[%dma_start3A_136, %dma_start3A_140, %dma_start3A_141] : memref<3x128x128xf32, #tpu.memory_space<vmem>> -> memref<1x128x128xf32, #tpu.memory_space<vmem>>
      %dma_start3A_143 = tpu.memref_squeeze %dma_start3A_142 : memref<1x128x128xf32, #tpu.memory_space<vmem>> -> memref<128x128xf32, #tpu.memory_space<vmem>>
      %dma_start3A_144 = arith.constant 0 : i32
      %dma_start3A_145 = tpu.memref_slice %arg6[%dma_start3A_137, %dma_start3A_138, %dma_start3A_144] : memref<3x2x128xi32, #tpu.memory_space<vmem>> -> memref<1x1x128xi32, #tpu.memory_space<vmem>>
      %dma_start3A_146 = tpu.memref_squeeze %dma_start3A_145 : memref<1x1x128xi32, #tpu.memory_space<vmem>> -> memref<128xi32, #tpu.memory_space<vmem>>
      %dma_start3A_147 = arith.constant 0 : i32
      %dma_start3A_148 = arith.constant 0 : i32
      %dma_start3A_149 = tpu.memref_slice %arg5[%dma_start3A_147, %dma_start3A_148] : memref<10000x128xf32, #tpu.memory_space<vmem_shared>> -> memref<10000x128xf32, #tpu.memory_space<vmem_shared>>
      %dma_start3A_150 = tpu.memref_slice %arg9[%dma_start3A_139] : memref<3x!tpu.dma_semaphore, #tpu.memory_space<semaphore_mem>> -> memref<1x!tpu.dma_semaphore, #tpu.memory_space<semaphore_mem>>
      %dma_start3A_151 = tpu.memref_squeeze %dma_start3A_150 : memref<1x!tpu.dma_semaphore, #tpu.memory_space<semaphore_mem>> -> memref<!tpu.dma_semaphore, #tpu.memory_space<semaphore_mem>>
      tpu.enqueue_indirect_dma source(%dma_start3A_143 : memref<128x128xf32, #tpu.memory_space<vmem>>) target(%dma_start3A_149 : memref<10000x128xf32, #tpu.memory_space<vmem_shared>>) offsets(%dma_start3A_146 : memref<128xi32, #tpu.memory_space<vmem>>) semaphore(%dma_start3A_151 : memref<!tpu.dma_semaphore, #tpu.memory_space<semaphore_mem>>) {add = true}
      %dma_wait3A_152 = arith.constant 2 : i32
      %dma_wait3A_153 = arith.constant 0 : i32
      %dma_wait3A_154 = arith.constant 2 : i32
      %dma_wait3A_155 = arith.constant 2 : i32
      %dma_wait3A_156 = arith.constant 0 : i32
      %dma_wait3A_157 = arith.constant 0 : i32
      %dma_wait3A_158 = tpu.memref_slice %arg7[%dma_wait3A_154, %dma_wait3A_156, %dma_wait3A_157] : memref<3x128x128xf32, #tpu.memory_space<vmem>> -> memref<1x128x128xf32, #tpu.memory_space<vmem>>
      %dma_wait3A_159 = tpu.memref_squeeze %dma_wait3A_158 : memref<1x128x128xf32, #tpu.memory_space<vmem>> -> memref<128x128xf32, #tpu.memory_space<vmem>>
      %dma_wait3A_160 = arith.constant 0 : i32
      %dma_wait3A_161 = tpu.memref_slice %arg6[%dma_wait3A_152, %dma_wait3A_153, %dma_wait3A_160] : memref<3x2x128xi32, #tpu.memory_space<vmem>> -> memref<1x1x128xi32, #tpu.memory_space<vmem>>
      %dma_wait3A_162 = tpu.memref_squeeze %dma_wait3A_161 : memref<1x1x128xi32, #tpu.memory_space<vmem>> -> memref<128xi32, #tpu.memory_space<vmem>>
      %dma_wait3A_163 = arith.constant 0 : i32
      %dma_wait3A_164 = arith.constant 0 : i32
      %dma_wait3A_165 = tpu.memref_slice %arg2[%dma_wait3A_163, %dma_wait3A_164] : memref<10000x128xf32, #tpu.memory_space<hbm>> -> memref<10000x128xf32, #tpu.memory_space<hbm>>
      %dma_wait3A_166 = tpu.memref_slice %arg8[%dma_wait3A_155] : memref<3x!tpu.dma_semaphore, #tpu.memory_space<semaphore_mem>> -> memref<1x!tpu.dma_semaphore, #tpu.memory_space<semaphore_mem>>
      %dma_wait3A_167 = tpu.memref_squeeze %dma_wait3A_166 : memref<1x!tpu.dma_semaphore, #tpu.memory_space<semaphore_mem>> -> memref<!tpu.dma_semaphore, #tpu.memory_space<semaphore_mem>>
      tpu.wait_indirect_dma semaphore(%dma_wait3A_167 : memref<!tpu.dma_semaphore, #tpu.memory_space<semaphore_mem>>) src(%dma_wait3A_165 : memref<10000x128xf32, #tpu.memory_space<hbm>>) dst(%dma_wait3A_159 : memref<128x128xf32, #tpu.memory_space<vmem>>)
      %dma_start3A_168 = arith.constant 2 : i32
      %dma_start3A_169 = arith.constant 2 : i32
      %dma_start3A_170 = arith.constant 1 : i32
      %dma_start3A_171 = arith.constant 2 : i32
      %dma_start3A_172 = arith.constant 0 : i32
      %dma_start3A_173 = arith.constant 0 : i32
      %dma_start3A_174 = tpu.memref_slice %arg7[%dma_start3A_168, %dma_start3A_172, %dma_start3A_173] : memref<3x128x128xf32, #tpu.memory_space<vmem>> -> memref<1x128x128xf32, #tpu.memory_space<vmem>>
      %dma_start3A_175 = tpu.memref_squeeze %dma_start3A_174 : memref<1x128x128xf32, #tpu.memory_space<vmem>> -> memref<128x128xf32, #tpu.memory_space<vmem>>
      %dma_start3A_176 = arith.constant 0 : i32
      %dma_start3A_177 = tpu.memref_slice %arg6[%dma_start3A_169, %dma_start3A_170, %dma_start3A_176] : memref<3x2x128xi32, #tpu.memory_space<vmem>> -> memref<1x1x128xi32, #tpu.memory_space<vmem>>
      %dma_start3A_178 = tpu.memref_squeeze %dma_start3A_177 : memref<1x1x128xi32, #tpu.memory_space<vmem>> -> memref<128xi32, #tpu.memory_space<vmem>>
      %dma_start3A_179 = arith.constant 0 : i32
      %dma_start3A_180 = arith.constant 0 : i32
      %dma_start3A_181 = tpu.memref_slice %arg5[%dma_start3A_179, %dma_start3A_180] : memref<10000x128xf32, #tpu.memory_space<vmem_shared>> -> memref<10000x128xf32, #tpu.memory_space<vmem_shared>>
      %dma_start3A_182 = tpu.memref_slice %arg9[%dma_start3A_171] : memref<3x!tpu.dma_semaphore, #tpu.memory_space<semaphore_mem>> -> memref<1x!tpu.dma_semaphore, #tpu.memory_space<semaphore_mem>>
      %dma_start3A_183 = tpu.memref_squeeze %dma_start3A_182 : memref<1x!tpu.dma_semaphore, #tpu.memory_space<semaphore_mem>> -> memref<!tpu.dma_semaphore, #tpu.memory_space<semaphore_mem>>
      tpu.enqueue_indirect_dma source(%dma_start3A_175 : memref<128x128xf32, #tpu.memory_space<vmem>>) target(%dma_start3A_181 : memref<10000x128xf32, #tpu.memory_space<vmem_shared>>) offsets(%dma_start3A_178 : memref<128xi32, #tpu.memory_space<vmem>>) semaphore(%dma_start3A_183 : memref<!tpu.dma_semaphore, #tpu.memory_space<semaphore_mem>>) {add = true}
      %dma_wait3A_184 = arith.constant 0 : i32
      %dma_wait3A_185 = arith.constant 0 : i32
      %dma_wait3A_186 = arith.constant 1 : i32
      %dma_wait3A_187 = arith.constant 0 : i32
      %dma_wait3A_188 = arith.constant 0 : i32
      %dma_wait3A_189 = arith.constant 0 : i32
      %dma_wait3A_190 = tpu.memref_slice %arg7[%dma_wait3A_184, %dma_wait3A_188, %dma_wait3A_189] : memref<3x128x128xf32, #tpu.memory_space<vmem>> -> memref<1x128x128xf32, #tpu.memory_space<vmem>>
      %dma_wait3A_191 = tpu.memref_squeeze %dma_wait3A_190 : memref<1x128x128xf32, #tpu.memory_space<vmem>> -> memref<128x128xf32, #tpu.memory_space<vmem>>
      %dma_wait3A_192 = arith.constant 0 : i32
      %dma_wait3A_193 = tpu.memref_slice %arg6[%dma_wait3A_185, %dma_wait3A_186, %dma_wait3A_192] : memref<3x2x128xi32, #tpu.memory_space<vmem>> -> memref<1x1x128xi32, #tpu.memory_space<vmem>>
      %dma_wait3A_194 = tpu.memref_squeeze %dma_wait3A_193 : memref<1x1x128xi32, #tpu.memory_space<vmem>> -> memref<128xi32, #tpu.memory_space<vmem>>
      %dma_wait3A_195 = arith.constant 0 : i32
      %dma_wait3A_196 = arith.constant 0 : i32
      %dma_wait3A_197 = tpu.memref_slice %arg5[%dma_wait3A_195, %dma_wait3A_196] : memref<10000x128xf32, #tpu.memory_space<vmem_shared>> -> memref<10000x128xf32, #tpu.memory_space<vmem_shared>>
      %dma_wait3A_198 = tpu.memref_slice %arg9[%dma_wait3A_187] : memref<3x!tpu.dma_semaphore, #tpu.memory_space<semaphore_mem>> -> memref<1x!tpu.dma_semaphore, #tpu.memory_space<semaphore_mem>>
      %dma_wait3A_199 = tpu.memref_squeeze %dma_wait3A_198 : memref<1x!tpu.dma_semaphore, #tpu.memory_space<semaphore_mem>> -> memref<!tpu.dma_semaphore, #tpu.memory_space<semaphore_mem>>
      tpu.wait_indirect_dma semaphore(%dma_wait3A_199 : memref<!tpu.dma_semaphore, #tpu.memory_space<semaphore_mem>>) src(%dma_wait3A_191 : memref<128x128xf32, #tpu.memory_space<vmem>>) dst(%dma_wait3A_197 : memref<10000x128xf32, #tpu.memory_space<vmem_shared>>)
      %dma_wait3A_200 = arith.constant 1 : i32
      %dma_wait3A_201 = arith.constant 1 : i32
      %dma_wait3A_202 = arith.constant 1 : i32
      %dma_wait3A_203 = arith.constant 1 : i32
      %dma_wait3A_204 = arith.constant 0 : i32
      %dma_wait3A_205 = arith.constant 0 : i32
      %dma_wait3A_206 = tpu.memref_slice %arg7[%dma_wait3A_200, %dma_wait3A_204, %dma_wait3A_205] : memref<3x128x128xf32, #tpu.memory_space<vmem>> -> memref<1x128x128xf32, #tpu.memory_space<vmem>>
      %dma_wait3A_207 = tpu.memref_squeeze %dma_wait3A_206 : memref<1x128x128xf32, #tpu.memory_space<vmem>> -> memref<128x128xf32, #tpu.memory_space<vmem>>
      %dma_wait3A_208 = arith.constant 0 : i32
      %dma_wait3A_209 = tpu.memref_slice %arg6[%dma_wait3A_201, %dma_wait3A_202, %dma_wait3A_208] : memref<3x2x128xi32, #tpu.memory_space<vmem>> -> memref<1x1x128xi32, #tpu.memory_space<vmem>>
      %dma_wait3A_210 = tpu.memref_squeeze %dma_wait3A_209 : memref<1x1x128xi32, #tpu.memory_space<vmem>> -> memref<128xi32, #tpu.memory_space<vmem>>
      %dma_wait3A_211 = arith.constant 0 : i32
      %dma_wait3A_212 = arith.constant 0 : i32
      %dma_wait3A_213 = tpu.memref_slice %arg5[%dma_wait3A_211, %dma_wait3A_212] : memref<10000x128xf32, #tpu.memory_space<vmem_shared>> -> memref<10000x128xf32, #tpu.memory_space<vmem_shared>>
      %dma_wait3A_214 = tpu.memref_slice %arg9[%dma_wait3A_203] : memref<3x!tpu.dma_semaphore, #tpu.memory_space<semaphore_mem>> -> memref<1x!tpu.dma_semaphore, #tpu.memory_space<semaphore_mem>>
      %dma_wait3A_215 = tpu.memref_squeeze %dma_wait3A_214 : memref<1x!tpu.dma_semaphore, #tpu.memory_space<semaphore_mem>> -> memref<!tpu.dma_semaphore, #tpu.memory_space<semaphore_mem>>
      tpu.wait_indirect_dma semaphore(%dma_wait3A_215 : memref<!tpu.dma_semaphore, #tpu.memory_space<semaphore_mem>>) src(%dma_wait3A_207 : memref<128x128xf32, #tpu.memory_space<vmem>>) dst(%dma_wait3A_213 : memref<10000x128xf32, #tpu.memory_space<vmem_shared>>)
      %dma_wait3A_216 = arith.constant 2 : i32
      %dma_wait3A_217 = arith.constant 2 : i32
      %dma_wait3A_218 = arith.constant 1 : i32
      %dma_wait3A_219 = arith.constant 2 : i32
      %dma_wait3A_220 = arith.constant 0 : i32
      %dma_wait3A_221 = arith.constant 0 : i32
      %dma_wait3A_222 = tpu.memref_slice %arg7[%dma_wait3A_216, %dma_wait3A_220, %dma_wait3A_221] : memref<3x128x128xf32, #tpu.memory_space<vmem>> -> memref<1x128x128xf32, #tpu.memory_space<vmem>>
      %dma_wait3A_223 = tpu.memref_squeeze %dma_wait3A_222 : memref<1x128x128xf32, #tpu.memory_space<vmem>> -> memref<128x128xf32, #tpu.memory_space<vmem>>
      %dma_wait3A_224 = arith.constant 0 : i32
      %dma_wait3A_225 = tpu.memref_slice %arg6[%dma_wait3A_217, %dma_wait3A_218, %dma_wait3A_224] : memref<3x2x128xi32, #tpu.memory_space<vmem>> -> memref<1x1x128xi32, #tpu.memory_space<vmem>>
      %dma_wait3A_226 = tpu.memref_squeeze %dma_wait3A_225 : memref<1x1x128xi32, #tpu.memory_space<vmem>> -> memref<128xi32, #tpu.memory_space<vmem>>
      %dma_wait3A_227 = arith.constant 0 : i32
      %dma_wait3A_228 = arith.constant 0 : i32
      %dma_wait3A_229 = tpu.memref_slice %arg5[%dma_wait3A_227, %dma_wait3A_228] : memref<10000x128xf32, #tpu.memory_space<vmem_shared>> -> memref<10000x128xf32, #tpu.memory_space<vmem_shared>>
      %dma_wait3A_230 = tpu.memref_slice %arg9[%dma_wait3A_219] : memref<3x!tpu.dma_semaphore, #tpu.memory_space<semaphore_mem>> -> memref<1x!tpu.dma_semaphore, #tpu.memory_space<semaphore_mem>>
      %dma_wait3A_231 = tpu.memref_squeeze %dma_wait3A_230 : memref<1x!tpu.dma_semaphore, #tpu.memory_space<semaphore_mem>> -> memref<!tpu.dma_semaphore, #tpu.memory_space<semaphore_mem>>
      tpu.wait_indirect_dma semaphore(%dma_wait3A_231 : memref<!tpu.dma_semaphore, #tpu.memory_space<semaphore_mem>>) src(%dma_wait3A_223 : memref<128x128xf32, #tpu.memory_space<vmem>>) dst(%dma_wait3A_229 : memref<10000x128xf32, #tpu.memory_space<vmem_shared>>)
    }
    %scan3A_15 = arith.constant 26 : i32
    %lt3A = arith.constant 4 : i32
    %lt3A_16 = arith.cmpi slt, %add3A, %lt3A : i32
    %convert_element_type3A = arith.extui %lt3A_16 : i1 to i32
    %cond3A = arith.constant 0 : i32
    %cond3A_17 = arith.cmpi ne, %convert_element_type3A, %cond3A : i32
    scf.if %cond3A_17 {
      %add3A_24 = arith.constant 2496 : i32
      %add3A_25 = arith.addi %add3A_24, %add3A : i32
      %run_scoped3A = arith.constant 0 : i32
      "tpu.region"() ({
        %run_scoped3A_59 = tpu.sem_alloc : memref<!tpu.dma_semaphore, #tpu.memory_space<semaphore_mem>>
        %dma_start3A_60 = arith.constant 0 : i32
        %dma_start3A_61 = arith.constant 0 : i32
        %dma_start3A_62 = tpu.memref_slice %arg6[%run_scoped3A, %dma_start3A_60, %dma_start3A_61] : memref<3x2x128xi32, #tpu.memory_space<vmem>> -> memref<1x2x128xi32, #tpu.memory_space<vmem>>
        %dma_start3A_63 = tpu.memref_squeeze %dma_start3A_62 : memref<1x2x128xi32, #tpu.memory_space<vmem>> -> memref<2x128xi32, #tpu.memory_space<vmem>>
        %dma_start3A_64 = arith.constant 0 : i32
        %dma_start3A_65 = arith.constant 0 : i32
        %dma_start3A_66 = tpu.memref_slice %arg3[%add3A_25, %dma_start3A_64, %dma_start3A_65] : memref<2500x2x128xi32, #tpu.memory_space<hbm>> -> memref<1x2x128xi32, #tpu.memory_space<hbm>>
        %dma_start3A_67 = tpu.memref_squeeze %dma_start3A_66 : memref<1x2x128xi32, #tpu.memory_space<hbm>> -> memref<2x128xi32, #tpu.memory_space<hbm>>
        %dma_start3A_68 = arith.constant 0 : i32
        %dma_start3A_69 = arith.constant 0 : i32
        %dma_start3A_70 = tpu.memref_slice %arg6[%run_scoped3A, %dma_start3A_68, %dma_start3A_69] : memref<3x2x128xi32, #tpu.memory_space<vmem>> -> memref<1x2x128xi32, #tpu.memory_space<vmem>>
        %dma_start3A_71 = tpu.memref_squeeze %dma_start3A_70 : memref<1x2x128xi32, #tpu.memory_space<vmem>> -> memref<2x128xi32, #tpu.memory_space<vmem>>
        %dma_start3A_72 = arith.constant 0 : i32
        %dma_start3A_73 = arith.constant 0 : i32
        %dma_start3A_74 = tpu.memref_slice %arg3[%add3A_25, %dma_start3A_72, %dma_start3A_73] : memref<2500x2x128xi32, #tpu.memory_space<hbm>> -> memref<1x2x128xi32, #tpu.memory_space<hbm>>
        %dma_start3A_75 = tpu.memref_squeeze %dma_start3A_74 : memref<1x2x128xi32, #tpu.memory_space<hbm>> -> memref<2x128xi32, #tpu.memory_space<hbm>>
        tpu.enqueue_dma source(%dma_start3A_75 : memref<2x128xi32, #tpu.memory_space<hbm>>) target(%dma_start3A_71 : memref<2x128xi32, #tpu.memory_space<vmem>>) target_semaphore(%run_scoped3A_59 : memref<!tpu.dma_semaphore, #tpu.memory_space<semaphore_mem>>)
        %dma_wait3A_76 = arith.constant 0 : i32
        %dma_wait3A_77 = arith.constant 0 : i32
        %dma_wait3A_78 = tpu.memref_slice %arg6[%run_scoped3A, %dma_wait3A_76, %dma_wait3A_77] : memref<3x2x128xi32, #tpu.memory_space<vmem>> -> memref<1x2x128xi32, #tpu.memory_space<vmem>>
        %dma_wait3A_79 = tpu.memref_squeeze %dma_wait3A_78 : memref<1x2x128xi32, #tpu.memory_space<vmem>> -> memref<2x128xi32, #tpu.memory_space<vmem>>
        %dma_wait3A_80 = arith.constant 0 : i32
        %dma_wait3A_81 = arith.constant 0 : i32
        %dma_wait3A_82 = tpu.memref_slice %arg3[%add3A_25, %dma_wait3A_80, %dma_wait3A_81] : memref<2500x2x128xi32, #tpu.memory_space<hbm>> -> memref<1x2x128xi32, #tpu.memory_space<hbm>>
        %dma_wait3A_83 = tpu.memref_squeeze %dma_wait3A_82 : memref<1x2x128xi32, #tpu.memory_space<hbm>> -> memref<2x128xi32, #tpu.memory_space<hbm>>
        %dma_wait3A_84 = arith.constant 0 : i32
        %dma_wait3A_85 = arith.constant 0 : i32
        %dma_wait3A_86 = tpu.memref_slice %arg6[%run_scoped3A, %dma_wait3A_84, %dma_wait3A_85] : memref<3x2x128xi32, #tpu.memory_space<vmem>> -> memref<1x2x128xi32, #tpu.memory_space<vmem>>
        %dma_wait3A_87 = tpu.memref_squeeze %dma_wait3A_86 : memref<1x2x128xi32, #tpu.memory_space<vmem>> -> memref<2x128xi32, #tpu.memory_space<vmem>>
        %dma_wait3A_88 = arith.constant 0 : i32
        %dma_wait3A_89 = arith.constant 0 : i32
        %dma_wait3A_90 = tpu.memref_slice %arg3[%add3A_25, %dma_wait3A_88, %dma_wait3A_89] : memref<2500x2x128xi32, #tpu.memory_space<hbm>> -> memref<1x2x128xi32, #tpu.memory_space<hbm>>
        %dma_wait3A_91 = tpu.memref_squeeze %dma_wait3A_90 : memref<1x2x128xi32, #tpu.memory_space<hbm>> -> memref<2x128xi32, #tpu.memory_space<hbm>>
        tpu.wait_dma2 semaphore(%run_scoped3A_59 : memref<!tpu.dma_semaphore, #tpu.memory_space<semaphore_mem>>) src(%dma_wait3A_91 : memref<2x128xi32, #tpu.memory_space<hbm>>) dst(%dma_wait3A_87 : memref<2x128xi32, #tpu.memory_space<vmem>>)
        tpu.yield
      }) : () -> ()
      %dma_start3A = arith.constant 0 : i32
      %dma_start3A_26 = arith.constant 0 : i32
      %dma_start3A_27 = arith.constant 0 : i32
      %dma_start3A_28 = arith.constant 0 : i32
      %dma_start3A_29 = arith.constant 0 : i32
      %dma_start3A_30 = arith.constant 0 : i32
      %dma_start3A_31 = tpu.memref_slice %arg7[%dma_start3A_27, %dma_start3A_29, %dma_start3A_30] : memref<3x128x128xf32, #tpu.memory_space<vmem>> -> memref<1x128x128xf32, #tpu.memory_space<vmem>>
      %dma_start3A_32 = tpu.memref_squeeze %dma_start3A_31 : memref<1x128x128xf32, #tpu.memory_space<vmem>> -> memref<128x128xf32, #tpu.memory_space<vmem>>
      %dma_start3A_33 = arith.constant 0 : i32
      %dma_start3A_34 = tpu.memref_slice %arg6[%dma_start3A, %dma_start3A_26, %dma_start3A_33] : memref<3x2x128xi32, #tpu.memory_space<vmem>> -> memref<1x1x128xi32, #tpu.memory_space<vmem>>
      %dma_start3A_35 = tpu.memref_squeeze %dma_start3A_34 : memref<1x1x128xi32, #tpu.memory_space<vmem>> -> memref<128xi32, #tpu.memory_space<vmem>>
      %dma_start3A_36 = arith.constant 0 : i32
      %dma_start3A_37 = arith.constant 0 : i32
      %dma_start3A_38 = tpu.memref_slice %arg2[%dma_start3A_36, %dma_start3A_37] : memref<10000x128xf32, #tpu.memory_space<hbm>> -> memref<10000x128xf32, #tpu.memory_space<hbm>>
      %dma_start3A_39 = tpu.memref_slice %arg8[%dma_start3A_28] : memref<3x!tpu.dma_semaphore, #tpu.memory_space<semaphore_mem>> -> memref<1x!tpu.dma_semaphore, #tpu.memory_space<semaphore_mem>>
      %dma_start3A_40 = tpu.memref_squeeze %dma_start3A_39 : memref<1x!tpu.dma_semaphore, #tpu.memory_space<semaphore_mem>> -> memref<!tpu.dma_semaphore, #tpu.memory_space<semaphore_mem>>
      tpu.enqueue_indirect_dma source(%dma_start3A_38 : memref<10000x128xf32, #tpu.memory_space<hbm>>) target(%dma_start3A_32 : memref<128x128xf32, #tpu.memory_space<vmem>>) offsets(%dma_start3A_35 : memref<128xi32, #tpu.memory_space<vmem>>) semaphore(%dma_start3A_40 : memref<!tpu.dma_semaphore, #tpu.memory_space<semaphore_mem>>)
      %dma_wait3A = arith.constant 0 : i32
      %dma_wait3A_41 = arith.constant 0 : i32
      %dma_wait3A_42 = arith.constant 0 : i32
      %dma_wait3A_43 = arith.constant 0 : i32
      %dma_wait3A_44 = arith.constant 0 : i32
      %dma_wait3A_45 = arith.constant 0 : i32
      %dma_wait3A_46 = tpu.memref_slice %arg7[%dma_wait3A_42, %dma_wait3A_44, %dma_wait3A_45] : memref<3x128x128xf32, #tpu.memory_space<vmem>> -> memref<1x128x128xf32, #tpu.memory_space<vmem>>
      %dma_wait3A_47 = tpu.memref_squeeze %dma_wait3A_46 : memref<1x128x128xf32, #tpu.memory_space<vmem>> -> memref<128x128xf32, #tpu.memory_space<vmem>>
      %dma_wait3A_48 = arith.constant 0 : i32
      %dma_wait3A_49 = tpu.memref_slice %arg6[%dma_wait3A, %dma_wait3A_41, %dma_wait3A_48] : memref<3x2x128xi32, #tpu.memory_space<vmem>> -> memref<1x1x128xi32, #tpu.memory_space<vmem>>
      %dma_wait3A_50 = tpu.memref_squeeze %dma_wait3A_49 : memref<1x1x128xi32, #tpu.memory_space<vmem>> -> memref<128xi32, #tpu.memory_space<vmem>>
      %dma_wait3A_51 = arith.constant 0 : i32
      %dma_wait3A_52 = arith.constant 0 : i32
      %dma_wait3A_53 = tpu.memref_slice %arg2[%dma_wait3A_51, %dma_wait3A_52] : memref<10000x128xf32, #tpu.memory_space<hbm>> -> memref<10000x128xf32, #tpu.memory_space<hbm>>
      %dma_wait3A_54 = tpu.memref_slice %arg8[%dma_wait3A_43] : memref<3x!tpu.dma_semaphore, #tpu.memory_space<semaphore_mem>> -> memref<1x!tpu.dma_semaphore, #tpu.memory_space<semaphore_mem>>
      %dma_wait3A_55 = tpu.memref_squeeze %dma_wait3A_54 : memref<1x!tpu.dma_semaphore, #tpu.memory_space<semaphore_mem>> -> memref<!tpu.dma_semaphore, #tpu.memory_space<semaphore_mem>>
      tpu.wait_indirect_dma semaphore(%dma_wait3A_55 : memref<!tpu.dma_semaphore, #tpu.memory_space<semaphore_mem>>) src(%dma_wait3A_53 : memref<10000x128xf32, #tpu.memory_space<hbm>>) dst(%dma_wait3A_47 : memref<128x128xf32, #tpu.memory_space<vmem>>)
      %run_scoped3A_56 = arith.constant 0 : i32
      %run_scoped3A_57 = arith.constant 0 : i32
      %run_scoped3A_58 = arith.constant 1 : i32
      "tpu.region"() ({
        %run_scoped3A_59 = tpu.sem_alloc : memref<!tpu.dma_semaphore, #tpu.memory_space<semaphore_mem>>
        %dma_start3A_60 = arith.constant 0 : i32
        %dma_start3A_61 = arith.constant 0 : i32
        %dma_start3A_62 = tpu.memref_slice %arg7[%run_scoped3A_56, %dma_start3A_60, %dma_start3A_61] : memref<3x128x128xf32, #tpu.memory_space<vmem>> -> memref<1x128x128xf32, #tpu.memory_space<vmem>>
        %dma_start3A_63 = tpu.memref_squeeze %dma_start3A_62 : memref<1x128x128xf32, #tpu.memory_space<vmem>> -> memref<128x128xf32, #tpu.memory_space<vmem>>
        %dma_start3A_64 = arith.constant 0 : i32
        %dma_start3A_65 = tpu.memref_slice %arg6[%run_scoped3A_57, %run_scoped3A_58, %dma_start3A_64] : memref<3x2x128xi32, #tpu.memory_space<vmem>> -> memref<1x1x128xi32, #tpu.memory_space<vmem>>
        %dma_start3A_66 = tpu.memref_squeeze %dma_start3A_65 : memref<1x1x128xi32, #tpu.memory_space<vmem>> -> memref<128xi32, #tpu.memory_space<vmem>>
        %dma_start3A_67 = arith.constant 0 : i32
        %dma_start3A_68 = arith.constant 0 : i32
        %dma_start3A_69 = tpu.memref_slice %arg5[%dma_start3A_67, %dma_start3A_68] : memref<10000x128xf32, #tpu.memory_space<vmem_shared>> -> memref<10000x128xf32, #tpu.memory_space<vmem_shared>>
        tpu.enqueue_indirect_dma source(%dma_start3A_63 : memref<128x128xf32, #tpu.memory_space<vmem>>) target(%dma_start3A_69 : memref<10000x128xf32, #tpu.memory_space<vmem_shared>>) offsets(%dma_start3A_66 : memref<128xi32, #tpu.memory_space<vmem>>) semaphore(%run_scoped3A_59 : memref<!tpu.dma_semaphore, #tpu.memory_space<semaphore_mem>>) {add = true}
        %dma_wait3A_70 = arith.constant 0 : i32
        %dma_wait3A_71 = arith.constant 0 : i32
        %dma_wait3A_72 = tpu.memref_slice %arg7[%run_scoped3A_56, %dma_wait3A_70, %dma_wait3A_71] : memref<3x128x128xf32, #tpu.memory_space<vmem>> -> memref<1x128x128xf32, #tpu.memory_space<vmem>>
        %dma_wait3A_73 = tpu.memref_squeeze %dma_wait3A_72 : memref<1x128x128xf32, #tpu.memory_space<vmem>> -> memref<128x128xf32, #tpu.memory_space<vmem>>
        %dma_wait3A_74 = arith.constant 0 : i32
        %dma_wait3A_75 = tpu.memref_slice %arg6[%run_scoped3A_57, %run_scoped3A_58, %dma_wait3A_74] : memref<3x2x128xi32, #tpu.memory_space<vmem>> -> memref<1x1x128xi32, #tpu.memory_space<vmem>>
        %dma_wait3A_76 = tpu.memref_squeeze %dma_wait3A_75 : memref<1x1x128xi32, #tpu.memory_space<vmem>> -> memref<128xi32, #tpu.memory_space<vmem>>
        %dma_wait3A_77 = arith.constant 0 : i32
        %dma_wait3A_78 = arith.constant 0 : i32
        %dma_wait3A_79 = tpu.memref_slice %arg5[%dma_wait3A_77, %dma_wait3A_78] : memref<10000x128xf32, #tpu.memory_space<vmem_shared>> -> memref<10000x128xf32, #tpu.memory_space<vmem_shared>>
        tpu.wait_indirect_dma semaphore(%run_scoped3A_59 : memref<!tpu.dma_semaphore, #tpu.memory_space<semaphore_mem>>) src(%dma_wait3A_73 : memref<128x128xf32, #tpu.memory_space<vmem>>) dst(%dma_wait3A_79 : memref<10000x128xf32, #tpu.memory_space<vmem_shared>>)
        tpu.yield
      }) : () -> ()
    } else {
    }
    %barrier3A_18 = arith.constant 0 : index
    tpu.barrier barrier_id(%barrier3A_18)
    %scan3A_19 = arith.constant 0 : i32
    %scan3A_20 = arith.constant 8 : i32
    %scan3A_21 = arith.addi %scan3A_19, %scan3A_20 : i32
    %scan3A_22 = arith.constant 1 : i32
    scf.for %scan3A_24 = %scan3A_19 to %scan3A_21 step %scan3A_22  : i32 {
      %mul3A_25 = arith.constant 1 : i32
      %mul3A_26 = arith.muli %scan3A_24, %mul3A_25 : i32
      %add3A_27 = arith.constant 0 : i32
      %add3A_28 = arith.addi %add3A_27, %mul3A_26 : i32
      %mul3A_29 = arith.constant 16 : i32
      %mul3A_30 = arith.muli %add3A_28, %mul3A_29 : i32
      %add3A_31 = arith.addi %mul3A_30, %arg1 : i32
      %lt3A_32 = arith.constant 125 : i32
      %lt3A_33 = arith.cmpi slt, %add3A_31, %lt3A_32 : i32
      %convert_element_type3A_34 = arith.extui %lt3A_33 : i1 to i32
      %cond3A_35 = arith.constant 0 : i32
      %cond3A_36 = arith.cmpi ne, %convert_element_type3A_34, %cond3A_35 : i32
      scf.if %cond3A_36 {
        %mul3A_37 = arith.constant 80 : i32
        %mul3A_38 = arith.muli %add3A_31, %mul3A_37 : i32
        %mul3A_39 = arith.constant 80 : i32
        %mul3A_40 = arith.muli %add3A_31, %mul3A_39 : i32
        "tpu.region"() ({
          %run_scoped3A = tpu.sem_alloc : memref<!tpu.dma_semaphore, #tpu.memory_space<semaphore_mem>>
          %dma_start3A = arith.constant 0 : i32
          %dma_start3A_41 = tpu.memref_slice %arg4[%arg0, %mul3A_40, %dma_start3A] : memref<2x10000x128xf32, #tpu.memory_space<hbm>> -> memref<1x80x128xf32, #tpu.memory_space<hbm>>
          %dma_start3A_42 = tpu.memref_squeeze %dma_start3A_41 : memref<1x80x128xf32, #tpu.memory_space<hbm>> -> memref<80x128xf32, #tpu.memory_space<hbm>>
          %dma_start3A_43 = arith.constant 0 : i32
          %dma_start3A_44 = tpu.memref_slice %arg5[%mul3A_38, %dma_start3A_43] : memref<10000x128xf32, #tpu.memory_space<vmem_shared>> -> memref<80x128xf32, #tpu.memory_space<vmem_shared>>
          tpu.enqueue_dma source(%dma_start3A_44 : memref<80x128xf32, #tpu.memory_space<vmem_shared>>) target(%dma_start3A_42 : memref<80x128xf32, #tpu.memory_space<hbm>>) target_semaphore(%run_scoped3A : memref<!tpu.dma_semaphore, #tpu.memory_space<semaphore_mem>>)
          %dma_wait3A = arith.constant 0 : i32
          %dma_wait3A_45 = tpu.memref_slice %arg4[%arg0, %mul3A_40, %dma_wait3A] : memref<2x10000x128xf32, #tpu.memory_space<hbm>> -> memref<1x80x128xf32, #tpu.memory_space<hbm>>
          %dma_wait3A_46 = tpu.memref_squeeze %dma_wait3A_45 : memref<1x80x128xf32, #tpu.memory_space<hbm>> -> memref<80x128xf32, #tpu.memory_space<hbm>>
          %dma_wait3A_47 = arith.constant 0 : i32
          %dma_wait3A_48 = tpu.memref_slice %arg5[%mul3A_38, %dma_wait3A_47] : memref<10000x128xf32, #tpu.memory_space<vmem_shared>> -> memref<80x128xf32, #tpu.memory_space<vmem_shared>>
          tpu.wait_dma2 semaphore(%run_scoped3A : memref<!tpu.dma_semaphore, #tpu.memory_space<semaphore_mem>>) src(%dma_wait3A_48 : memref<80x128xf32, #tpu.memory_space<vmem_shared>>) dst(%dma_wait3A_46 : memref<80x128xf32, #tpu.memory_space<hbm>>)
          tpu.yield
        }) : () -> ()
      } else {
      }
    }
    %scan3A_23 = arith.constant 8 : i32
    return
  }
}

module attributes {stable_mosaic.version = 14 : i64} {
  func.func @_scale_body(%arg0: memref<10000x128xf32, #tpu.memory_space<vmem>>, %arg1: memref<32x1x10000xf32, #tpu.memory_space<vmem>>, %arg2: memref<10000x128xf32, #tpu.memory_space<vmem>>) attributes {dimension_semantics = [], scalar_prefetch = 0 : i64, scratch_operands = 0 : i64, tpu.core_type = #tpu.core_type<tc>} {
    %get3A = arith.constant 0 : index
    %get3A_0 = arith.constant 0 : index
    %get3A_1 = arith.constant 0 : index
    %get3A_2 = vector.load %arg1[%get3A, %get3A_0, %get3A_1] : memref<32x1x10000xf32, #tpu.memory_space<vmem>>, vector<32x1x10000xf32>
    %squeeze3A = vector.shape_cast %get3A_2 : vector<32x1x10000xf32> to vector<32x10000xf32>
    %broadcast_in_dim3A = arith.constant 1.000000e+00 : f32
    %broadcast_in_dim3A_3 = vector.broadcast %broadcast_in_dim3A : f32 to vector<32x1xf32>
    %dot_general3A = arith.constant dense<0.000000e+00> : vector<10000x1xf32>
    %dot_general3A_4 = tpu.matmul %squeeze3A, %broadcast_in_dim3A_3, %dot_general3A {dimension_numbers = #tpu.dot_dimension_numbers<[0], [0], [1], [1], [0, 1, 1, 1], [], []>, precision = #tpu.contract_precision<fp32>, transpose_lhs_hint = false} : vector<32x10000xf32>, vector<32x1xf32>, vector<10000x1xf32> -> vector<10000x1xf32>
    %gt3A = arith.constant 0.000000e+00 : f32
    %gt3A_5 = vector.broadcast %gt3A : f32 to vector<10000x1xf32>
    %gt3A_6 = arith.cmpf ogt, %dot_general3A_4, %gt3A_5 : vector<10000x1xf32>
    %rsqrt3A = math.rsqrt %dot_general3A_4 : vector<10000x1xf32>
    %jit3A = arith.constant 0.000000e+00 : f32
    %broadcast_in_dim3A_7 = vector.broadcast %jit3A : f32 to vector<10000x1xf32>
    %select_n3A = arith.select %gt3A_6, %rsqrt3A, %broadcast_in_dim3A_7 : vector<10000x1xi1>, vector<10000x1xf32>
    %get3A_8 = arith.constant 0 : index
    %get3A_9 = arith.constant 0 : index
    %get3A_10 = vector.load %arg0[%get3A_8, %get3A_9] : memref<10000x128xf32, #tpu.memory_space<vmem>>, vector<10000x128xf32>
    %mul3A = vector.broadcast %select_n3A : vector<10000x1xf32> to vector<10000x128xf32>
    %mul3A_11 = arith.mulf %get3A_10, %mul3A : vector<10000x128xf32>
    %swap3A = arith.constant 0 : index
    %swap3A_12 = arith.constant 0 : index
    %swap3A_13 = vector.load %arg2[%swap3A, %swap3A_12] : memref<10000x128xf32, #tpu.memory_space<vmem>>, vector<10000x128xf32>
    tpu.vector_store %arg2[%swap3A, %swap3A_12], %mul3A_11 {strides = array<i32>} : memref<10000x128xf32, #tpu.memory_space<vmem>>, vector<10000x128xf32>,
    return
  }
}

module attributes {stable_mosaic.version = 14 : i64} {
  func.func @_stage_a_body(%arg0: memref<10000x128xf32, #tpu.memory_space<vmem>>, %arg1: memref<128x128xf32, #tpu.memory_space<vmem>>, %arg2: memref<1x128xf32, #tpu.memory_space<vmem>>, %arg3: memref<1x128xf32, #tpu.memory_space<vmem>>, %arg4: memref<1x128xf32, #tpu.memory_space<vmem>>, %arg5: memref<10000x128xf32, #tpu.memory_space<vmem>>) attributes {dimension_semantics = [], scalar_prefetch = 0 : i64, scratch_operands = 0 : i64, tpu.core_type = #tpu.core_type<tc>} {
    %get3A = arith.constant 0 : index
    %get3A_0 = arith.constant 0 : index
    %get3A_1 = vector.load %arg0[%get3A, %get3A_0] : memref<10000x128xf32, #tpu.memory_space<vmem>>, vector<10000x128xf32>
    %get3A_2 = arith.constant 0 : index
    %get3A_3 = arith.constant 0 : index
    %get3A_4 = vector.load %arg1[%get3A_2, %get3A_3] : memref<128x128xf32, #tpu.memory_space<vmem>>, vector<128x128xf32>
    %dot_general3A = arith.constant dense<0.000000e+00> : vector<10000x128xf32>
    %dot_general3A_5 = tpu.matmul %get3A_1, %get3A_4, %dot_general3A {dimension_numbers = #tpu.dot_dimension_numbers<[1], [1], [0], [0], [0, 0, 1, 0], [], []>, precision = #tpu.contract_precision<fp32>, transpose_lhs_hint = false} : vector<10000x128xf32>, vector<128x128xf32>, vector<10000x128xf32> -> vector<10000x128xf32>
    %get3A_6 = arith.constant 0 : index
    %get3A_7 = arith.constant 0 : index
    %get3A_8 = vector.load %arg2[%get3A_6, %get3A_7] : memref<1x128xf32, #tpu.memory_space<vmem>>, vector<1x128xf32>
    %add3A = vector.broadcast %get3A_8 : vector<1x128xf32> to vector<10000x128xf32>
    %add3A_9 = arith.addf %dot_general3A_5, %add3A : vector<10000x128xf32>
    %get3A_10 = arith.constant 0 : index
    %get3A_11 = arith.constant 0 : index
    %get3A_12 = vector.load %arg3[%get3A_10, %get3A_11] : memref<1x128xf32, #tpu.memory_space<vmem>>, vector<1x128xf32>
    %get3A_13 = arith.constant 0 : index
    %get3A_14 = arith.constant 0 : index
    %get3A_15 = vector.load %arg4[%get3A_13, %get3A_14] : memref<1x128xf32, #tpu.memory_space<vmem>>, vector<1x128xf32>
    %reduce_sum3A = arith.constant dense<0.000000e+00> : vector<128xf32>
    %reduce_sum3A_16 = vector.multi_reduction <add>, %add3A_9, %reduce_sum3A [0] : vector<10000x128xf32> to vector<128xf32>
    %div3A = arith.constant 1.000000e+04 : f32
    %div3A_17 = vector.broadcast %div3A : f32 to vector<128xf32>
    %div3A_18 = arith.divf %reduce_sum3A_16, %div3A_17 : vector<128xf32>
    %jit3A = arith.constant 0 : i32
    %reduce_sum3A_19 = arith.constant dense<0.000000e+00> : vector<128xf32>
    %reduce_sum3A_20 = vector.multi_reduction <add>, %add3A_9, %reduce_sum3A_19 [0] : vector<10000x128xf32> to vector<128xf32>
    %broadcast_in_dim3A = vector.shape_cast %reduce_sum3A_20 : vector<128xf32> to vector<1x128xf32>
    %div3A_21 = arith.constant 1.000000e+04 : f32
    %div3A_22 = vector.broadcast %div3A_21 : f32 to vector<1x128xf32>
    %div3A_23 = arith.divf %broadcast_in_dim3A, %div3A_22 : vector<1x128xf32>
    %sub3A = vector.broadcast %div3A_23 : vector<1x128xf32> to vector<10000x128xf32>
    %sub3A_24 = arith.subf %add3A_9, %sub3A : vector<10000x128xf32>
    %square3A = arith.mulf %sub3A_24, %sub3A_24 : vector<10000x128xf32>
    %convert_element_type3A = arith.sitofp %jit3A : i32 to f32
    %sub3A_25 = arith.constant 1.000000e+04 : f32
    %sub3A_26 = arith.subf %sub3A_25, %convert_element_type3A : f32
    %reduce_sum3A_27 = arith.constant dense<0.000000e+00> : vector<128xf32>
    %reduce_sum3A_28 = vector.multi_reduction <add>, %square3A, %reduce_sum3A_27 [0] : vector<10000x128xf32> to vector<128xf32>
    %div3A_29 = vector.broadcast %sub3A_26 : f32 to vector<128xf32>
    %div3A_30 = arith.divf %reduce_sum3A_28, %div3A_29 : vector<128xf32>
    %gt3A = arith.constant 0.000000e+00 : f32
    %gt3A_31 = arith.cmpf ogt, %sub3A_26, %gt3A : f32
    %jit3A_32 = arith.constant 0x7FC00000 : f32
    %broadcast_in_dim3A_33 = vector.broadcast %jit3A_32 : f32 to vector<128xf32>
    %select_n3A = arith.select %gt3A_31, %div3A_30, %broadcast_in_dim3A_33 : vector<128xf32>
    %broadcast_in_dim3A_34 = vector.shape_cast %div3A_18 : vector<128xf32> to vector<1x128xf32>
    %sub3A_35 = vector.broadcast %broadcast_in_dim3A_34 : vector<1x128xf32> to vector<10000x128xf32>
    %sub3A_36 = arith.subf %add3A_9, %sub3A_35 : vector<10000x128xf32>
    %add3A_37 = arith.constant 9.99999974E-6 : f32
    %add3A_38 = vector.broadcast %add3A_37 : f32 to vector<128xf32>
    %add3A_39 = arith.addf %select_n3A, %add3A_38 : vector<128xf32>
    %sqrt3A = math.sqrt %add3A_39 : vector<128xf32>
    %broadcast_in_dim3A_40 = vector.shape_cast %sqrt3A : vector<128xf32> to vector<1x128xf32>
    %div3A_41 = vector.broadcast %broadcast_in_dim3A_40 : vector<1x128xf32> to vector<10000x128xf32>
    %div3A_42 = arith.divf %sub3A_36, %div3A_41 : vector<10000x128xf32>
    %mul3A = vector.broadcast %get3A_12 : vector<1x128xf32> to vector<10000x128xf32>
    %mul3A_43 = arith.mulf %div3A_42, %mul3A : vector<10000x128xf32>
    %add3A_44 = vector.broadcast %get3A_15 : vector<1x128xf32> to vector<10000x128xf32>
    %add3A_45 = arith.addf %mul3A_43, %add3A_44 : vector<10000x128xf32>
    %max3A = arith.constant 0.000000e+00 : f32
    %max3A_46 = vector.broadcast %max3A : f32 to vector<10000x128xf32>
    %max3A_47 = arith.maximumf %add3A_45, %max3A_46 : vector<10000x128xf32>
    %swap3A = arith.constant 0 : index
    %swap3A_48 = arith.constant 0 : index
    %swap3A_49 = vector.load %arg5[%swap3A, %swap3A_48] : memref<10000x128xf32, #tpu.memory_space<vmem>>, vector<10000x128xf32>
    tpu.vector_store %arg5[%swap3A, %swap3A_48], %max3A_47 {strides = array<i32>} : memref<10000x128xf32, #tpu.memory_space<vmem>>, vector<10000x128xf32>,
    return
  }
}

module attributes {stable_mosaic.version = 14 : i64} {
  func.func @_stage_c_body(%arg0: memref<2x10000x128xf32, #tpu.memory_space<vmem>>, %arg1: memref<32x1x10000xf32, #tpu.memory_space<vmem>>, %arg2: memref<10000x128xf32, #tpu.memory_space<vmem>>, %arg3: memref<128x128xf32, #tpu.memory_space<vmem>>, %arg4: memref<1x128xf32, #tpu.memory_space<vmem>>, %arg5: memref<1x128xf32, #tpu.memory_space<vmem>>, %arg6: memref<1x128xf32, #tpu.memory_space<vmem>>, %arg7: memref<10000x128xf32, #tpu.memory_space<vmem>>) attributes {dimension_semantics = [], scalar_prefetch = 0 : i64, scratch_operands = 0 : i64, tpu.core_type = #tpu.core_type<tc>} {
    %get3A = arith.constant 0 : index
    %get3A_0 = arith.constant 0 : index
    %get3A_1 = arith.constant 0 : index
    %get3A_2 = vector.load %arg1[%get3A, %get3A_0, %get3A_1] : memref<32x1x10000xf32, #tpu.memory_space<vmem>>, vector<32x1x10000xf32>
    %squeeze3A = vector.shape_cast %get3A_2 : vector<32x1x10000xf32> to vector<32x10000xf32>
    %broadcast_in_dim3A = arith.constant 1.000000e+00 : f32
    %broadcast_in_dim3A_3 = vector.broadcast %broadcast_in_dim3A : f32 to vector<32x1xf32>
    %dot_general3A = arith.constant dense<0.000000e+00> : vector<10000x1xf32>
    %dot_general3A_4 = tpu.matmul %squeeze3A, %broadcast_in_dim3A_3, %dot_general3A {dimension_numbers = #tpu.dot_dimension_numbers<[0], [0], [1], [1], [0, 1, 1, 1], [], []>, precision = #tpu.contract_precision<fp32>, transpose_lhs_hint = false} : vector<32x10000xf32>, vector<32x1xf32>, vector<10000x1xf32> -> vector<10000x1xf32>
    %gt3A = arith.constant 0.000000e+00 : f32
    %gt3A_5 = vector.broadcast %gt3A : f32 to vector<10000x1xf32>
    %gt3A_6 = arith.cmpf ogt, %dot_general3A_4, %gt3A_5 : vector<10000x1xf32>
    %rsqrt3A = math.rsqrt %dot_general3A_4 : vector<10000x1xf32>
    %jit3A = arith.constant 0.000000e+00 : f32
    %broadcast_in_dim3A_7 = vector.broadcast %jit3A : f32 to vector<10000x1xf32>
    %select_n3A = arith.select %gt3A_6, %rsqrt3A, %broadcast_in_dim3A_7 : vector<10000x1xi1>, vector<10000x1xf32>
    %get3A_8 = arith.constant 0 : index
    %get3A_9 = arith.constant 0 : index
    %get3A_10 = arith.constant 0 : index
    %get3A_11 = vector.load %arg0[%get3A_8, %get3A_9, %get3A_10] : memref<2x10000x128xf32, #tpu.memory_space<vmem>>, vector<2x10000x128xf32>
    %slice3A = vector.extract_strided_slice %get3A_11 {offsets = [0, 0, 0], sizes = [1, 10000, 128], strides = [1, 1, 1]} : vector<2x10000x128xf32> to vector<1x10000x128xf32>
    %squeeze3A_12 = vector.shape_cast %slice3A : vector<1x10000x128xf32> to vector<10000x128xf32>
    %slice3A_13 = vector.extract_strided_slice %get3A_11 {offsets = [1, 0, 0], sizes = [1, 10000, 128], strides = [1, 1, 1]} : vector<2x10000x128xf32> to vector<1x10000x128xf32>
    %squeeze3A_14 = vector.shape_cast %slice3A_13 : vector<1x10000x128xf32> to vector<10000x128xf32>
    %add3A = arith.addf %squeeze3A_12, %squeeze3A_14 : vector<10000x128xf32>
    %mul3A = vector.broadcast %select_n3A : vector<10000x1xf32> to vector<10000x128xf32>
    %mul3A_15 = arith.mulf %add3A, %mul3A : vector<10000x128xf32>
    %get3A_16 = arith.constant 0 : index
    %get3A_17 = arith.constant 0 : index
    %get3A_18 = vector.load %arg3[%get3A_16, %get3A_17] : memref<128x128xf32, #tpu.memory_space<vmem>>, vector<128x128xf32>
    %dot_general3A_19 = arith.constant dense<0.000000e+00> : vector<10000x128xf32>
    %dot_general3A_20 = tpu.matmul %mul3A_15, %get3A_18, %dot_general3A_19 {dimension_numbers = #tpu.dot_dimension_numbers<[1], [1], [0], [0], [0, 0, 1, 0], [], []>, precision = #tpu.contract_precision<fp32>, transpose_lhs_hint = false} : vector<10000x128xf32>, vector<128x128xf32>, vector<10000x128xf32> -> vector<10000x128xf32>
    %get3A_21 = arith.constant 0 : index
    %get3A_22 = arith.constant 0 : index
    %get3A_23 = vector.load %arg4[%get3A_21, %get3A_22] : memref<1x128xf32, #tpu.memory_space<vmem>>, vector<1x128xf32>
    %add3A_24 = vector.broadcast %get3A_23 : vector<1x128xf32> to vector<10000x128xf32>
    %add3A_25 = arith.addf %dot_general3A_20, %add3A_24 : vector<10000x128xf32>
    %get3A_26 = arith.constant 0 : index
    %get3A_27 = arith.constant 0 : index
    %get3A_28 = vector.load %arg5[%get3A_26, %get3A_27] : memref<1x128xf32, #tpu.memory_space<vmem>>, vector<1x128xf32>
    %get3A_29 = arith.constant 0 : index
    %get3A_30 = arith.constant 0 : index
    %get3A_31 = vector.load %arg6[%get3A_29, %get3A_30] : memref<1x128xf32, #tpu.memory_space<vmem>>, vector<1x128xf32>
    %reduce_sum3A = arith.constant dense<0.000000e+00> : vector<128xf32>
    %reduce_sum3A_32 = vector.multi_reduction <add>, %add3A_25, %reduce_sum3A [0] : vector<10000x128xf32> to vector<128xf32>
    %div3A = arith.constant 1.000000e+04 : f32
    %div3A_33 = vector.broadcast %div3A : f32 to vector<128xf32>
    %div3A_34 = arith.divf %reduce_sum3A_32, %div3A_33 : vector<128xf32>
    %jit3A_35 = arith.constant 0 : i32
    %reduce_sum3A_36 = arith.constant dense<0.000000e+00> : vector<128xf32>
    %reduce_sum3A_37 = vector.multi_reduction <add>, %add3A_25, %reduce_sum3A_36 [0] : vector<10000x128xf32> to vector<128xf32>
    %broadcast_in_dim3A_38 = vector.shape_cast %reduce_sum3A_37 : vector<128xf32> to vector<1x128xf32>
    %div3A_39 = arith.constant 1.000000e+04 : f32
    %div3A_40 = vector.broadcast %div3A_39 : f32 to vector<1x128xf32>
    %div3A_41 = arith.divf %broadcast_in_dim3A_38, %div3A_40 : vector<1x128xf32>
    %sub3A = vector.broadcast %div3A_41 : vector<1x128xf32> to vector<10000x128xf32>
    %sub3A_42 = arith.subf %add3A_25, %sub3A : vector<10000x128xf32>
    %square3A = arith.mulf %sub3A_42, %sub3A_42 : vector<10000x128xf32>
    %convert_element_type3A = arith.sitofp %jit3A_35 : i32 to f32
    %sub3A_43 = arith.constant 1.000000e+04 : f32
    %sub3A_44 = arith.subf %sub3A_43, %convert_element_type3A : f32
    %reduce_sum3A_45 = arith.constant dense<0.000000e+00> : vector<128xf32>
    %reduce_sum3A_46 = vector.multi_reduction <add>, %square3A, %reduce_sum3A_45 [0] : vector<10000x128xf32> to vector<128xf32>
    %div3A_47 = vector.broadcast %sub3A_44 : f32 to vector<128xf32>
    %div3A_48 = arith.divf %reduce_sum3A_46, %div3A_47 : vector<128xf32>
    %gt3A_49 = arith.constant 0.000000e+00 : f32
    %gt3A_50 = arith.cmpf ogt, %sub3A_44, %gt3A_49 : f32
    %jit3A_51 = arith.constant 0x7FC00000 : f32
    %broadcast_in_dim3A_52 = vector.broadcast %jit3A_51 : f32 to vector<128xf32>
    %select_n3A_53 = arith.select %gt3A_50, %div3A_48, %broadcast_in_dim3A_52 : vector<128xf32>
    %broadcast_in_dim3A_54 = vector.shape_cast %div3A_34 : vector<128xf32> to vector<1x128xf32>
    %sub3A_55 = vector.broadcast %broadcast_in_dim3A_54 : vector<1x128xf32> to vector<10000x128xf32>
    %sub3A_56 = arith.subf %add3A_25, %sub3A_55 : vector<10000x128xf32>
    %add3A_57 = arith.constant 9.99999974E-6 : f32
    %add3A_58 = vector.broadcast %add3A_57 : f32 to vector<128xf32>
    %add3A_59 = arith.addf %select_n3A_53, %add3A_58 : vector<128xf32>
    %sqrt3A = math.sqrt %add3A_59 : vector<128xf32>
    %broadcast_in_dim3A_60 = vector.shape_cast %sqrt3A : vector<128xf32> to vector<1x128xf32>
    %div3A_61 = vector.broadcast %broadcast_in_dim3A_60 : vector<1x128xf32> to vector<10000x128xf32>
    %div3A_62 = arith.divf %sub3A_56, %div3A_61 : vector<10000x128xf32>
    %mul3A_63 = vector.broadcast %get3A_28 : vector<1x128xf32> to vector<10000x128xf32>
    %mul3A_64 = arith.mulf %div3A_62, %mul3A_63 : vector<10000x128xf32>
    %add3A_65 = vector.broadcast %get3A_31 : vector<1x128xf32> to vector<10000x128xf32>
    %add3A_66 = arith.addf %mul3A_64, %add3A_65 : vector<10000x128xf32>
    %max3A = arith.constant 0.000000e+00 : f32
    %max3A_67 = vector.broadcast %max3A : f32 to vector<10000x128xf32>
    %max3A_68 = arith.maximumf %add3A_66, %max3A_67 : vector<10000x128xf32>
    %get3A_69 = arith.constant 0 : index
    %get3A_70 = arith.constant 0 : index
    %get3A_71 = vector.load %arg2[%get3A_69, %get3A_70] : memref<10000x128xf32, #tpu.memory_space<vmem>>, vector<10000x128xf32>
    %add3A_72 = arith.addf %max3A_68, %get3A_71 : vector<10000x128xf32>
    %mul3A_73 = vector.broadcast %select_n3A : vector<10000x1xf32> to vector<10000x128xf32>
    %mul3A_74 = arith.mulf %add3A_72, %mul3A_73 : vector<10000x128xf32>
    %swap3A = arith.constant 0 : index
    %swap3A_75 = arith.constant 0 : index
    %swap3A_76 = vector.load %arg7[%swap3A, %swap3A_75] : memref<10000x128xf32, #tpu.memory_space<vmem>>, vector<10000x128xf32>
    tpu.vector_store %arg7[%swap3A, %swap3A_75], %mul3A_74 {strides = array<i32>} : memref<10000x128xf32, #tpu.memory_space<vmem>>, vector<10000x128xf32>,
    return
  }
}

module attributes {stable_mosaic.version = 14 : i64} {
  func.func @_stage_d_body(%arg0: memref<2x10000x128xf32, #tpu.memory_space<vmem>>, %arg1: memref<32x1x10000xf32, #tpu.memory_space<vmem>>, %arg2: memref<10000x128xf32, #tpu.memory_space<vmem>>, %arg3: memref<128x128xf32, #tpu.memory_space<vmem>>, %arg4: memref<1x128xf32, #tpu.memory_space<vmem>>, %arg5: memref<1x128xf32, #tpu.memory_space<vmem>>, %arg6: memref<1x128xf32, #tpu.memory_space<vmem>>, %arg7: memref<128x128xf32, #tpu.memory_space<vmem>>, %arg8: memref<1x128xf32, #tpu.memory_space<vmem>>, %arg9: memref<10000x128xf32, #tpu.memory_space<vmem>>) attributes {dimension_semantics = [], scalar_prefetch = 0 : i64, scratch_operands = 0 : i64, tpu.core_type = #tpu.core_type<tc>} {
    %get3A = arith.constant 0 : index
    %get3A_0 = arith.constant 0 : index
    %get3A_1 = arith.constant 0 : index
    %get3A_2 = vector.load %arg1[%get3A, %get3A_0, %get3A_1] : memref<32x1x10000xf32, #tpu.memory_space<vmem>>, vector<32x1x10000xf32>
    %squeeze3A = vector.shape_cast %get3A_2 : vector<32x1x10000xf32> to vector<32x10000xf32>
    %broadcast_in_dim3A = arith.constant 1.000000e+00 : f32
    %broadcast_in_dim3A_3 = vector.broadcast %broadcast_in_dim3A : f32 to vector<32x1xf32>
    %dot_general3A = arith.constant dense<0.000000e+00> : vector<10000x1xf32>
    %dot_general3A_4 = tpu.matmul %squeeze3A, %broadcast_in_dim3A_3, %dot_general3A {dimension_numbers = #tpu.dot_dimension_numbers<[0], [0], [1], [1], [0, 1, 1, 1], [], []>, precision = #tpu.contract_precision<fp32>, transpose_lhs_hint = false} : vector<32x10000xf32>, vector<32x1xf32>, vector<10000x1xf32> -> vector<10000x1xf32>
    %gt3A = arith.constant 0.000000e+00 : f32
    %gt3A_5 = vector.broadcast %gt3A : f32 to vector<10000x1xf32>
    %gt3A_6 = arith.cmpf ogt, %dot_general3A_4, %gt3A_5 : vector<10000x1xf32>
    %rsqrt3A = math.rsqrt %dot_general3A_4 : vector<10000x1xf32>
    %jit3A = arith.constant 0.000000e+00 : f32
    %broadcast_in_dim3A_7 = vector.broadcast %jit3A : f32 to vector<10000x1xf32>
    %select_n3A = arith.select %gt3A_6, %rsqrt3A, %broadcast_in_dim3A_7 : vector<10000x1xi1>, vector<10000x1xf32>
    %get3A_8 = arith.constant 0 : index
    %get3A_9 = arith.constant 0 : index
    %get3A_10 = arith.constant 0 : index
    %get3A_11 = vector.load %arg0[%get3A_8, %get3A_9, %get3A_10] : memref<2x10000x128xf32, #tpu.memory_space<vmem>>, vector<2x10000x128xf32>
    %slice3A = vector.extract_strided_slice %get3A_11 {offsets = [0, 0, 0], sizes = [1, 10000, 128], strides = [1, 1, 1]} : vector<2x10000x128xf32> to vector<1x10000x128xf32>
    %squeeze3A_12 = vector.shape_cast %slice3A : vector<1x10000x128xf32> to vector<10000x128xf32>
    %slice3A_13 = vector.extract_strided_slice %get3A_11 {offsets = [1, 0, 0], sizes = [1, 10000, 128], strides = [1, 1, 1]} : vector<2x10000x128xf32> to vector<1x10000x128xf32>
    %squeeze3A_14 = vector.shape_cast %slice3A_13 : vector<1x10000x128xf32> to vector<10000x128xf32>
    %add3A = arith.addf %squeeze3A_12, %squeeze3A_14 : vector<10000x128xf32>
    %mul3A = vector.broadcast %select_n3A : vector<10000x1xf32> to vector<10000x128xf32>
    %mul3A_15 = arith.mulf %add3A, %mul3A : vector<10000x128xf32>
    %get3A_16 = arith.constant 0 : index
    %get3A_17 = arith.constant 0 : index
    %get3A_18 = vector.load %arg3[%get3A_16, %get3A_17] : memref<128x128xf32, #tpu.memory_space<vmem>>, vector<128x128xf32>
    %dot_general3A_19 = arith.constant dense<0.000000e+00> : vector<10000x128xf32>
    %dot_general3A_20 = tpu.matmul %mul3A_15, %get3A_18, %dot_general3A_19 {dimension_numbers = #tpu.dot_dimension_numbers<[1], [1], [0], [0], [0, 0, 1, 0], [], []>, precision = #tpu.contract_precision<fp32>, transpose_lhs_hint = false} : vector<10000x128xf32>, vector<128x128xf32>, vector<10000x128xf32> -> vector<10000x128xf32>
    %get3A_21 = arith.constant 0 : index
    %get3A_22 = arith.constant 0 : index
    %get3A_23 = vector.load %arg4[%get3A_21, %get3A_22] : memref<1x128xf32, #tpu.memory_space<vmem>>, vector<1x128xf32>
    %add3A_24 = vector.broadcast %get3A_23 : vector<1x128xf32> to vector<10000x128xf32>
    %add3A_25 = arith.addf %dot_general3A_20, %add3A_24 : vector<10000x128xf32>
    %get3A_26 = arith.constant 0 : index
    %get3A_27 = arith.constant 0 : index
    %get3A_28 = vector.load %arg5[%get3A_26, %get3A_27] : memref<1x128xf32, #tpu.memory_space<vmem>>, vector<1x128xf32>
    %get3A_29 = arith.constant 0 : index
    %get3A_30 = arith.constant 0 : index
    %get3A_31 = vector.load %arg6[%get3A_29, %get3A_30] : memref<1x128xf32, #tpu.memory_space<vmem>>, vector<1x128xf32>
    %reduce_sum3A = arith.constant dense<0.000000e+00> : vector<128xf32>
    %reduce_sum3A_32 = vector.multi_reduction <add>, %add3A_25, %reduce_sum3A [0] : vector<10000x128xf32> to vector<128xf32>
    %div3A = arith.constant 1.000000e+04 : f32
    %div3A_33 = vector.broadcast %div3A : f32 to vector<128xf32>
    %div3A_34 = arith.divf %reduce_sum3A_32, %div3A_33 : vector<128xf32>
    %jit3A_35 = arith.constant 0 : i32
    %reduce_sum3A_36 = arith.constant dense<0.000000e+00> : vector<128xf32>
    %reduce_sum3A_37 = vector.multi_reduction <add>, %add3A_25, %reduce_sum3A_36 [0] : vector<10000x128xf32> to vector<128xf32>
    %broadcast_in_dim3A_38 = vector.shape_cast %reduce_sum3A_37 : vector<128xf32> to vector<1x128xf32>
    %div3A_39 = arith.constant 1.000000e+04 : f32
    %div3A_40 = vector.broadcast %div3A_39 : f32 to vector<1x128xf32>
    %div3A_41 = arith.divf %broadcast_in_dim3A_38, %div3A_40 : vector<1x128xf32>
    %sub3A = vector.broadcast %div3A_41 : vector<1x128xf32> to vector<10000x128xf32>
    %sub3A_42 = arith.subf %add3A_25, %sub3A : vector<10000x128xf32>
    %square3A = arith.mulf %sub3A_42, %sub3A_42 : vector<10000x128xf32>
    %convert_element_type3A = arith.sitofp %jit3A_35 : i32 to f32
    %sub3A_43 = arith.constant 1.000000e+04 : f32
    %sub3A_44 = arith.subf %sub3A_43, %convert_element_type3A : f32
    %reduce_sum3A_45 = arith.constant dense<0.000000e+00> : vector<128xf32>
    %reduce_sum3A_46 = vector.multi_reduction <add>, %square3A, %reduce_sum3A_45 [0] : vector<10000x128xf32> to vector<128xf32>
    %div3A_47 = vector.broadcast %sub3A_44 : f32 to vector<128xf32>
    %div3A_48 = arith.divf %reduce_sum3A_46, %div3A_47 : vector<128xf32>
    %gt3A_49 = arith.constant 0.000000e+00 : f32
    %gt3A_50 = arith.cmpf ogt, %sub3A_44, %gt3A_49 : f32
    %jit3A_51 = arith.constant 0x7FC00000 : f32
    %broadcast_in_dim3A_52 = vector.broadcast %jit3A_51 : f32 to vector<128xf32>
    %select_n3A_53 = arith.select %gt3A_50, %div3A_48, %broadcast_in_dim3A_52 : vector<128xf32>
    %broadcast_in_dim3A_54 = vector.shape_cast %div3A_34 : vector<128xf32> to vector<1x128xf32>
    %sub3A_55 = vector.broadcast %broadcast_in_dim3A_54 : vector<1x128xf32> to vector<10000x128xf32>
    %sub3A_56 = arith.subf %add3A_25, %sub3A_55 : vector<10000x128xf32>
    %add3A_57 = arith.constant 9.99999974E-6 : f32
    %add3A_58 = vector.broadcast %add3A_57 : f32 to vector<128xf32>
    %add3A_59 = arith.addf %select_n3A_53, %add3A_58 : vector<128xf32>
    %sqrt3A = math.sqrt %add3A_59 : vector<128xf32>
    %broadcast_in_dim3A_60 = vector.shape_cast %sqrt3A : vector<128xf32> to vector<1x128xf32>
    %div3A_61 = vector.broadcast %broadcast_in_dim3A_60 : vector<1x128xf32> to vector<10000x128xf32>
    %div3A_62 = arith.divf %sub3A_56, %div3A_61 : vector<10000x128xf32>
    %mul3A_63 = vector.broadcast %get3A_28 : vector<1x128xf32> to vector<10000x128xf32>
    %mul3A_64 = arith.mulf %div3A_62, %mul3A_63 : vector<10000x128xf32>
    %add3A_65 = vector.broadcast %get3A_31 : vector<1x128xf32> to vector<10000x128xf32>
    %add3A_66 = arith.addf %mul3A_64, %add3A_65 : vector<10000x128xf32>
    %max3A = arith.constant 0.000000e+00 : f32
    %max3A_67 = vector.broadcast %max3A : f32 to vector<10000x128xf32>
    %max3A_68 = arith.maximumf %add3A_66, %max3A_67 : vector<10000x128xf32>
    %get3A_69 = arith.constant 0 : index
    %get3A_70 = arith.constant 0 : index
    %get3A_71 = vector.load %arg2[%get3A_69, %get3A_70] : memref<10000x128xf32, #tpu.memory_space<vmem>>, vector<10000x128xf32>
    %add3A_72 = arith.addf %max3A_68, %get3A_71 : vector<10000x128xf32>
    %get3A_73 = arith.constant 0 : index
    %get3A_74 = arith.constant 0 : index
    %get3A_75 = vector.load %arg7[%get3A_73, %get3A_74] : memref<128x128xf32, #tpu.memory_space<vmem>>, vector<128x128xf32>
    %dot_general3A_76 = arith.constant dense<0.000000e+00> : vector<10000x128xf32>
    %dot_general3A_77 = tpu.matmul %add3A_72, %get3A_75, %dot_general3A_76 {dimension_numbers = #tpu.dot_dimension_numbers<[1], [1], [0], [0], [0, 0, 1, 0], [], []>, precision = #tpu.contract_precision<fp32>, transpose_lhs_hint = false} : vector<10000x128xf32>, vector<128x128xf32>, vector<10000x128xf32> -> vector<10000x128xf32>
    %get3A_78 = arith.constant 0 : index
    %get3A_79 = arith.constant 0 : index
    %get3A_80 = vector.load %arg8[%get3A_78, %get3A_79] : memref<1x128xf32, #tpu.memory_space<vmem>>, vector<1x128xf32>
    %add3A_81 = vector.broadcast %get3A_80 : vector<1x128xf32> to vector<10000x128xf32>
    %add3A_82 = arith.addf %dot_general3A_77, %add3A_81 : vector<10000x128xf32>
    %swap3A = arith.constant 0 : index
    %swap3A_83 = arith.constant 0 : index
    %swap3A_84 = vector.load %arg9[%swap3A, %swap3A_83] : memref<10000x128xf32, #tpu.memory_space<vmem>>, vector<10000x128xf32>
    tpu.vector_store %arg9[%swap3A, %swap3A_83], %add3A_82 {strides = array<i32>} : memref<10000x128xf32, #tpu.memory_space<vmem>>, vector<10000x128xf32>,
    return
  }
}

</mosaic_0001>

<sc_bundles>
// kernel: kernel.12.cloned.1.call-start
scs
__scs_entry_jumppad:
0x0: {  	(pc) =	sbr.rel $0x88, $3  }
0x1: {  	(tag) =	ssettag $0x0;
	lr =	simm.s32 $0x1  }
0x2: {  	[smem:$0x3F91] =	sst lr;
	_ =	strace $0xD0000000  }
0x3: {  	_ = 	snop  }
0x4: {  	_ = 	snop  }
0x5: {  	_ = 	snop  }
0x6: {  	_ = 	snop  }
0x7: {  	_ = 	snop  }
__scs_overlays_trampoline_lowered:
0x8: {  	[smem:$0x3FA0] =	sst s0  }
0x9: {  	[smem:$0x3FA1] =	sst s1  }
0xa: {  	[smem:$0x3FA2] =	sst s2  }
0xb: {  	[smem:$0x3FA3] =	sst s3  }
0xc: {  	[smem:$0x3FA4] =	sst s4  }
0xd: {  	[smem:$0x3FA5] =	sst s5  }
0xe: {  	[smem:$0x3FA6] =	sst s6  }
0xf: {  	[smem:$0x3FA7] =	sst s7  }
0x10: {  	[smem:$0x3FA8] =	sst s8  }
0x11: {  	[smem:$0x3FA9] =	sst s9;
	s0 =	simm.s32 @!p0 $0x0  }
0x12: {  	s1 =	sld [smem:$0x3F8F];
	s0 =	simm.s32 @p0 $0x1  }
0x13: {  	[smem:$0x3FAA] =	sst s0;
	s0 =	simm.s32 @!p1 $0x0  }
0x14: {  	s2 =	sld [smem:$0x3F8E];
	s0 =	simm.s32 @p1 $0x1  }
0x15: {  	[smem:$0x3FAB] =	sst s0;
	s0 =	simm.s32 @!p2 $0x0  }
0x16: {  	s3 =	sld [smem:$0x3FDB];
	s0 =	simm.s32 @p2 $0x1  }
0x17: {  	s4 =	simm.s32 $0x1BF5;
	[smem:$0x3FAD] =	sst s0  }
0x18: {  	s0 =	sld [smem:$0x3F90];
	_ =	swait.ge [sflag:s4], $0x0  }
0x19: {  	s7 =	sld [smem:$0x3F91]  }
0x1a: {  	s8 =	sadd.s32 $0xFFFFE003, lr  }
0x1b: {  	s9 =	sadd.s32 $0xFFFFFEF7, lr;
	s5 =	simm.s32 $0xFFFFFFFF;
	p2 =	slt.u32 s8, $0xFFFFF086  }
0x1c: {  	p1 =	slt.u32 s9, $0xF7A;
	s5 =	simm.s32 @!p2 $0x0  }
0x1d: {  	s5 =	simm.s32 @p1 $0x1;
	p0 =	seq.s32 s7, s2  }
0x1e: {  	s7 =	smul.u32 @!p0 $0xF7A, s2;
	p2 =	seq.s32 @!p0 s5, $0x0  }
0x1f: {  	s9 =	smul.u32 $0xF7A, s1;
	s8 =	simm.s32 @!p0 $0x1BF5;
	p2 =	por !p2, p0  }
0x20: {  	[sflag:s8] =	ssyncset.s32 @!p0 $0xFFFFF086;
	s6 =	sadd.s32 @!p0 s3, s7;
	s7 =	simm.s32 @!p0 $0x108  }
0x21: {  	s3 =	sadd.s32 s3, s9;
	s6 =	sadd.s32 @!p0 $0x88, s6;
	s7 =	simm.s32 @p2 $0x1082  }
0x22: {  	[simem:s7], [sflag:s8] =	dma.local @!p0 [hbm:s6], $0xF7A  }
0x23: {  	s9 =	sor.u32 $0xD0000000, s2;
	s6 =	simm.s32 $0x108;
	_ =	swait.ge @!p0 [sflag:s8], $0x0  }
0x24: {  	s3 =	sadd.s32 $0x88, s3;
	s6 =	simm.s32 @!p1 $0x1082;
	[sflag:s4] =	ssyncset.s32 $0xFFFFF086  }
0x25: {  	[simem:s6], [sflag:s4] =	dma.local [hbm:s3], $0xF7A  }
0x26: {  	[smem:$0x3F91] =	sst s1;
	(tag) =	ssettag s2;
	_ =	strace s9  }
0x27: {  	s1 =	sld [smem:$0x3FA1]  }
0x28: {  	s2 =	sld [smem:$0x3FA2]  }
0x29: {  	s4 =	sld [smem:$0x3FA4]  }
0x2a: {  	p0 =	seq.s32 s5, $0x0;
	s5 =	sld [smem:$0x3FA5]  }
0x2b: {  	s6 =	sld [smem:$0x3FA6]  }
0x2c: {  	s7 =	sld [smem:$0x3FA7]  }
0x2d: {  	s3 =	simm.s32 $0x108;
	s8 =	sld [smem:$0x3FA8]  }
0x2e: {  	s3 =	simm.s32 @!p0 $0x1082;
	s9 =	sld [smem:$0x3FA9]  }
0x2f: {  	lr =	sadd.s32 s0, s3;
	s0 =	sld [smem:$0x3FA0]  }
0x30: {  	s3 =	sld [smem:$0x3FA3]  }
0x31: {  	[smem:$0x3FAC] =	sst s10  }
0x32: {  	s10 =	sld [smem:$0x3FAA];
	_ =	sdelay $0x3  }
0x33: {  	p0 =	seq.s32 s10, $0x1;
	s10 =	sld [smem:$0x3FAC];
	_ =	sdelay $0x3  }
0x34: {  	[smem:$0x3FAC] =	sst s10  }
0x35: {  	s10 =	sld [smem:$0x3FAB];
	_ =	sdelay $0x3  }
0x36: {  	p1 =	seq.s32 s10, $0x1;
	s10 =	sld [smem:$0x3FAC];
	_ =	sdelay $0x3  }
0x37: {  	[smem:$0x3FAC] =	sst s10  }
0x38: {  	s10 =	sld [smem:$0x3FAD]  }
0x39: {  	_ = 	snop;
	(pc) =	sbr.ind lr, $3  }
0x3a: {  	_ = 	snop  }
0x3b: {  	_ = 	snop  }
0x3c: {  	p2 =	seq.s32 s10, $0x1;
	s10 =	sld [smem:$0x3FAC]  }
0x3d: {  	_ =	shalt  }
0x3e: {  	_ =	shalt  }
0x3f: {  	_ =	shalt  }
0x40: {  	_ =	shalt  }
0x41: {  	_ =	shalt  }
0x42: {  	_ =	shalt  }
0x43: {  	_ =	shalt  }
0x44: {  	_ =	shalt  }
0x45: {  	_ =	shalt  }
0x46: {  	_ =	shalt  }
0x47: {  	_ =	shalt  }
0x48: {  	_ =	shalt  }
0x49: {  	_ =	shalt  }
0x4a: {  	_ =	shalt  }
0x4b: {  	_ =	shalt  }
0x4c: {  	_ =	shalt  }
0x4d: {  	_ =	shalt  }
0x4e: {  	_ =	shalt  }
0x4f: {  	_ =	shalt  }
0x50: {  	_ =	shalt  }
0x51: {  	_ =	shalt  }
0x52: {  	_ =	shalt  }
0x53: {  	_ =	shalt  }
0x54: {  	_ =	shalt  }
0x55: {  	_ =	shalt  }
0x56: {  	_ =	shalt  }
0x57: {  	_ =	shalt  }
0x58: {  	_ =	shalt  }
0x59: {  	_ =	shalt  }
0x5a: {  	_ =	shalt  }
0x5b: {  	_ =	shalt  }
0x5c: {  	_ =	shalt  }
0x5d: {  	_ =	shalt  }
0x5e: {  	_ =	shalt  }
0x5f: {  	_ =	shalt  }
0x60: {  	_ =	shalt  }
0x61: {  	_ =	shalt  }
0x62: {  	_ =	shalt  }
0x63: {  	_ =	shalt  }
0x64: {  	_ =	shalt  }
0x65: {  	_ =	shalt  }
0x66: {  	_ =	shalt  }
0x67: {  	_ =	shalt  }
0x68: {  	_ =	shalt  }
0x69: {  	_ =	shalt  }
0x6a: {  	_ =	shalt  }
0x6b: {  	_ =	shalt  }
0x6c: {  	_ =	shalt  }
0x6d: {  	_ =	shalt  }
0x6e: {  	_ =	shalt  }
0x6f: {  	_ =	shalt  }
0x70: {  	_ =	shalt  }
0x71: {  	_ =	shalt  }
0x72: {  	_ =	shalt  }
0x73: {  	_ =	shalt  }
0x74: {  	_ =	shalt  }
0x75: {  	_ =	shalt  }
0x76: {  	_ =	shalt  }
0x77: {  	_ =	shalt  }
0x78: {  	_ =	shalt  }
0x79: {  	_ =	shalt  }
0x7a: {  	_ =	shalt  }
0x7b: {  	_ =	shalt  }
0x7c: {  	_ =	shalt  }
0x7d: {  	_ =	shalt  }
0x7e: {  	_ =	shalt  }
0x7f: {  	_ =	shalt  }
0x80: {  	_ =	shalt  }
0x81: {  	_ =	shalt  }
0x82: {  	_ =	shalt  }
0x83: {  	_ =	shalt  }
0x84: {  	_ =	shalt  }
0x85: {  	_ =	shalt  }
0x86: {  	_ =	shalt  }
0x87: {  	_ =	shalt  }
.Lfunc_end0:
.L_simem_size_0:
called_computation.1_lowered:
.L_overlay_start_0:
0x88: {  	s2 =	sld [smem:$0x3FD9]  }
0x89: {  	s3 =	sld [smem:$0x3FFE];
	_ =	sdelay $0x1  }
0x8a: {  	s1 =	srdreg.scid  }
0x8b: {  	s0 =	sand.u32 $0x1, s1  }
0x8c: {  	s17 =	sshll.u32 s0, $0xA;
	s2 =	sadd.s32 s3, s2  }
0x8d: {  	s2 =	sadd.s32 s2, s17  }
0x8e: {  	[smem:$0x3FB8] =	sst s2  }
0x8f: {  	_ = 	snop  }
0x90: {  	s2 =	sld [smem:$0x3FC8]  }
0x91: {  	s18 =	sld [smem:$0x3FD0];
	(tm) =	ssettm $0x1  }
0x92: {  	s4 =	sld [smem:$0x3FFB];
	_ =	sdelay $0x3  }
0x93: {  	_ =	strace s4  }
0x94: {  	s4 =	sld [smem:$0x3FFC];
	_ =	sdelay $0x3  }
0x95: {  	_ =	strace s4  }
0x96: {  	s4 =	sld [smem:$0x3FFD];
	_ =	sdelay $0x3  }
0x97: {  	_ =	strace s4  }
0x98: {  	_ =	strace $0x8FFFFFFF  }
0x99: {  	s19 =	sld [smem:$0x3FDB];
	_ =	sdelay $0x1  }
0x9a: {  	s5 =	simm.s32 $_scs_section_size  }
0x9b: {  	s6 =	simm.s32 $_size__tile_overlayer_lowered;
	s7 =	simm.s32 $_tile_overlayer_lowered  }
0x9c: {  	s22 =	simm.s32 $0x1BFF;
	s21 =	sshll.u32 s7, $0x1;
	s4 =	sadd.s32 s5, s19  }
0x9d: {  	s8 =	simm.s32 $0x0;
	s20 =	sshll.u32 s6, $0x1;
	s6 =	sadd.s32 s21, s4  }
0x9e: {  	[timem:s8], [sflag:s22] =	dma.local [hbm:s6], s20  }
0x9f: {  	_ =	swait.ge [sflag:s22], s20  }
0xa0: {  	s5 =	ssub.s32 $0x0, s20;
	[sflag:s22] =	ssyncset.done $0x0  }
0xa1: {  	[sflag:s22] =	ssyncadd.s32 s5;
	_ =	sdelay $0x1  }
0xa2: {  	s23 =	simm.s32 $0x1B8B  }
0xa3: {  	_ =	swait.ge [sflag:s23], $0x1  }
0xa4: {  	[sflag:s23] =	ssyncset.done $0x0  }
0xa5: {  	s25 =	simm.s32 $0x1B8E;
	s24 =	sld [smem:$0x3FFE];
	[sflag:s23] =	ssyncadd.s32 $0xFFFFFFFF  }
0xa6: {  	s26 =	simm.s32 $execute0_lowered;
	[smem:$0x3FD2] =	sst s25  }
0xa7: {  	s6 =	sshll.u32 s26, $0x1;
	_ =	strace $0x80000049;
	[dreg:$0x1] =	wrdreg $0xFFFFFFFF  }
0xa8: {  	s28 =	simm.s32 $_size_execute0_lowered;
	s4 =	sadd.s32 s4, s6;
	[dreg:$0x0] =	wrdreg $0x0  }
0xa9: {  	s6 =	sshll.u32 s28, $0x1;
	[dreg:$0x2] =	wrdreg s4  }
0xaa: {  	[dreg:$0x3] =	wrdreg s6  }
0xab: {  	[dreg:$0x4] =	wrdreg $0xC0  }
0xac: {  	_ =	task [dreg:s8], $0x5FFFF  }
0xad: {  	[dreg:$0x1] =	wrdreg $0xFFFFFFFF  }
0xae: {  	[dreg:$0x0] =	wrdreg $0x60  }
0xaf: {  	[dreg:$0x2] =	wrdreg s18  }
0xb0: {  	[dreg:$0x3] =	wrdreg s2  }
0xb1: {  	[dreg:$0x4] =	wrdreg s24  }
0xb2: {  	[dreg:$0x5] =	wrdreg $0x0  }
0xb3: {  	[dreg:$0x6] =	wrdreg $0x9  }
0xb4: {  	_ =	task.clear_ibuf [dreg:s8], $0x7FFFF;
	_ =	strace $0x90000049  }
0xb5: {  	s29 =	simm.s32 $0x9;
	_ =	strace $0x8000004B  }
0xb6: {  	_ =	swait.ge [sflag:s29], $0x1  }
0xb7: {  	[sflag:s29] =	ssyncadd.s32 $0xFFFFFFFF  }
0xb8: {  	_ =	strace $0x9000004B  }
0xb9: {  	_ =	sfence  }
0xba: {  	s30 =	sld [smem:$0x0];
	_ =	sdelay $0x2  }
0xbb: {  	s31 =	sshll.u32 s1, $0xD;
	s1 =	sshrl.u32 s1, $0x2  }
0xbc: {  	s3 =	sand.u32 $0x4000, s31;
	s1 =	sadd.s32 s1, s30  }
0xbd: {  	s0 =	sor.u32 s3, s0;
	s1 =	sshll.u32 s1, $0x11  }
0xbe: {  	s0 =	sor.u32 s1, s0  }
0xbf: {  	s0 =	sadd.s32 $0x8F2B, s0  }
0xc0: {  	[sflag:s0] =	ssyncadd.remote.s32 $0x1  }
0xc1: {  	_ =	sfence.sel $0xFFFF  }
0xc2: {  	[dreg:$0x0] =	wrdreg $0xFFFFFFFF;
	(pc) =	sbr.abs _section_cstart, $3  }
0xc3: {  	[dreg:$0x1] =	wrdreg $0xFFFFFFFF  }
0xc4: {  	_ =	task.clear_ibuf [dreg:s8], $0x2FFFF;
	_ =	strace $0x9FFFFFFF  }
0xc5: {  	(tm) =	ssettm $0x7FFFFFFF  }
tec
execute0_lowered:
.L_overlay_start_1:
0x0: {  	(tag) =	ssettag $0x1  }
0x1: {  	s1 =	rddreg [dreg:$0x0]  }
0x2: {  	s0 =	rddreg [dreg:$0x1]  }
0x3: {  	s3 =	rddreg [dreg:$0x2]  }
0x4: {  	s2 =	rddreg [dreg:$0x3]  }
0x5: {  	s5 =	srdreg.scid;
	s26 =	stileid.u32  }
0x6: {  	s4 =	simm.s32 $0x0;
	s5 =	sand.u32 $0x1, s5;
	s8 =	smul.u32 $0x2800, s26  }
0x7: {  	s28 =	simm.s32 $0x13880;
	s7 =	sor.u32 $0x10, s26;
	s6 =	smul.u32 $0x138800, s5  }
0x8: {  	s29 =	simm.s32 $0x80;
	s10 =	sor.u32 $0x20, s26;
	s11 =	smul.u32 $0x2800, s7  }
0x9: {  	s30 =	simm.s32 $0x13980;
	s13 =	sor.u32 $0x30, s26;
	s14 =	smul.u32 $0x2800, s10  }
0xa: {  	s31 =	simm.s32 $0x17B80;
	s16 =	sor.u32 $0x50, s26;
	s15 =	smul.u32 $0x2800, s13  }
0xb: {  	[smem:$0x7FF] =	sst s4;
	s20 =	sor.u32 $0x60, s26;
	s18 =	smul.u32 $0x2800, s16  }
0xc: {  	s3 =	sadd.s32 $0x3600, s3;
	s25 =	sor.u32 $0x70, s26;
	s19 =	smul.u32 $0x2800, s20  }
0xd: {  	s22 =	sshll.u32 s26, $0x6;
	p1 =	sgt.u32 s26, $0x1;
	s21 =	smul.u32 $0x2800, s25  }
0xe: {  	s9 =	ssub.s32 $0x2, s5;
	s5 =	sshll.u32 s5, $0x5;
	s16 =	smul.u32 $0xA000, s16  }
0xf: {  	p0 =	sgt.u32 s25, $0x7C;
	s12 =	sshrl.u32 s9, $0x1;
	s24 =	sor.u32 s5, s22  }
0x10: {  	s9 =	ssub.s32 s9, s12;
	s12 =	sor.u32 $0x40, s26;
	s8 =	sadd.s32 s6, s8  }
0x11: {  	s11 =	sadd.s32 s6, s11;
	s14 =	sadd.s32 s6, s14;
	s15 =	sadd.s32 s6, s15  }
0x12: {  	s18 =	sadd.s32 s6, s18;
	s17 =	smul.u32 $0x2800, s12;
	s8 =	sshrl.u32 s8, $0x3  }
0x13: {  	s19 =	sadd.s32 s6, s19;
	s11 =	sshrl.u32 s11, $0x3;
	s8 =	sadd.s32 s3, s8  }
0x14: {  	s23 =	sadd.s32 s3, s11;
	s11 =	sshrl.u32 s15, $0x3;
	s17 =	sadd.s32 s6, s17  }
0x15: {  	s6 =	sadd.s32 s6, s21;
	s21 =	sadd.s32 s24, s0;
	[dreg:$0x6] =	wrdreg s8  }
0x16: {  	[dreg:$0x7] =	wrdreg s23;
	s24 =	sshrl.u32 s14, $0x3;
	s0 =	sadd.s32 s22, s0  }
0x17: {  	s8 =	sadd.s32 s3, s24;
	s14 =	sshrl.u32 s17, $0x3;
	s17 =	sshrl.u32 s18, $0x3  }
0x18: {  	s18 =	sshrl.u32 s19, $0x3;
	s6 =	sshrl.u32 s6, $0x3;
	s19 =	smul.u32 $0xA000, s26  }
0x19: {  	s23 =	sadd.s32 $0x13800, s21;
	s24 =	smul.u32 $0xA000, s7;
	s26 =	simm.s32 $0x7  }
0x1a: {  	[dreg:$0x8] =	wrdreg s8;
	s8 =	sadd.s32 s3, s11;
	s11 =	smul.u32 $0xA000, s13  }
0x1b: {  	s15 =	sadd.s32 s3, s14;
	s14 =	smul.u32 $0xA000, s12;
	[dreg:$0x9] =	wrdreg s8  }
0x1c: {  	s12 =	simm.s32 $0x5;
	[dreg:$0xa] =	wrdreg s15;
	s8 =	sadd.s32 s3, s17  }
0x1d: {  	s17 =	smul.u32 $0xA000, s20;
	s20 =	sadd.s32 s5, s0;
	s5 =	simm.s32 $0x2  }
0x1e: {  	[dreg:$0xb] =	wrdreg s8;
	s8 =	sadd.s32 s3, s18;
	s3 =	sadd.s32 s3, s6  }
0x1f: {  	s15 =	sshrl.u32 s11, $0x2;
	s7 =	sshrl.u32 s14, $0x2;
	s6 =	simm.s32 $0x1  }
0x20: {  	s11 =	simm.s32 $0x4;
	s14 =	simm.s32 $0x0;
	[dreg:$0xc] =	wrdreg s8  }
0x21: {  	[dreg:$0xd] =	wrdreg s3;
	s8 =	smax.u32 s9, $0x1;
	s9 =	smul.u32 $0xA000, s10  }
0x22: {  	s3 =	sshrl.u32 s19, $0x2;
	s10 =	sshrl.u32 s24, $0x2;
	s19 =	smul.u32 $0xA000, s25  }
0x23: {  	s21 =	sadd.s32 s7, s2;
	s24 =	sshrl.u32 s16, $0x2;
	s25 =	simm.s32 $0x13B80  }
0x24: {  	s7 =	simm.s32 $0x13900;
	_ =	strace $0x8000004A;
	[dreg:$0xe] =	wrdreg s23  }
0x25: {  	[dreg:$0xf] =	wrdreg s8;
	s18 =	sadd.s32 s3, s2;
	s3 =	sadd.s32 s10, s2  }
0x26: {  	[dreg:$0x5] =	wrdreg s22;
	s22 =	sadd.s32 s24, s2;
	s8 =	simm.s32 $0x13A00  }
0x27: {  	s10 =	simm.s32 $0x13B00;
	[dreg:$0x10] =	wrdreg s3;
	s13 =	sshrl.u32 s9, $0x2  }
0x28: {  	s0 =	sshrl.u32 s19, $0x2;
	s9 =	simm.s32 $0x3;
	s3 =	sadd.s32 s13, s2  }
0x29: {  	s24 =	sadd.s32 s0, s2;
	[dreg:$0x11] =	wrdreg s3;
	s3 =	sadd.s32 s15, s2  }
0x2a: {  	s0 =	simm.s32 $0x13A80;
	[dreg:$0x12] =	wrdreg s3;
	s3 =	sshrl.u32 s17, $0x2  }
0x2b: {  	v0 =	vimm.f32 $0.0e+00;
	s13 =	simm.s32 $0x6;
	s23 =	sadd.s32 s3, s2;
	s3 =	simm.s32 $0x1BB80  }
.LBB2_1:
0x2c: {  	s15 =	simm.s32 $0x0;
	s16 =	simm.s32 $0x200  }
.LBB2_2:
0x2d: {  	p2 =	sne.s32 s16, $0x9E00;
	[tilespmem:s15+$0x13BF0] =	vst v0  }
0x2e: {  	[tilespmem:s15+$0x13B80] =	vst v0  }
0x2f: {  	[tilespmem:s15+$0x13B90] =	vst v0  }
.Ltmp0:
0x30: {  	[tilespmem:s15+$0x13BA0] =	vst v0;
	(pc) =	sbr.rel @p2 .LBB2_2-.Ltmp0, $4  }
0x31: {  	[tilespmem:s15+$0x13BB0] =	vst v0  }
0x32: {  	[tilespmem:s15+$0x13BC0] =	vst v0  }
0x33: {  	[tilespmem:s15+$0x13BD0] =	vst v0  }
0x34: {  	[tilespmem:s15+$0x13BE0] =	vst v0;
	s15 =	sshra.s32 s16, $0x2;
	s16 =	sadd.s32 $0x200, s16  }
0x35: {  	[tilespmem:s15+$0x13BF0] =	vst v0  }
0x36: {  	[tilespmem:s15+$0x13B80] =	vst v0  }
0x37: {  	[tilespmem:s15+$0x13B90] =	vst v0  }
0x38: {  	[tilespmem:s15+$0x13BA0] =	vst v0  }
0x39: {  	[tilespmem:s15+$0x13BB0] =	vst v0  }
0x3a: {  	[tilespmem:s15+$0x13BC0] =	vst v0  }
0x3b: {  	[tilespmem:s15+$0x13BD0] =	vst v0  }
0x3c: {  	[tilespmem:s15+$0x13BE0] =	vst v0  }
0x3d: {  	[spmem:s18] =	stream.linear.scatter [tilespmem:s25], [sflag:$0x7], $0x2800, $0x38;
	[tilespmem:$0x1FB80] =	vst v63  }
0x3e: {  	_ =	swait.ge [sflag:s26], $0x2800  }
0x3f: {  	[sflag:s26] =	ssyncset.done $0x0  }
0x40: {  	s19 =	smov.u32 s18;
	s18 =	rddreg [dreg:$0x10];
	[sflag:s26] =	ssyncadd.s32 $0xFFFFD800  }
0x41: {  	[spmem:s18] =	stream.linear.scatter [tilespmem:s25], [sflag:$0x7], $0x2800, $0x38;
	[tilespmem:$0x1FB80] =	vst v63  }
0x42: {  	_ =	swait.ge [sflag:s26], $0x2800  }
0x43: {  	[sflag:s26] =	ssyncset.done $0x0  }
0x44: {  	s16 =	rddreg [dreg:$0x11];
	[sflag:s26] =	ssyncadd.s32 $0xFFFFD800  }
0x45: {  	[spmem:s16] =	stream.linear.scatter [tilespmem:s25], [sflag:$0x7], $0x2800, $0x38;
	[tilespmem:$0x1FB80] =	vst v63  }
0x46: {  	_ =	swait.ge [sflag:s26], $0x2800  }
0x47: {  	[sflag:s26] =	ssyncset.done $0x0  }
0x48: {  	s17 =	rddreg [dreg:$0x12];
	[sflag:s26] =	ssyncadd.s32 $0xFFFFD800  }
0x49: {  	[spmem:s17] =	stream.linear.scatter [tilespmem:s25], [sflag:$0x7], $0x2800, $0x38;
	[tilespmem:$0x1FB80] =	vst v63  }
0x4a: {  	_ =	swait.ge [sflag:s26], $0x2800  }
0x4b: {  	[sflag:s26] =	ssyncset.done $0x0  }
0x4c: {  	[sflag:s26] =	ssyncadd.s32 $0xFFFFD800  }
0x4d: {  	[spmem:s21] =	stream.linear.scatter [tilespmem:s25], [sflag:$0x7], $0x2800, $0x38;
	[tilespmem:$0x1FB80] =	vst v63  }
0x4e: {  	_ =	swait.ge [sflag:s26], $0x2800  }
0x4f: {  	[sflag:s26] =	ssyncset.done $0x0  }
0x50: {  	[sflag:s26] =	ssyncadd.s32 $0xFFFFD800  }
0x51: {  	[spmem:s22] =	stream.linear.scatter [tilespmem:s25], [sflag:$0x7], $0x2800, $0x38;
	[tilespmem:$0x1FB80] =	vst v63  }
0x52: {  	_ =	swait.ge [sflag:s26], $0x2800  }
0x53: {  	[sflag:s26] =	ssyncset.done $0x0  }
0x54: {  	[sflag:s26] =	ssyncadd.s32 $0xFFFFD800  }
0x55: {  	[spmem:s23] =	stream.linear.scatter [tilespmem:s25], [sflag:$0x7], $0x2800, $0x38;
	[tilespmem:$0x1FB80] =	vst v63  }
0x56: {  	_ =	swait.ge [sflag:s26], $0x2800  }
0x57: {  	[sflag:s26] =	ssyncset.done $0x0  }
0x58: {  	s15 =	simm.s32 @!p0 $0x13B80;
	[sflag:s26] =	ssyncadd.s32 $0xFFFFD800  }
0x59: {  	[spmem:s24] =	stream.linear.scatter @!p0 [tilespmem:s15], [sflag:$0x7], $0x2800, $0x38;
	[tilespmem:$0x1FB80] =	vst v63  }
0x5a: {  	s15 =	simm.s32 @!p0 $0x7  }
0x5b: {  	_ =	swait.ge @!p0 [sflag:s15], $0x2800  }
0x5c: {  	[sflag:s15] =	ssyncset.done @!p0 $0x0  }
0x5d: {  	[sflag:s15] =	ssyncadd.s32 @!p0 $0xFFFFD800  }
0x5e: {  	s18 =	sadd.s32 $0x0, s20;
	[bflag:$0x0] =	sbarrier.arrive $0xFFFF  }
0x5f: {  	[tilespmem:s28], [sflag:$0x7] =	stream.linear.gather [hbm4b:s18+s4], $0x100, $0x38;
	[tilespmem:$0x1FB80] =	vst v63  }
0x60: {  	_ =	swait.ge [sflag:s26], $0x100  }
0x61: {  	[sflag:s26] =	ssyncset.done $0x0  }
0x62: {  	[sflag:s26] =	ssyncadd.s32 $0xFFFFFF00  }
0x63: {  	[tilespmem:s25], [sflag:$0x1] =	stream.indirect.gather [hbm4b:s1+s29], $0x80, s28, s29, $0xb8;
	[tilespmem:$0x1FB80] =	vst v63  }
0x64: {  	s16 =	sadd.s32 $0x400, s18  }
0x65: {  	[tilespmem:s30], [sflag:$0x7] =	stream.linear.gather [hbm4b:s16+s4], $0x100, $0x38;
	[tilespmem:$0x1FB80] =	vst v63  }
0x66: {  	_ =	swait.ge [sflag:s26], $0x100  }
0x67: {  	[sflag:s26] =	ssyncset.done $0x0  }
0x68: {  	[sflag:s26] =	ssyncadd.s32 $0xFFFFFF00  }
0x69: {  	[tilespmem:s31], [sflag:$0x2] =	stream.indirect.gather [hbm4b:s1+s29], $0x80, s30, s29, $0xb8;
	[tilespmem:$0x1FB80] =	vst v63  }
0x6a: {  	s15 =	sadd.s32 $0x800, s18  }
0x6b: {  	[tilespmem:s0], [sflag:$0x7] =	stream.linear.gather [hbm4b:s15+s4], $0x100, $0x38;
	[tilespmem:$0x1FB80] =	vst v63  }
0x6c: {  	_ =	swait.ge [sflag:s26], $0x100  }
0x6d: {  	[sflag:s26] =	ssyncset.done $0x0  }
0x6e: {  	[sflag:s26] =	ssyncadd.s32 $0xFFFFFF00  }
0x6f: {  	[tilespmem:s3], [sflag:$0x3] =	stream.indirect.gather [hbm4b:s1+s29], $0x80, s0, s29, $0xb8;
	[tilespmem:$0x1FB80] =	vst v63  }
0x70: {  	_ =	swait.ge [sflag:s6], $0x4000  }
0x71: {  	[sflag:s6] =	ssyncset.done $0x0  }
0x72: {  	[sflag:s6] =	ssyncadd.s32 $0xFFFFC000  }
0x73: {  	[spmem:s2] =	stream.indirect.scatter.add.f32 [tilespmem:s25], [sflag:$0x4], $0x80, s7, s29, $0xb8;
	[tilespmem:$0x1FB80] =	vst v63  }
0x74: {  	_ =	swait.ge [sflag:s5], $0x4000  }
0x75: {  	[sflag:s5] =	ssyncset.done $0x0  }
0x76: {  	[sflag:s5] =	ssyncadd.s32 $0xFFFFC000  }
0x77: {  	[spmem:s2] =	stream.indirect.scatter.add.f32 [tilespmem:s31], [sflag:$0x5], $0x80, s8, s29, $0xb8;
	[tilespmem:$0x1FB80] =	vst v63  }
0x78: {  	_ =	swait.ge [sflag:s9], $0x4000  }
0x79: {  	[sflag:s9] =	ssyncset.done $0x0  }
0x7a: {  	[sflag:s9] =	ssyncadd.s32 $0xFFFFC000  }
0x7b: {  	[spmem:s2] =	stream.indirect.scatter.add.f32 [tilespmem:s3], [sflag:$0x6], $0x80, s10, s29, $0xb8;
	[tilespmem:$0x1FB80] =	vst v63  }
0x7c: {  	_ =	swait.ge [sflag:s11], $0x4000  }
0x7d: {  	[sflag:s11] =	ssyncset.done $0x0  }
0x7e: {  	[sflag:s11] =	ssyncadd.s32 $0xFFFFC000  }
0x7f: {  	_ =	swait.ge [sflag:s12], $0x4000  }
0x80: {  	[sflag:s12] =	ssyncset.done $0x0  }
0x81: {  	[sflag:s12] =	ssyncadd.s32 $0xFFFFC000  }
0x82: {  	_ =	swait.ge [sflag:s13], $0x4000  }
0x83: {  	s16 =	simm.s32 $0x1800;
	s15 =	simm.s32 $0xC00;
	[sflag:s13] =	ssyncset.done $0x0  }
.LBB2_4:
0x84: {  	s18 =	sadd.s32 s15, s20  }
0x85: {  	[sflag:s13] =	ssyncadd.s32 $0xFFFFC000;
	s15 =	smov.u32 s16;
	s17 =	sadd.s32 $0xC00, s16  }
0x86: {  	[tilespmem:s28], [sflag:$0x7] =	stream.linear.gather [hbm4b:s18+s4], $0x100, $0x38;
	[tilespmem:$0x1FB80] =	vst v63  }
0x87: {  	p2 =	sne.s32 s16, $0x12C00;
	_ =	swait.ge [sflag:s26], $0x100  }
0x88: {  	[sflag:s26] =	ssyncset.done $0x0  }
0x89: {  	[sflag:s26] =	ssyncadd.s32 $0xFFFFFF00  }
0x8a: {  	[tilespmem:s25], [sflag:$0x1] =	stream.indirect.gather [hbm4b:s1+s29], $0x80, s28, s29, $0xb8;
	[tilespmem:$0x1FB80] =	vst v63  }
0x8b: {  	s16 =	sadd.s32 $0x400, s18  }
0x8c: {  	[tilespmem:s30], [sflag:$0x7] =	stream.linear.gather [hbm4b:s16+s4], $0x100, $0x38;
	[tilespmem:$0x1FB80] =	vst v63  }
0x8d: {  	_ =	swait.ge [sflag:s26], $0x100  }
0x8e: {  	[sflag:s26] =	ssyncset.done $0x0  }
0x8f: {  	[sflag:s26] =	ssyncadd.s32 $0xFFFFFF00  }
0x90: {  	[tilespmem:s31], [sflag:$0x2] =	stream.indirect.gather [hbm4b:s1+s29], $0x80, s30, s29, $0xb8;
	[tilespmem:$0x1FB80] =	vst v63  }
0x91: {  	s16 =	sadd.s32 $0x800, s18  }
0x92: {  	[tilespmem:s0], [sflag:$0x7] =	stream.linear.gather [hbm4b:s16+s4], $0x100, $0x38;
	[tilespmem:$0x1FB80] =	vst v63  }
0x93: {  	_ =	swait.ge [sflag:s26], $0x100  }
0x94: {  	[sflag:s26] =	ssyncset.done $0x0  }
0x95: {  	[sflag:s26] =	ssyncadd.s32 $0xFFFFFF00  }
0x96: {  	[tilespmem:s3], [sflag:$0x3] =	stream.indirect.gather [hbm4b:s1+s29], $0x80, s0, s29, $0xb8;
	[tilespmem:$0x1FB80] =	vst v63  }
0x97: {  	_ =	swait.ge [sflag:s6], $0x4000  }
0x98: {  	[sflag:s6] =	ssyncset.done $0x0  }
0x99: {  	[sflag:s6] =	ssyncadd.s32 $0xFFFFC000  }
0x9a: {  	[spmem:s2] =	stream.indirect.scatter.add.f32 [tilespmem:s25], [sflag:$0x4], $0x80, s7, s29, $0xb8;
	[tilespmem:$0x1FB80] =	vst v63  }
0x9b: {  	_ =	swait.ge [sflag:s5], $0x4000  }
0x9c: {  	[sflag:s5] =	ssyncset.done $0x0  }
0x9d: {  	[sflag:s5] =	ssyncadd.s32 $0xFFFFC000  }
0x9e: {  	[spmem:s2] =	stream.indirect.scatter.add.f32 [tilespmem:s31], [sflag:$0x5], $0x80, s8, s29, $0xb8;
	[tilespmem:$0x1FB80] =	vst v63  }
0x9f: {  	_ =	swait.ge [sflag:s9], $0x4000  }
0xa0: {  	[sflag:s9] =	ssyncset.done $0x0  }
0xa1: {  	[sflag:s9] =	ssyncadd.s32 $0xFFFFC000  }
0xa2: {  	[spmem:s2] =	stream.indirect.scatter.add.f32 [tilespmem:s3], [sflag:$0x6], $0x80, s10, s29, $0xb8;
	[tilespmem:$0x1FB80] =	vst v63  }
0xa3: {  	_ =	swait.ge [sflag:s11], $0x4000  }
0xa4: {  	[sflag:s11] =	ssyncset.done $0x0  }
0xa5: {  	[sflag:s11] =	ssyncadd.s32 $0xFFFFC000  }
.Ltmp1:
0xa6: {  	_ =	swait.ge [sflag:s12], $0x4000;
	(pc) =	sbr.rel @p2 .LBB2_4-.Ltmp1, $4  }
0xa7: {  	[sflag:s12] =	ssyncset.done $0x0  }
0xa8: {  	[sflag:s12] =	ssyncadd.s32 $0xFFFFC000  }
0xa9: {  	_ =	swait.ge [sflag:s13], $0x4000  }
0xaa: {  	s16 =	smov.u32 s17;
	[sflag:s13] =	ssyncset.done $0x0  }
0xab: {  	s15 =	sadd.s32 s15, s20;
	[sflag:s13] =	ssyncadd.s32 $0xFFFFC000  }
0xac: {  	[tilespmem:s28], [sflag:$0x7] =	stream.linear.gather [hbm4b:s15+s4], $0x100, $0x38;
	[tilespmem:$0x1FB80] =	vst v63  }
0xad: {  	_ =	swait.ge [sflag:s26], $0x100  }
0xae: {  	[sflag:s26] =	ssyncset.done $0x0  }
0xaf: {  	[sflag:s26] =	ssyncadd.s32 $0xFFFFFF00  }
0xb0: {  	[tilespmem:s25], [sflag:$0x1] =	stream.indirect.gather [hbm4b:s1+s29], $0x80, s28, s29, $0xb8;
	[tilespmem:$0x1FB80] =	vst v63  }
0xb1: {  	s16 =	sadd.s32 $0x400, s15  }
0xb2: {  	[tilespmem:s30], [sflag:$0x7] =	stream.linear.gather [hbm4b:s16+s4], $0x100, $0x38;
	[tilespmem:$0x1FB80] =	vst v63  }
0xb3: {  	_ =	swait.ge [sflag:s26], $0x100  }
0xb4: {  	[sflag:s26] =	ssyncset.done $0x0  }
0xb5: {  	[sflag:s26] =	ssyncadd.s32 $0xFFFFFF00  }
0xb6: {  	[tilespmem:s31], [sflag:$0x2] =	stream.indirect.gather [hbm4b:s1+s29], $0x80, s30, s29, $0xb8;
	[tilespmem:$0x1FB80] =	vst v63  }
0xb7: {  	s15 =	sadd.s32 $0x800, s15  }
0xb8: {  	[tilespmem:s0], [sflag:$0x7] =	stream.linear.gather [hbm4b:s15+s4], $0x100, $0x38;
	[tilespmem:$0x1FB80] =	vst v63  }
0xb9: {  	_ =	swait.ge [sflag:s26], $0x100  }
0xba: {  	[sflag:s26] =	ssyncset.done $0x0  }
0xbb: {  	[sflag:s26] =	ssyncadd.s32 $0xFFFFFF00  }
0xbc: {  	[tilespmem:s3], [sflag:$0x3] =	stream.indirect.gather [hbm4b:s1+s29], $0x80, s0, s29, $0xb8;
	[tilespmem:$0x1FB80] =	vst v63  }
0xbd: {  	_ =	swait.ge [sflag:s6], $0x4000  }
0xbe: {  	[sflag:s6] =	ssyncset.done $0x0  }
0xbf: {  	[sflag:s6] =	ssyncadd.s32 $0xFFFFC000  }
0xc0: {  	[spmem:s2] =	stream.indirect.scatter.add.f32 [tilespmem:s25], [sflag:$0x4], $0x80, s7, s29, $0xb8;
	[tilespmem:$0x1FB80] =	vst v63  }
0xc1: {  	_ =	swait.ge [sflag:s5], $0x4000  }
0xc2: {  	[sflag:s5] =	ssyncset.done $0x0  }
0xc3: {  	[sflag:s5] =	ssyncadd.s32 $0xFFFFC000  }
0xc4: {  	[spmem:s2] =	stream.indirect.scatter.add.f32 [tilespmem:s31], [sflag:$0x5], $0x80, s8, s29, $0xb8;
	[tilespmem:$0x1FB80] =	vst v63  }
0xc5: {  	_ =	swait.ge [sflag:s9], $0x4000  }
0xc6: {  	[sflag:s9] =	ssyncset.done $0x0  }
0xc7: {  	[sflag:s9] =	ssyncadd.s32 $0xFFFFC000  }
0xc8: {  	[spmem:s2] =	stream.indirect.scatter.add.f32 [tilespmem:s3], [sflag:$0x6], $0x80, s10, s29, $0xb8;
	[tilespmem:$0x1FB80] =	vst v63  }
0xc9: {  	_ =	swait.ge [sflag:s11], $0x4000  }
0xca: {  	[sflag:s11] =	ssyncset.done $0x0  }
0xcb: {  	[sflag:s11] =	ssyncadd.s32 $0xFFFFC000  }
0xcc: {  	_ =	swait.ge [sflag:s12], $0x4000  }
0xcd: {  	[sflag:s12] =	ssyncset.done $0x0  }
0xce: {  	[sflag:s12] =	ssyncadd.s32 $0xFFFFC000  }
0xcf: {  	_ =	swait.ge [sflag:s13], $0x4000  }
0xd0: {  	s16 =	simm.s32 @!p1 $0x13880;
	[sflag:s13] =	ssyncset.done $0x0  }
0xd1: {  	s15 =	simm.s32 @!p1 $0x0;
	s17 =	rddreg [dreg:$0xe];
	[sflag:s13] =	ssyncadd.s32 $0xFFFFC000  }
0xd2: {  	[tilespmem:s16], [sflag:$0x7] =	stream.linear.gather @!p1 [hbm4b:s17+s15], $0x100, $0x38;
	[tilespmem:$0x1FB80] =	vst v63  }
0xd3: {  	s15 =	simm.s32 @!p1 $0x7  }
0xd4: {  	_ =	swait.ge @!p1 [sflag:s15], $0x100  }
0xd5: {  	[sflag:s15] =	ssyncset.done @!p1 $0x0  }
0xd6: {  	s18 =	simm.s32 @!p1 $0x13B80;
	s17 =	simm.s32 @!p1 $0x80;
	[sflag:s15] =	ssyncadd.s32 @!p1 $0xFFFFFF00  }
0xd7: {  	[tilespmem:s18], [sflag:$0x1] =	stream.indirect.gather @!p1 [hbm4b:s1+s17], $0x80, s16, s17, $0xb8;
	[tilespmem:$0x1FB80] =	vst v63  }
0xd8: {  	s16 =	simm.s32 @!p1 $0x1  }
0xd9: {  	_ =	swait.ge @!p1 [sflag:s16], $0x4000  }
0xda: {  	[sflag:s16] =	ssyncset.done @!p1 $0x0  }
0xdb: {  	[sflag:s16] =	ssyncadd.s32 @!p1 $0xFFFFC000;
	s16 =	simm.s32 @!p1 $0x13900  }
0xdc: {  	[spmem:s2] =	stream.indirect.scatter.add.f32 @!p1 [tilespmem:s18], [sflag:$0x7], $0x80, s16, s17, $0xb8;
	[tilespmem:$0x1FB80] =	vst v63  }
0xdd: {  	_ =	swait.ge @!p1 [sflag:s15], $0x4000  }
0xde: {  	[sflag:s15] =	ssyncset.done @!p1 $0x0  }
0xdf: {  	[sflag:s15] =	ssyncadd.s32 @!p1 $0xFFFFC000  }
0xe0: {  	[bflag:$0x0] =	sbarrier.arrive $0xFFFF  }
0xe1: {  	s18 =	smov.u32 s19;
	s16 =	rddreg [dreg:$0x5]  }
0xe2: {  	s17 =	sshrl.u32 s19, $0x3;
	s19 =	rddreg [dreg:$0x6];
	s15 =	sor.u32 $0x1C07, s16  }
0xe3: {  	[hbm:s19], [sflag:s15] =	dma.local [spmem:s17], $0x500  }
0xe4: {  	_ =	swait.ge [sflag:s26], $0x500  }
0xe5: {  	[sflag:s26] =	ssyncset.done $0x0;
	s17 =	rddreg [dreg:$0x10]  }
0xe6: {  	s19 =	rddreg [dreg:$0x7];
	[sflag:s26] =	ssyncadd.s32 $0xFFFFFB00;
	s16 =	sshrl.u32 s17, $0x3  }
0xe7: {  	[hbm:s19], [sflag:s15] =	dma.local [spmem:s16], $0x500  }
0xe8: {  	_ =	swait.ge [sflag:s26], $0x500  }
0xe9: {  	[sflag:s26] =	ssyncset.done $0x0;
	s17 =	rddreg [dreg:$0x11]  }
0xea: {  	s19 =	rddreg [dreg:$0x8];
	[sflag:s26] =	ssyncadd.s32 $0xFFFFFB00;
	s16 =	sshrl.u32 s17, $0x3  }
0xeb: {  	[hbm:s19], [sflag:s15] =	dma.local [spmem:s16], $0x500  }
0xec: {  	_ =	swait.ge [sflag:s26], $0x500  }
0xed: {  	[sflag:s26] =	ssyncset.done $0x0;
	s17 =	rddreg [dreg:$0x12]  }
0xee: {  	s19 =	rddreg [dreg:$0x9];
	[sflag:s26] =	ssyncadd.s32 $0xFFFFFB00;
	s16 =	sshrl.u32 s17, $0x3  }
0xef: {  	[hbm:s19], [sflag:s15] =	dma.local [spmem:s16], $0x500  }
0xf0: {  	_ =	swait.ge [sflag:s26], $0x500  }
0xf1: {  	[sflag:s26] =	ssyncset.done $0x0  }
0xf2: {  	s17 =	sshrl.u32 s21, $0x3;
	s19 =	rddreg [dreg:$0xa];
	[sflag:s26] =	ssyncadd.s32 $0xFFFFFB00  }
0xf3: {  	[hbm:s19], [sflag:s15] =	dma.local [spmem:s17], $0x500  }
0xf4: {  	_ =	swait.ge [sflag:s26], $0x500  }
0xf5: {  	[sflag:s26] =	ssyncset.done $0x0  }
0xf6: {  	s17 =	sshrl.u32 s22, $0x3;
	s19 =	rddreg [dreg:$0xb];
	[sflag:s26] =	ssyncadd.s32 $0xFFFFFB00  }
0xf7: {  	[hbm:s19], [sflag:s15] =	dma.local [spmem:s17], $0x500  }
0xf8: {  	_ =	swait.ge [sflag:s26], $0x500  }
0xf9: {  	[sflag:s26] =	ssyncset.done $0x0  }
0xfa: {  	s17 =	sshrl.u32 s23, $0x3;
	s19 =	rddreg [dreg:$0xc];
	[sflag:s26] =	ssyncadd.s32 $0xFFFFFB00  }
0xfb: {  	[hbm:s19], [sflag:s15] =	dma.local [spmem:s17], $0x500  }
0xfc: {  	_ =	swait.ge [sflag:s26], $0x500  }
0xfd: {  	[sflag:s26] =	ssyncset.done $0x0  }
0xfe: {  	s16 =	sshrl.u32 @!p0 s24, $0x3;
	s17 =	rddreg [dreg:$0xd];
	[sflag:s26] =	ssyncadd.s32 $0xFFFFFB00  }
0xff: {  	[hbm:s17], [sflag:s15] =	dma.local @!p0 [spmem:s16], $0x500  }
0x100: {  	s15 =	simm.s32 @!p0 $0x7  }
0x101: {  	_ =	swait.ge @!p0 [sflag:s15], $0x500  }
0x102: {  	s14 =	sadd.s32 $0x1, s14;
	s19 =	rddreg [dreg:$0xf]  }
0x103: {  	p2 =	sne.s32 s14, s19  }
.Ltmp2:
0x104: {  	_ = 	snop;
	(pc) =	sbr.rel @p2 .LBB2_1-.Ltmp2, $3  }
0x105: {  	_ =	sdelay $0x1  }
0x106: {  	[sflag:s15] =	ssyncset.done @!p0 $0x0  }
0x107: {  	[sflag:s15] =	ssyncadd.s32 @!p0 $0xFFFFFB00  }
0x108: {  	_ =	sfence.sel $0x180000  }
0x109: {  	[bflag:$0x0] =	sbarrier.arrive $0xFFFF  }
0x10a: {  	_ =	strace $0x9000004A  }
0x10b: {  	s0 =	stileid.u32;
	[bflag:$0x2] =	sbarrier.arrive $0xFFFF  }
0x10c: {  	p0 =	sne.s32 s0, $0x0;
	s0 =	rddreg [dreg:$0x4]  }
0x10d: {  	s0 =	sadd.s32 @!p0 $0x100000, s0  }
0x10e: {  	[sflag:s0] =	ssyncadd.tile.s32 @!p0 $0x1;
	_ =	shalt  }
.Lfunc_end2:
_tile_overlayer_lowered:
.L_overlay_start_2:
0x10f: {  	(tag) =	ssettag $0x2  }
0x110: {  	s0 =	rddreg [dreg:$0x0];
	s2 =	stileid.u32  }
0x111: {  	s1 =	rddreg [dreg:$0x1];
	p0 =	sne.s32 s2, $0x0  }
0x112: {  	s3 =	rddreg [dreg:$0x2];
	[bflag:$0x3] =	sbarrier.arrive $0xFFFF;
	s2 =	simm.s32 @!p0 $0x1C07  }
0x113: {  	[timem:s3], [sflag:s2] =	dma.local @!p0 [hbm:s0], s1  }
0x114: {  	s0 =	simm.s32 @!p0 $0x7  }
0x115: {  	_ =	swait.ge @!p0 [sflag:s0], s1  }
0x116: {  	s1 =	ssub.s32 @!p0 $0x0, s1;
	[sflag:s0] =	ssyncset.done @!p0 $0x0  }
0x117: {  	[sflag:s0] =	ssyncadd.s32 @!p0 s1  }
0x118: {  	[bflag:$0x3] =	sbarrier.arrive $0xFFFF  }
0x119: {  	_ =	shalt  }

// kernel: kernel.15.cloned.1.call-start
scs
__scs_entry_jumppad:
0x0: {  	(pc) =	sbr.rel $0x88, $3  }
0x1: {  	(tag) =	ssettag $0x0;
	lr =	simm.s32 $0x1  }
0x2: {  	[smem:$0x3F91] =	sst lr;
	_ =	strace $0xD0000000  }
0x3: {  	_ = 	snop  }
0x4: {  	_ = 	snop  }
0x5: {  	_ = 	snop  }
0x6: {  	_ = 	snop  }
0x7: {  	_ = 	snop  }
__scs_overlays_trampoline_lowered:
0x8: {  	[smem:$0x3FA0] =	sst s0  }
0x9: {  	[smem:$0x3FA1] =	sst s1  }
0xa: {  	[smem:$0x3FA2] =	sst s2  }
0xb: {  	[smem:$0x3FA3] =	sst s3  }
0xc: {  	[smem:$0x3FA4] =	sst s4  }
0xd: {  	[smem:$0x3FA5] =	sst s5  }
0xe: {  	[smem:$0x3FA6] =	sst s6  }
0xf: {  	[smem:$0x3FA7] =	sst s7  }
0x10: {  	[smem:$0x3FA8] =	sst s8  }
0x11: {  	[smem:$0x3FA9] =	sst s9;
	s0 =	simm.s32 @!p0 $0x0  }
0x12: {  	s1 =	sld [smem:$0x3F8F];
	s0 =	simm.s32 @p0 $0x1  }
0x13: {  	[smem:$0x3FAA] =	sst s0;
	s0 =	simm.s32 @!p1 $0x0  }
0x14: {  	s2 =	sld [smem:$0x3F8E];
	s0 =	simm.s32 @p1 $0x1  }
0x15: {  	[smem:$0x3FAB] =	sst s0;
	s0 =	simm.s32 @!p2 $0x0  }
0x16: {  	s3 =	sld [smem:$0x3FDB];
	s0 =	simm.s32 @p2 $0x1  }
0x17: {  	s4 =	simm.s32 $0x1BF5;
	[smem:$0x3FAD] =	sst s0  }
0x18: {  	s0 =	sld [smem:$0x3F90];
	_ =	swait.ge [sflag:s4], $0x0  }
0x19: {  	s7 =	sld [smem:$0x3F91]  }
0x1a: {  	s8 =	sadd.s32 $0xFFFFE003, lr  }
0x1b: {  	s9 =	sadd.s32 $0xFFFFFEF7, lr;
	s5 =	simm.s32 $0xFFFFFFFF;
	p2 =	slt.u32 s8, $0xFFFFF086  }
0x1c: {  	p1 =	slt.u32 s9, $0xF7A;
	s5 =	simm.s32 @!p2 $0x0  }
0x1d: {  	s5 =	simm.s32 @p1 $0x1;
	p0 =	seq.s32 s7, s2  }
0x1e: {  	s7 =	smul.u32 @!p0 $0xF7A, s2;
	p2 =	seq.s32 @!p0 s5, $0x0  }
0x1f: {  	s9 =	smul.u32 $0xF7A, s1;
	s8 =	simm.s32 @!p0 $0x1BF5;
	p2 =	por !p2, p0  }
0x20: {  	[sflag:s8] =	ssyncset.s32 @!p0 $0xFFFFF086;
	s6 =	sadd.s32 @!p0 s3, s7;
	s7 =	simm.s32 @!p0 $0x108  }
0x21: {  	s3 =	sadd.s32 s3, s9;
	s6 =	sadd.s32 @!p0 $0x88, s6;
	s7 =	simm.s32 @p2 $0x1082  }
0x22: {  	[simem:s7], [sflag:s8] =	dma.local @!p0 [hbm:s6], $0xF7A  }
0x23: {  	s9 =	sor.u32 $0xD0000000, s2;
	s6 =	simm.s32 $0x108;
	_ =	swait.ge @!p0 [sflag:s8], $0x0  }
0x24: {  	s3 =	sadd.s32 $0x88, s3;
	s6 =	simm.s32 @!p1 $0x1082;
	[sflag:s4] =	ssyncset.s32 $0xFFFFF086  }
0x25: {  	[simem:s6], [sflag:s4] =	dma.local [hbm:s3], $0xF7A  }
0x26: {  	[smem:$0x3F91] =	sst s1;
	(tag) =	ssettag s2;
	_ =	strace s9  }
0x27: {  	s1 =	sld [smem:$0x3FA1]  }
0x28: {  	s2 =	sld [smem:$0x3FA2]  }
0x29: {  	s4 =	sld [smem:$0x3FA4]  }
0x2a: {  	p0 =	seq.s32 s5, $0x0;
	s5 =	sld [smem:$0x3FA5]  }
0x2b: {  	s6 =	sld [smem:$0x3FA6]  }
0x2c: {  	s7 =	sld [smem:$0x3FA7]  }
0x2d: {  	s3 =	simm.s32 $0x108;
	s8 =	sld [smem:$0x3FA8]  }
0x2e: {  	s3 =	simm.s32 @!p0 $0x1082;
	s9 =	sld [smem:$0x3FA9]  }
0x2f: {  	lr =	sadd.s32 s0, s3;
	s0 =	sld [smem:$0x3FA0]  }
0x30: {  	s3 =	sld [smem:$0x3FA3]  }
0x31: {  	[smem:$0x3FAC] =	sst s10  }
0x32: {  	s10 =	sld [smem:$0x3FAA];
	_ =	sdelay $0x3  }
0x33: {  	p0 =	seq.s32 s10, $0x1;
	s10 =	sld [smem:$0x3FAC];
	_ =	sdelay $0x3  }
0x34: {  	[smem:$0x3FAC] =	sst s10  }
0x35: {  	s10 =	sld [smem:$0x3FAB];
	_ =	sdelay $0x3  }
0x36: {  	p1 =	seq.s32 s10, $0x1;
	s10 =	sld [smem:$0x3FAC];
	_ =	sdelay $0x3  }
0x37: {  	[smem:$0x3FAC] =	sst s10  }
0x38: {  	s10 =	sld [smem:$0x3FAD]  }
0x39: {  	_ = 	snop;
	(pc) =	sbr.ind lr, $3  }
0x3a: {  	_ = 	snop  }
0x3b: {  	_ = 	snop  }
0x3c: {  	p2 =	seq.s32 s10, $0x1;
	s10 =	sld [smem:$0x3FAC]  }
0x3d: {  	_ =	shalt  }
0x3e: {  	_ =	shalt  }
0x3f: {  	_ =	shalt  }
0x40: {  	_ =	shalt  }
0x41: {  	_ =	shalt  }
0x42: {  	_ =	shalt  }
0x43: {  	_ =	shalt  }
0x44: {  	_ =	shalt  }
0x45: {  	_ =	shalt  }
0x46: {  	_ =	shalt  }
0x47: {  	_ =	shalt  }
0x48: {  	_ =	shalt  }
0x49: {  	_ =	shalt  }
0x4a: {  	_ =	shalt  }
0x4b: {  	_ =	shalt  }
0x4c: {  	_ =	shalt  }
0x4d: {  	_ =	shalt  }
0x4e: {  	_ =	shalt  }
0x4f: {  	_ =	shalt  }
0x50: {  	_ =	shalt  }
0x51: {  	_ =	shalt  }
0x52: {  	_ =	shalt  }
0x53: {  	_ =	shalt  }
0x54: {  	_ =	shalt  }
0x55: {  	_ =	shalt  }
0x56: {  	_ =	shalt  }
0x57: {  	_ =	shalt  }
0x58: {  	_ =	shalt  }
0x59: {  	_ =	shalt  }
0x5a: {  	_ =	shalt  }
0x5b: {  	_ =	shalt  }
0x5c: {  	_ =	shalt  }
0x5d: {  	_ =	shalt  }
0x5e: {  	_ =	shalt  }
0x5f: {  	_ =	shalt  }
0x60: {  	_ =	shalt  }
0x61: {  	_ =	shalt  }
0x62: {  	_ =	shalt  }
0x63: {  	_ =	shalt  }
0x64: {  	_ =	shalt  }
0x65: {  	_ =	shalt  }
0x66: {  	_ =	shalt  }
0x67: {  	_ =	shalt  }
0x68: {  	_ =	shalt  }
0x69: {  	_ =	shalt  }
0x6a: {  	_ =	shalt  }
0x6b: {  	_ =	shalt  }
0x6c: {  	_ =	shalt  }
0x6d: {  	_ =	shalt  }
0x6e: {  	_ =	shalt  }
0x6f: {  	_ =	shalt  }
0x70: {  	_ =	shalt  }
0x71: {  	_ =	shalt  }
0x72: {  	_ =	shalt  }
0x73: {  	_ =	shalt  }
0x74: {  	_ =	shalt  }
0x75: {  	_ =	shalt  }
0x76: {  	_ =	shalt  }
0x77: {  	_ =	shalt  }
0x78: {  	_ =	shalt  }
0x79: {  	_ =	shalt  }
0x7a: {  	_ =	shalt  }
0x7b: {  	_ =	shalt  }
0x7c: {  	_ =	shalt  }
0x7d: {  	_ =	shalt  }
0x7e: {  	_ =	shalt  }
0x7f: {  	_ =	shalt  }
0x80: {  	_ =	shalt  }
0x81: {  	_ =	shalt  }
0x82: {  	_ =	shalt  }
0x83: {  	_ =	shalt  }
0x84: {  	_ =	shalt  }
0x85: {  	_ =	shalt  }
0x86: {  	_ =	shalt  }
0x87: {  	_ =	shalt  }
.Lfunc_end0:
.L_simem_size_0:
called_computation.2_lowered:
.L_overlay_start_0:
0x88: {  	s2 =	sld [smem:$0x3FD9]  }
0x89: {  	s3 =	sld [smem:$0x3FFE];
	_ =	sdelay $0x1  }
0x8a: {  	s1 =	srdreg.scid  }
0x8b: {  	s0 =	sand.u32 $0x1, s1  }
0x8c: {  	s17 =	sshll.u32 s0, $0xA;
	s2 =	sadd.s32 s3, s2  }
0x8d: {  	s2 =	sadd.s32 s2, s17  }
0x8e: {  	[smem:$0x3FB8] =	sst s2  }
0x8f: {  	_ = 	snop  }
0x90: {  	s2 =	sld [smem:$0x3FC8]  }
0x91: {  	s18 =	sld [smem:$0x3FD0];
	(tm) =	ssettm $0x1  }
0x92: {  	s4 =	sld [smem:$0x3FFB];
	_ =	sdelay $0x3  }
0x93: {  	_ =	strace s4  }
0x94: {  	s4 =	sld [smem:$0x3FFC];
	_ =	sdelay $0x3  }
0x95: {  	_ =	strace s4  }
0x96: {  	s4 =	sld [smem:$0x3FFD];
	_ =	sdelay $0x3  }
0x97: {  	_ =	strace s4  }
0x98: {  	_ =	strace $0x8FFFFFFF  }
0x99: {  	s19 =	sld [smem:$0x3FDB];
	_ =	sdelay $0x1  }
0x9a: {  	s5 =	simm.s32 $_scs_section_size  }
0x9b: {  	s6 =	simm.s32 $_size__tile_overlayer_lowered;
	s7 =	simm.s32 $_tile_overlayer_lowered  }
0x9c: {  	s22 =	simm.s32 $0x1BFF;
	s21 =	sshll.u32 s7, $0x1;
	s4 =	sadd.s32 s5, s19  }
0x9d: {  	s8 =	simm.s32 $0x0;
	s20 =	sshll.u32 s6, $0x1;
	s6 =	sadd.s32 s21, s4  }
0x9e: {  	[timem:s8], [sflag:s22] =	dma.local [hbm:s6], s20  }
0x9f: {  	_ =	swait.ge [sflag:s22], s20  }
0xa0: {  	s5 =	ssub.s32 $0x0, s20;
	[sflag:s22] =	ssyncset.done $0x0  }
0xa1: {  	[sflag:s22] =	ssyncadd.s32 s5;
	_ =	sdelay $0x1  }
0xa2: {  	s23 =	simm.s32 $0x1B8B  }
0xa3: {  	_ =	swait.ge [sflag:s23], $0x1  }
0xa4: {  	[sflag:s23] =	ssyncset.done $0x0  }
0xa5: {  	s25 =	simm.s32 $0x1B8E;
	s24 =	sld [smem:$0x3FFE];
	[sflag:s23] =	ssyncadd.s32 $0xFFFFFFFF  }
0xa6: {  	s26 =	simm.s32 $execute0_lowered;
	[smem:$0x3FD2] =	sst s25  }
0xa7: {  	s6 =	sshll.u32 s26, $0x1;
	_ =	strace $0x8000004C;
	[dreg:$0x1] =	wrdreg $0xFFFFFFFF  }
0xa8: {  	s28 =	simm.s32 $_size_execute0_lowered;
	s4 =	sadd.s32 s4, s6;
	[dreg:$0x0] =	wrdreg $0x0  }
0xa9: {  	s6 =	sshll.u32 s28, $0x1;
	[dreg:$0x2] =	wrdreg s4  }
0xaa: {  	[dreg:$0x3] =	wrdreg s6  }
0xab: {  	[dreg:$0x4] =	wrdreg $0xC0  }
0xac: {  	_ =	task [dreg:s8], $0x5FFFF  }
0xad: {  	[dreg:$0x1] =	wrdreg $0xFFFFFFFF  }
0xae: {  	[dreg:$0x0] =	wrdreg $0x60  }
0xaf: {  	[dreg:$0x2] =	wrdreg s18  }
0xb0: {  	[dreg:$0x3] =	wrdreg s2  }
0xb1: {  	[dreg:$0x4] =	wrdreg s24  }
0xb2: {  	[dreg:$0x5] =	wrdreg $0x0  }
0xb3: {  	[dreg:$0x6] =	wrdreg $0x9  }
0xb4: {  	_ =	task.clear_ibuf [dreg:s8], $0x7FFFF;
	_ =	strace $0x9000004C  }
0xb5: {  	s29 =	simm.s32 $0x9;
	_ =	strace $0x8000004E  }
0xb6: {  	_ =	swait.ge [sflag:s29], $0x1  }
0xb7: {  	[sflag:s29] =	ssyncadd.s32 $0xFFFFFFFF  }
0xb8: {  	_ =	strace $0x9000004E  }
0xb9: {  	_ =	sfence  }
0xba: {  	s30 =	sld [smem:$0x0];
	_ =	sdelay $0x2  }
0xbb: {  	s31 =	sshll.u32 s1, $0xD;
	s1 =	sshrl.u32 s1, $0x2  }
0xbc: {  	s3 =	sand.u32 $0x4000, s31;
	s1 =	sadd.s32 s1, s30  }
0xbd: {  	s0 =	sor.u32 s3, s0;
	s1 =	sshll.u32 s1, $0x11  }
0xbe: {  	s0 =	sor.u32 s1, s0  }
0xbf: {  	s0 =	sadd.s32 $0x8F2B, s0  }
0xc0: {  	[sflag:s0] =	ssyncadd.remote.s32 $0x1  }
0xc1: {  	_ =	sfence.sel $0xFFFF  }
0xc2: {  	[dreg:$0x0] =	wrdreg $0xFFFFFFFF;
	(pc) =	sbr.abs _section_cstart, $3  }
0xc3: {  	[dreg:$0x1] =	wrdreg $0xFFFFFFFF  }
0xc4: {  	_ =	task.clear_ibuf [dreg:s8], $0x2FFFF;
	_ =	strace $0x9FFFFFFF  }
0xc5: {  	(tm) =	ssettm $0x7FFFFFFF  }
tec
execute0_lowered:
.L_overlay_start_1:
0x0: {  	(tag) =	ssettag $0x1  }
0x1: {  	s1 =	rddreg [dreg:$0x0]  }
0x2: {  	s0 =	rddreg [dreg:$0x1]  }
0x3: {  	s3 =	rddreg [dreg:$0x2]  }
0x4: {  	s2 =	rddreg [dreg:$0x3]  }
0x5: {  	s5 =	srdreg.scid;
	s26 =	stileid.u32  }
0x6: {  	s4 =	simm.s32 $0x0;
	s5 =	sand.u32 $0x1, s5;
	s8 =	smul.u32 $0x2800, s26  }
0x7: {  	s28 =	simm.s32 $0x13880;
	s7 =	sor.u32 $0x10, s26;
	s6 =	smul.u32 $0x138800, s5  }
0x8: {  	s29 =	simm.s32 $0x80;
	s10 =	sor.u32 $0x20, s26;
	s11 =	smul.u32 $0x2800, s7  }
0x9: {  	s30 =	simm.s32 $0x13980;
	s13 =	sor.u32 $0x30, s26;
	s14 =	smul.u32 $0x2800, s10  }
0xa: {  	s31 =	simm.s32 $0x17B80;
	s16 =	sor.u32 $0x50, s26;
	s15 =	smul.u32 $0x2800, s13  }
0xb: {  	[smem:$0x7FF] =	sst s4;
	s20 =	sor.u32 $0x60, s26;
	s18 =	smul.u32 $0x2800, s16  }
0xc: {  	s3 =	sadd.s32 $0x3600, s3;
	s25 =	sor.u32 $0x70, s26;
	s19 =	smul.u32 $0x2800, s20  }
0xd: {  	s22 =	sshll.u32 s26, $0x6;
	p1 =	sgt.u32 s26, $0x1;
	s21 =	smul.u32 $0x2800, s25  }
0xe: {  	s9 =	ssub.s32 $0x2, s5;
	s5 =	sshll.u32 s5, $0x5;
	s16 =	smul.u32 $0xA000, s16  }
0xf: {  	p0 =	sgt.u32 s25, $0x7C;
	s12 =	sshrl.u32 s9, $0x1;
	s24 =	sor.u32 s5, s22  }
0x10: {  	s9 =	ssub.s32 s9, s12;
	s12 =	sor.u32 $0x40, s26;
	s8 =	sadd.s32 s6, s8  }
0x11: {  	s11 =	sadd.s32 s6, s11;
	s14 =	sadd.s32 s6, s14;
	s15 =	sadd.s32 s6, s15  }
0x12: {  	s18 =	sadd.s32 s6, s18;
	s17 =	smul.u32 $0x2800, s12;
	s8 =	sshrl.u32 s8, $0x3  }
0x13: {  	s19 =	sadd.s32 s6, s19;
	s11 =	sshrl.u32 s11, $0x3;
	s8 =	sadd.s32 s3, s8  }
0x14: {  	s23 =	sadd.s32 s3, s11;
	s11 =	sshrl.u32 s15, $0x3;
	s17 =	sadd.s32 s6, s17  }
0x15: {  	s6 =	sadd.s32 s6, s21;
	s21 =	sadd.s32 s24, s0;
	[dreg:$0x6] =	wrdreg s8  }
0x16: {  	[dreg:$0x7] =	wrdreg s23;
	s24 =	sshrl.u32 s14, $0x3;
	s0 =	sadd.s32 s22, s0  }
0x17: {  	s8 =	sadd.s32 s3, s24;
	s14 =	sshrl.u32 s17, $0x3;
	s17 =	sshrl.u32 s18, $0x3  }
0x18: {  	s18 =	sshrl.u32 s19, $0x3;
	s6 =	sshrl.u32 s6, $0x3;
	s19 =	smul.u32 $0xA000, s26  }
0x19: {  	s23 =	sadd.s32 $0x13800, s21;
	s24 =	smul.u32 $0xA000, s7;
	s26 =	simm.s32 $0x7  }
0x1a: {  	[dreg:$0x8] =	wrdreg s8;
	s8 =	sadd.s32 s3, s11;
	s11 =	smul.u32 $0xA000, s13  }
0x1b: {  	s15 =	sadd.s32 s3, s14;
	s14 =	smul.u32 $0xA000, s12;
	[dreg:$0x9] =	wrdreg s8  }
0x1c: {  	s12 =	simm.s32 $0x5;
	[dreg:$0xa] =	wrdreg s15;
	s8 =	sadd.s32 s3, s17  }
0x1d: {  	s17 =	smul.u32 $0xA000, s20;
	s20 =	sadd.s32 s5, s0;
	s5 =	simm.s32 $0x2  }
0x1e: {  	[dreg:$0xb] =	wrdreg s8;
	s8 =	sadd.s32 s3, s18;
	s3 =	sadd.s32 s3, s6  }
0x1f: {  	s15 =	sshrl.u32 s11, $0x2;
	s7 =	sshrl.u32 s14, $0x2;
	s6 =	simm.s32 $0x1  }
0x20: {  	s11 =	simm.s32 $0x4;
	s14 =	simm.s32 $0x0;
	[dreg:$0xc] =	wrdreg s8  }
0x21: {  	[dreg:$0xd] =	wrdreg s3;
	s8 =	smax.u32 s9, $0x1;
	s9 =	smul.u32 $0xA000, s10  }
0x22: {  	s3 =	sshrl.u32 s19, $0x2;
	s10 =	sshrl.u32 s24, $0x2;
	s19 =	smul.u32 $0xA000, s25  }
0x23: {  	s21 =	sadd.s32 s7, s2;
	s24 =	sshrl.u32 s16, $0x2;
	s25 =	simm.s32 $0x13B80  }
0x24: {  	s7 =	simm.s32 $0x13900;
	_ =	strace $0x8000004D;
	[dreg:$0xe] =	wrdreg s23  }
0x25: {  	[dreg:$0xf] =	wrdreg s8;
	s18 =	sadd.s32 s3, s2;
	s3 =	sadd.s32 s10, s2  }
0x26: {  	[dreg:$0x5] =	wrdreg s22;
	s22 =	sadd.s32 s24, s2;
	s8 =	simm.s32 $0x13A00  }
0x27: {  	s10 =	simm.s32 $0x13B00;
	[dreg:$0x10] =	wrdreg s3;
	s13 =	sshrl.u32 s9, $0x2  }
0x28: {  	s0 =	sshrl.u32 s19, $0x2;
	s9 =	simm.s32 $0x3;
	s3 =	sadd.s32 s13, s2  }
0x29: {  	s24 =	sadd.s32 s0, s2;
	[dreg:$0x11] =	wrdreg s3;
	s3 =	sadd.s32 s15, s2  }
0x2a: {  	s0 =	simm.s32 $0x13A80;
	[dreg:$0x12] =	wrdreg s3;
	s3 =	sshrl.u32 s17, $0x2  }
0x2b: {  	v0 =	vimm.f32 $0.0e+00;
	s13 =	simm.s32 $0x6;
	s23 =	sadd.s32 s3, s2;
	s3 =	simm.s32 $0x1BB80  }
.LBB2_1:
0x2c: {  	s15 =	simm.s32 $0x0;
	s16 =	simm.s32 $0x200  }
.LBB2_2:
0x2d: {  	p2 =	sne.s32 s16, $0x9E00;
	[tilespmem:s15+$0x13BF0] =	vst v0  }
0x2e: {  	[tilespmem:s15+$0x13B80] =	vst v0  }
0x2f: {  	[tilespmem:s15+$0x13B90] =	vst v0  }
.Ltmp0:
0x30: {  	[tilespmem:s15+$0x13BA0] =	vst v0;
	(pc) =	sbr.rel @p2 .LBB2_2-.Ltmp0, $4  }
0x31: {  	[tilespmem:s15+$0x13BB0] =	vst v0  }
0x32: {  	[tilespmem:s15+$0x13BC0] =	vst v0  }
0x33: {  	[tilespmem:s15+$0x13BD0] =	vst v0  }
0x34: {  	[tilespmem:s15+$0x13BE0] =	vst v0;
	s15 =	sshra.s32 s16, $0x2;
	s16 =	sadd.s32 $0x200, s16  }
0x35: {  	[tilespmem:s15+$0x13BF0] =	vst v0  }
0x36: {  	[tilespmem:s15+$0x13B80] =	vst v0  }
0x37: {  	[tilespmem:s15+$0x13B90] =	vst v0  }
0x38: {  	[tilespmem:s15+$0x13BA0] =	vst v0  }
0x39: {  	[tilespmem:s15+$0x13BB0] =	vst v0  }
0x3a: {  	[tilespmem:s15+$0x13BC0] =	vst v0  }
0x3b: {  	[tilespmem:s15+$0x13BD0] =	vst v0  }
0x3c: {  	[tilespmem:s15+$0x13BE0] =	vst v0  }
0x3d: {  	[spmem:s18] =	stream.linear.scatter [tilespmem:s25], [sflag:$0x7], $0x2800, $0x38;
	[tilespmem:$0x1FB80] =	vst v63  }
0x3e: {  	_ =	swait.ge [sflag:s26], $0x2800  }
0x3f: {  	[sflag:s26] =	ssyncset.done $0x0  }
0x40: {  	s19 =	smov.u32 s18;
	s18 =	rddreg [dreg:$0x10];
	[sflag:s26] =	ssyncadd.s32 $0xFFFFD800  }
0x41: {  	[spmem:s18] =	stream.linear.scatter [tilespmem:s25], [sflag:$0x7], $0x2800, $0x38;
	[tilespmem:$0x1FB80] =	vst v63  }
0x42: {  	_ =	swait.ge [sflag:s26], $0x2800  }
0x43: {  	[sflag:s26] =	ssyncset.done $0x0  }
0x44: {  	s16 =	rddreg [dreg:$0x11];
	[sflag:s26] =	ssyncadd.s32 $0xFFFFD800  }
0x45: {  	[spmem:s16] =	stream.linear.scatter [tilespmem:s25], [sflag:$0x7], $0x2800, $0x38;
	[tilespmem:$0x1FB80] =	vst v63  }
0x46: {  	_ =	swait.ge [sflag:s26], $0x2800  }
0x47: {  	[sflag:s26] =	ssyncset.done $0x0  }
0x48: {  	s17 =	rddreg [dreg:$0x12];
	[sflag:s26] =	ssyncadd.s32 $0xFFFFD800  }
0x49: {  	[spmem:s17] =	stream.linear.scatter [tilespmem:s25], [sflag:$0x7], $0x2800, $0x38;
	[tilespmem:$0x1FB80] =	vst v63  }
0x4a: {  	_ =	swait.ge [sflag:s26], $0x2800  }
0x4b: {  	[sflag:s26] =	ssyncset.done $0x0  }
0x4c: {  	[sflag:s26] =	ssyncadd.s32 $0xFFFFD800  }
0x4d: {  	[spmem:s21] =	stream.linear.scatter [tilespmem:s25], [sflag:$0x7], $0x2800, $0x38;
	[tilespmem:$0x1FB80] =	vst v63  }
0x4e: {  	_ =	swait.ge [sflag:s26], $0x2800  }
0x4f: {  	[sflag:s26] =	ssyncset.done $0x0  }
0x50: {  	[sflag:s26] =	ssyncadd.s32 $0xFFFFD800  }
0x51: {  	[spmem:s22] =	stream.linear.scatter [tilespmem:s25], [sflag:$0x7], $0x2800, $0x38;
	[tilespmem:$0x1FB80] =	vst v63  }
0x52: {  	_ =	swait.ge [sflag:s26], $0x2800  }
0x53: {  	[sflag:s26] =	ssyncset.done $0x0  }
0x54: {  	[sflag:s26] =	ssyncadd.s32 $0xFFFFD800  }
0x55: {  	[spmem:s23] =	stream.linear.scatter [tilespmem:s25], [sflag:$0x7], $0x2800, $0x38;
	[tilespmem:$0x1FB80] =	vst v63  }
0x56: {  	_ =	swait.ge [sflag:s26], $0x2800  }
0x57: {  	[sflag:s26] =	ssyncset.done $0x0  }
0x58: {  	s15 =	simm.s32 @!p0 $0x13B80;
	[sflag:s26] =	ssyncadd.s32 $0xFFFFD800  }
0x59: {  	[spmem:s24] =	stream.linear.scatter @!p0 [tilespmem:s15], [sflag:$0x7], $0x2800, $0x38;
	[tilespmem:$0x1FB80] =	vst v63  }
0x5a: {  	s15 =	simm.s32 @!p0 $0x7  }
0x5b: {  	_ =	swait.ge @!p0 [sflag:s15], $0x2800  }
0x5c: {  	[sflag:s15] =	ssyncset.done @!p0 $0x0  }
0x5d: {  	[sflag:s15] =	ssyncadd.s32 @!p0 $0xFFFFD800  }
0x5e: {  	s18 =	sadd.s32 $0x0, s20;
	[bflag:$0x0] =	sbarrier.arrive $0xFFFF  }
0x5f: {  	[tilespmem:s28], [sflag:$0x7] =	stream.linear.gather [hbm4b:s18+s4], $0x100, $0x38;
	[tilespmem:$0x1FB80] =	vst v63  }
0x60: {  	_ =	swait.ge [sflag:s26], $0x100  }
0x61: {  	[sflag:s26] =	ssyncset.done $0x0  }
0x62: {  	[sflag:s26] =	ssyncadd.s32 $0xFFFFFF00  }
0x63: {  	[tilespmem:s25], [sflag:$0x1] =	stream.indirect.gather [hbm4b:s1+s29], $0x80, s28, s29, $0xb8;
	[tilespmem:$0x1FB80] =	vst v63  }
0x64: {  	s16 =	sadd.s32 $0x400, s18  }
0x65: {  	[tilespmem:s30], [sflag:$0x7] =	stream.linear.gather [hbm4b:s16+s4], $0x100, $0x38;
	[tilespmem:$0x1FB80] =	vst v63  }
0x66: {  	_ =	swait.ge [sflag:s26], $0x100  }
0x67: {  	[sflag:s26] =	ssyncset.done $0x0  }
0x68: {  	[sflag:s26] =	ssyncadd.s32 $0xFFFFFF00  }
0x69: {  	[tilespmem:s31], [sflag:$0x2] =	stream.indirect.gather [hbm4b:s1+s29], $0x80, s30, s29, $0xb8;
	[tilespmem:$0x1FB80] =	vst v63  }
0x6a: {  	s15 =	sadd.s32 $0x800, s18  }
0x6b: {  	[tilespmem:s0], [sflag:$0x7] =	stream.linear.gather [hbm4b:s15+s4], $0x100, $0x38;
	[tilespmem:$0x1FB80] =	vst v63  }
0x6c: {  	_ =	swait.ge [sflag:s26], $0x100  }
0x6d: {  	[sflag:s26] =	ssyncset.done $0x0  }
0x6e: {  	[sflag:s26] =	ssyncadd.s32 $0xFFFFFF00  }
0x6f: {  	[tilespmem:s3], [sflag:$0x3] =	stream.indirect.gather [hbm4b:s1+s29], $0x80, s0, s29, $0xb8;
	[tilespmem:$0x1FB80] =	vst v63  }
0x70: {  	_ =	swait.ge [sflag:s6], $0x4000  }
0x71: {  	[sflag:s6] =	ssyncset.done $0x0  }
0x72: {  	[sflag:s6] =	ssyncadd.s32 $0xFFFFC000  }
0x73: {  	[spmem:s2] =	stream.indirect.scatter.add.f32 [tilespmem:s25], [sflag:$0x4], $0x80, s7, s29, $0xb8;
	[tilespmem:$0x1FB80] =	vst v63  }
0x74: {  	_ =	swait.ge [sflag:s5], $0x4000  }
0x75: {  	[sflag:s5] =	ssyncset.done $0x0  }
0x76: {  	[sflag:s5] =	ssyncadd.s32 $0xFFFFC000  }
0x77: {  	[spmem:s2] =	stream.indirect.scatter.add.f32 [tilespmem:s31], [sflag:$0x5], $0x80, s8, s29, $0xb8;
	[tilespmem:$0x1FB80] =	vst v63  }
0x78: {  	_ =	swait.ge [sflag:s9], $0x4000  }
0x79: {  	[sflag:s9] =	ssyncset.done $0x0  }
0x7a: {  	[sflag:s9] =	ssyncadd.s32 $0xFFFFC000  }
0x7b: {  	[spmem:s2] =	stream.indirect.scatter.add.f32 [tilespmem:s3], [sflag:$0x6], $0x80, s10, s29, $0xb8;
	[tilespmem:$0x1FB80] =	vst v63  }
0x7c: {  	_ =	swait.ge [sflag:s11], $0x4000  }
0x7d: {  	[sflag:s11] =	ssyncset.done $0x0  }
0x7e: {  	[sflag:s11] =	ssyncadd.s32 $0xFFFFC000  }
0x7f: {  	_ =	swait.ge [sflag:s12], $0x4000  }
0x80: {  	[sflag:s12] =	ssyncset.done $0x0  }
0x81: {  	[sflag:s12] =	ssyncadd.s32 $0xFFFFC000  }
0x82: {  	_ =	swait.ge [sflag:s13], $0x4000  }
0x83: {  	s16 =	simm.s32 $0x1800;
	s15 =	simm.s32 $0xC00;
	[sflag:s13] =	ssyncset.done $0x0  }
.LBB2_4:
0x84: {  	s18 =	sadd.s32 s15, s20  }
0x85: {  	[sflag:s13] =	ssyncadd.s32 $0xFFFFC000;
	s15 =	smov.u32 s16;
	s17 =	sadd.s32 $0xC00, s16  }
0x86: {  	[tilespmem:s28], [sflag:$0x7] =	stream.linear.gather [hbm4b:s18+s4], $0x100, $0x38;
	[tilespmem:$0x1FB80] =	vst v63  }
0x87: {  	p2 =	sne.s32 s16, $0x12C00;
	_ =	swait.ge [sflag:s26], $0x100  }
0x88: {  	[sflag:s26] =	ssyncset.done $0x0  }
0x89: {  	[sflag:s26] =	ssyncadd.s32 $0xFFFFFF00  }
0x8a: {  	[tilespmem:s25], [sflag:$0x1] =	stream.indirect.gather [hbm4b:s1+s29], $0x80, s28, s29, $0xb8;
	[tilespmem:$0x1FB80] =	vst v63  }
0x8b: {  	s16 =	sadd.s32 $0x400, s18  }
0x8c: {  	[tilespmem:s30], [sflag:$0x7] =	stream.linear.gather [hbm4b:s16+s4], $0x100, $0x38;
	[tilespmem:$0x1FB80] =	vst v63  }
0x8d: {  	_ =	swait.ge [sflag:s26], $0x100  }
0x8e: {  	[sflag:s26] =	ssyncset.done $0x0  }
0x8f: {  	[sflag:s26] =	ssyncadd.s32 $0xFFFFFF00  }
0x90: {  	[tilespmem:s31], [sflag:$0x2] =	stream.indirect.gather [hbm4b:s1+s29], $0x80, s30, s29, $0xb8;
	[tilespmem:$0x1FB80] =	vst v63  }
0x91: {  	s16 =	sadd.s32 $0x800, s18  }
0x92: {  	[tilespmem:s0], [sflag:$0x7] =	stream.linear.gather [hbm4b:s16+s4], $0x100, $0x38;
	[tilespmem:$0x1FB80] =	vst v63  }
0x93: {  	_ =	swait.ge [sflag:s26], $0x100  }
0x94: {  	[sflag:s26] =	ssyncset.done $0x0  }
0x95: {  	[sflag:s26] =	ssyncadd.s32 $0xFFFFFF00  }
0x96: {  	[tilespmem:s3], [sflag:$0x3] =	stream.indirect.gather [hbm4b:s1+s29], $0x80, s0, s29, $0xb8;
	[tilespmem:$0x1FB80] =	vst v63  }
0x97: {  	_ =	swait.ge [sflag:s6], $0x4000  }
0x98: {  	[sflag:s6] =	ssyncset.done $0x0  }
0x99: {  	[sflag:s6] =	ssyncadd.s32 $0xFFFFC000  }
0x9a: {  	[spmem:s2] =	stream.indirect.scatter.add.f32 [tilespmem:s25], [sflag:$0x4], $0x80, s7, s29, $0xb8;
	[tilespmem:$0x1FB80] =	vst v63  }
0x9b: {  	_ =	swait.ge [sflag:s5], $0x4000  }
0x9c: {  	[sflag:s5] =	ssyncset.done $0x0  }
0x9d: {  	[sflag:s5] =	ssyncadd.s32 $0xFFFFC000  }
0x9e: {  	[spmem:s2] =	stream.indirect.scatter.add.f32 [tilespmem:s31], [sflag:$0x5], $0x80, s8, s29, $0xb8;
	[tilespmem:$0x1FB80] =	vst v63  }
0x9f: {  	_ =	swait.ge [sflag:s9], $0x4000  }
0xa0: {  	[sflag:s9] =	ssyncset.done $0x0  }
0xa1: {  	[sflag:s9] =	ssyncadd.s32 $0xFFFFC000  }
0xa2: {  	[spmem:s2] =	stream.indirect.scatter.add.f32 [tilespmem:s3], [sflag:$0x6], $0x80, s10, s29, $0xb8;
	[tilespmem:$0x1FB80] =	vst v63  }
0xa3: {  	_ =	swait.ge [sflag:s11], $0x4000  }
0xa4: {  	[sflag:s11] =	ssyncset.done $0x0  }
0xa5: {  	[sflag:s11] =	ssyncadd.s32 $0xFFFFC000  }
.Ltmp1:
0xa6: {  	_ =	swait.ge [sflag:s12], $0x4000;
	(pc) =	sbr.rel @p2 .LBB2_4-.Ltmp1, $4  }
0xa7: {  	[sflag:s12] =	ssyncset.done $0x0  }
0xa8: {  	[sflag:s12] =	ssyncadd.s32 $0xFFFFC000  }
0xa9: {  	_ =	swait.ge [sflag:s13], $0x4000  }
0xaa: {  	s16 =	smov.u32 s17;
	[sflag:s13] =	ssyncset.done $0x0  }
0xab: {  	s15 =	sadd.s32 s15, s20;
	[sflag:s13] =	ssyncadd.s32 $0xFFFFC000  }
0xac: {  	[tilespmem:s28], [sflag:$0x7] =	stream.linear.gather [hbm4b:s15+s4], $0x100, $0x38;
	[tilespmem:$0x1FB80] =	vst v63  }
0xad: {  	_ =	swait.ge [sflag:s26], $0x100  }
0xae: {  	[sflag:s26] =	ssyncset.done $0x0  }
0xaf: {  	[sflag:s26] =	ssyncadd.s32 $0xFFFFFF00  }
0xb0: {  	[tilespmem:s25], [sflag:$0x1] =	stream.indirect.gather [hbm4b:s1+s29], $0x80, s28, s29, $0xb8;
	[tilespmem:$0x1FB80] =	vst v63  }
0xb1: {  	s16 =	sadd.s32 $0x400, s15  }
0xb2: {  	[tilespmem:s30], [sflag:$0x7] =	stream.linear.gather [hbm4b:s16+s4], $0x100, $0x38;
	[tilespmem:$0x1FB80] =	vst v63  }
0xb3: {  	_ =	swait.ge [sflag:s26], $0x100  }
0xb4: {  	[sflag:s26] =	ssyncset.done $0x0  }
0xb5: {  	[sflag:s26] =	ssyncadd.s32 $0xFFFFFF00  }
0xb6: {  	[tilespmem:s31], [sflag:$0x2] =	stream.indirect.gather [hbm4b:s1+s29], $0x80, s30, s29, $0xb8;
	[tilespmem:$0x1FB80] =	vst v63  }
0xb7: {  	s15 =	sadd.s32 $0x800, s15  }
0xb8: {  	[tilespmem:s0], [sflag:$0x7] =	stream.linear.gather [hbm4b:s15+s4], $0x100, $0x38;
	[tilespmem:$0x1FB80] =	vst v63  }
0xb9: {  	_ =	swait.ge [sflag:s26], $0x100  }
0xba: {  	[sflag:s26] =	ssyncset.done $0x0  }
0xbb: {  	[sflag:s26] =	ssyncadd.s32 $0xFFFFFF00  }
0xbc: {  	[tilespmem:s3], [sflag:$0x3] =	stream.indirect.gather [hbm4b:s1+s29], $0x80, s0, s29, $0xb8;
	[tilespmem:$0x1FB80] =	vst v63  }
0xbd: {  	_ =	swait.ge [sflag:s6], $0x4000  }
0xbe: {  	[sflag:s6] =	ssyncset.done $0x0  }
0xbf: {  	[sflag:s6] =	ssyncadd.s32 $0xFFFFC000  }
0xc0: {  	[spmem:s2] =	stream.indirect.scatter.add.f32 [tilespmem:s25], [sflag:$0x4], $0x80, s7, s29, $0xb8;
	[tilespmem:$0x1FB80] =	vst v63  }
0xc1: {  	_ =	swait.ge [sflag:s5], $0x4000  }
0xc2: {  	[sflag:s5] =	ssyncset.done $0x0  }
0xc3: {  	[sflag:s5] =	ssyncadd.s32 $0xFFFFC000  }
0xc4: {  	[spmem:s2] =	stream.indirect.scatter.add.f32 [tilespmem:s31], [sflag:$0x5], $0x80, s8, s29, $0xb8;
	[tilespmem:$0x1FB80] =	vst v63  }
0xc5: {  	_ =	swait.ge [sflag:s9], $0x4000  }
0xc6: {  	[sflag:s9] =	ssyncset.done $0x0  }
0xc7: {  	[sflag:s9] =	ssyncadd.s32 $0xFFFFC000  }
0xc8: {  	[spmem:s2] =	stream.indirect.scatter.add.f32 [tilespmem:s3], [sflag:$0x6], $0x80, s10, s29, $0xb8;
	[tilespmem:$0x1FB80] =	vst v63  }
0xc9: {  	_ =	swait.ge [sflag:s11], $0x4000  }
0xca: {  	[sflag:s11] =	ssyncset.done $0x0  }
0xcb: {  	[sflag:s11] =	ssyncadd.s32 $0xFFFFC000  }
0xcc: {  	_ =	swait.ge [sflag:s12], $0x4000  }
0xcd: {  	[sflag:s12] =	ssyncset.done $0x0  }
0xce: {  	[sflag:s12] =	ssyncadd.s32 $0xFFFFC000  }
0xcf: {  	_ =	swait.ge [sflag:s13], $0x4000  }
0xd0: {  	s16 =	simm.s32 @!p1 $0x13880;
	[sflag:s13] =	ssyncset.done $0x0  }
0xd1: {  	s15 =	simm.s32 @!p1 $0x0;
	s17 =	rddreg [dreg:$0xe];
	[sflag:s13] =	ssyncadd.s32 $0xFFFFC000  }
0xd2: {  	[tilespmem:s16], [sflag:$0x7] =	stream.linear.gather @!p1 [hbm4b:s17+s15], $0x100, $0x38;
	[tilespmem:$0x1FB80] =	vst v63  }
0xd3: {  	s15 =	simm.s32 @!p1 $0x7  }
0xd4: {  	_ =	swait.ge @!p1 [sflag:s15], $0x100  }
0xd5: {  	[sflag:s15] =	ssyncset.done @!p1 $0x0  }
0xd6: {  	s18 =	simm.s32 @!p1 $0x13B80;
	s17 =	simm.s32 @!p1 $0x80;
	[sflag:s15] =	ssyncadd.s32 @!p1 $0xFFFFFF00  }
0xd7: {  	[tilespmem:s18], [sflag:$0x1] =	stream.indirect.gather @!p1 [hbm4b:s1+s17], $0x80, s16, s17, $0xb8;
	[tilespmem:$0x1FB80] =	vst v63  }
0xd8: {  	s16 =	simm.s32 @!p1 $0x1  }
0xd9: {  	_ =	swait.ge @!p1 [sflag:s16], $0x4000  }
0xda: {  	[sflag:s16] =	ssyncset.done @!p1 $0x0  }
0xdb: {  	[sflag:s16] =	ssyncadd.s32 @!p1 $0xFFFFC000;
	s16 =	simm.s32 @!p1 $0x13900  }
0xdc: {  	[spmem:s2] =	stream.indirect.scatter.add.f32 @!p1 [tilespmem:s18], [sflag:$0x7], $0x80, s16, s17, $0xb8;
	[tilespmem:$0x1FB80] =	vst v63  }
0xdd: {  	_ =	swait.ge @!p1 [sflag:s15], $0x4000  }
0xde: {  	[sflag:s15] =	ssyncset.done @!p1 $0x0  }
0xdf: {  	[sflag:s15] =	ssyncadd.s32 @!p1 $0xFFFFC000  }
0xe0: {  	[bflag:$0x0] =	sbarrier.arrive $0xFFFF  }
0xe1: {  	s18 =	smov.u32 s19;
	s16 =	rddreg [dreg:$0x5]  }
0xe2: {  	s17 =	sshrl.u32 s19, $0x3;
	s19 =	rddreg [dreg:$0x6];
	s15 =	sor.u32 $0x1C07, s16  }
0xe3: {  	[hbm:s19], [sflag:s15] =	dma.local [spmem:s17], $0x500  }
0xe4: {  	_ =	swait.ge [sflag:s26], $0x500  }
0xe5: {  	[sflag:s26] =	ssyncset.done $0x0;
	s17 =	rddreg [dreg:$0x10]  }
0xe6: {  	s19 =	rddreg [dreg:$0x7];
	[sflag:s26] =	ssyncadd.s32 $0xFFFFFB00;
	s16 =	sshrl.u32 s17, $0x3  }
0xe7: {  	[hbm:s19], [sflag:s15] =	dma.local [spmem:s16], $0x500  }
0xe8: {  	_ =	swait.ge [sflag:s26], $0x500  }
0xe9: {  	[sflag:s26] =	ssyncset.done $0x0;
	s17 =	rddreg [dreg:$0x11]  }
0xea: {  	s19 =	rddreg [dreg:$0x8];
	[sflag:s26] =	ssyncadd.s32 $0xFFFFFB00;
	s16 =	sshrl.u32 s17, $0x3  }
0xeb: {  	[hbm:s19], [sflag:s15] =	dma.local [spmem:s16], $0x500  }
0xec: {  	_ =	swait.ge [sflag:s26], $0x500  }
0xed: {  	[sflag:s26] =	ssyncset.done $0x0;
	s17 =	rddreg [dreg:$0x12]  }
0xee: {  	s19 =	rddreg [dreg:$0x9];
	[sflag:s26] =	ssyncadd.s32 $0xFFFFFB00;
	s16 =	sshrl.u32 s17, $0x3  }
0xef: {  	[hbm:s19], [sflag:s15] =	dma.local [spmem:s16], $0x500  }
0xf0: {  	_ =	swait.ge [sflag:s26], $0x500  }
0xf1: {  	[sflag:s26] =	ssyncset.done $0x0  }
0xf2: {  	s17 =	sshrl.u32 s21, $0x3;
	s19 =	rddreg [dreg:$0xa];
	[sflag:s26] =	ssyncadd.s32 $0xFFFFFB00  }
0xf3: {  	[hbm:s19], [sflag:s15] =	dma.local [spmem:s17], $0x500  }
0xf4: {  	_ =	swait.ge [sflag:s26], $0x500  }
0xf5: {  	[sflag:s26] =	ssyncset.done $0x0  }
0xf6: {  	s17 =	sshrl.u32 s22, $0x3;
	s19 =	rddreg [dreg:$0xb];
	[sflag:s26] =	ssyncadd.s32 $0xFFFFFB00  }
0xf7: {  	[hbm:s19], [sflag:s15] =	dma.local [spmem:s17], $0x500  }
0xf8: {  	_ =	swait.ge [sflag:s26], $0x500  }
0xf9: {  	[sflag:s26] =	ssyncset.done $0x0  }
0xfa: {  	s17 =	sshrl.u32 s23, $0x3;
	s19 =	rddreg [dreg:$0xc];
	[sflag:s26] =	ssyncadd.s32 $0xFFFFFB00  }
0xfb: {  	[hbm:s19], [sflag:s15] =	dma.local [spmem:s17], $0x500  }
0xfc: {  	_ =	swait.ge [sflag:s26], $0x500  }
0xfd: {  	[sflag:s26] =	ssyncset.done $0x0  }
0xfe: {  	s16 =	sshrl.u32 @!p0 s24, $0x3;
	s17 =	rddreg [dreg:$0xd];
	[sflag:s26] =	ssyncadd.s32 $0xFFFFFB00  }
0xff: {  	[hbm:s17], [sflag:s15] =	dma.local @!p0 [spmem:s16], $0x500  }
0x100: {  	s15 =	simm.s32 @!p0 $0x7  }
0x101: {  	_ =	swait.ge @!p0 [sflag:s15], $0x500  }
0x102: {  	s14 =	sadd.s32 $0x1, s14;
	s19 =	rddreg [dreg:$0xf]  }
0x103: {  	p2 =	sne.s32 s14, s19  }
.Ltmp2:
0x104: {  	_ = 	snop;
	(pc) =	sbr.rel @p2 .LBB2_1-.Ltmp2, $3  }
0x105: {  	_ =	sdelay $0x1  }
0x106: {  	[sflag:s15] =	ssyncset.done @!p0 $0x0  }
0x107: {  	[sflag:s15] =	ssyncadd.s32 @!p0 $0xFFFFFB00  }
0x108: {  	_ =	sfence.sel $0x180000  }
0x109: {  	[bflag:$0x0] =	sbarrier.arrive $0xFFFF  }
0x10a: {  	_ =	strace $0x9000004D  }
0x10b: {  	s0 =	stileid.u32;
	[bflag:$0x2] =	sbarrier.arrive $0xFFFF  }
0x10c: {  	p0 =	sne.s32 s0, $0x0;
	s0 =	rddreg [dreg:$0x4]  }
0x10d: {  	s0 =	sadd.s32 @!p0 $0x100000, s0  }
0x10e: {  	[sflag:s0] =	ssyncadd.tile.s32 @!p0 $0x1;
	_ =	shalt  }
.Lfunc_end2:
_tile_overlayer_lowered:
.L_overlay_start_2:
0x10f: {  	(tag) =	ssettag $0x2  }
0x110: {  	s0 =	rddreg [dreg:$0x0];
	s2 =	stileid.u32  }
0x111: {  	s1 =	rddreg [dreg:$0x1];
	p0 =	sne.s32 s2, $0x0  }
0x112: {  	s3 =	rddreg [dreg:$0x2];
	[bflag:$0x3] =	sbarrier.arrive $0xFFFF;
	s2 =	simm.s32 @!p0 $0x1C07  }
0x113: {  	[timem:s3], [sflag:s2] =	dma.local @!p0 [hbm:s0], s1  }
0x114: {  	s0 =	simm.s32 @!p0 $0x7  }
0x115: {  	_ =	swait.ge @!p0 [sflag:s0], s1  }
0x116: {  	s1 =	ssub.s32 @!p0 $0x0, s1;
	[sflag:s0] =	ssyncset.done @!p0 $0x0  }
0x117: {  	[sflag:s0] =	ssyncadd.s32 @!p0 s1  }
0x118: {  	[bflag:$0x3] =	sbarrier.arrive $0xFFFF  }
0x119: {  	_ =	shalt  }

// kernel: kernel.9.cloned.1.call-start
scs
__scs_entry_jumppad:
0x0: {  	(pc) =	sbr.rel $0x88, $3  }
0x1: {  	(tag) =	ssettag $0x0;
	lr =	simm.s32 $0x1  }
0x2: {  	[smem:$0x3F91] =	sst lr;
	_ =	strace $0xD0000000  }
0x3: {  	_ = 	snop  }
0x4: {  	_ = 	snop  }
0x5: {  	_ = 	snop  }
0x6: {  	_ = 	snop  }
0x7: {  	_ = 	snop  }
__scs_overlays_trampoline_lowered:
0x8: {  	[smem:$0x3FA0] =	sst s0  }
0x9: {  	[smem:$0x3FA1] =	sst s1  }
0xa: {  	[smem:$0x3FA2] =	sst s2  }
0xb: {  	[smem:$0x3FA3] =	sst s3  }
0xc: {  	[smem:$0x3FA4] =	sst s4  }
0xd: {  	[smem:$0x3FA5] =	sst s5  }
0xe: {  	[smem:$0x3FA6] =	sst s6  }
0xf: {  	[smem:$0x3FA7] =	sst s7  }
0x10: {  	[smem:$0x3FA8] =	sst s8  }
0x11: {  	[smem:$0x3FA9] =	sst s9;
	s0 =	simm.s32 @!p0 $0x0  }
0x12: {  	s1 =	sld [smem:$0x3F8F];
	s0 =	simm.s32 @p0 $0x1  }
0x13: {  	[smem:$0x3FAA] =	sst s0;
	s0 =	simm.s32 @!p1 $0x0  }
0x14: {  	s2 =	sld [smem:$0x3F8E];
	s0 =	simm.s32 @p1 $0x1  }
0x15: {  	[smem:$0x3FAB] =	sst s0;
	s0 =	simm.s32 @!p2 $0x0  }
0x16: {  	s3 =	sld [smem:$0x3FDB];
	s0 =	simm.s32 @p2 $0x1  }
0x17: {  	s4 =	simm.s32 $0x1BF5;
	[smem:$0x3FAD] =	sst s0  }
0x18: {  	s0 =	sld [smem:$0x3F90];
	_ =	swait.ge [sflag:s4], $0x0  }
0x19: {  	s7 =	sld [smem:$0x3F91]  }
0x1a: {  	s8 =	sadd.s32 $0xFFFFE003, lr  }
0x1b: {  	s9 =	sadd.s32 $0xFFFFFEF7, lr;
	s5 =	simm.s32 $0xFFFFFFFF;
	p2 =	slt.u32 s8, $0xFFFFF086  }
0x1c: {  	p1 =	slt.u32 s9, $0xF7A;
	s5 =	simm.s32 @!p2 $0x0  }
0x1d: {  	s5 =	simm.s32 @p1 $0x1;
	p0 =	seq.s32 s7, s2  }
0x1e: {  	s7 =	smul.u32 @!p0 $0xF7A, s2;
	p2 =	seq.s32 @!p0 s5, $0x0  }
0x1f: {  	s9 =	smul.u32 $0xF7A, s1;
	s8 =	simm.s32 @!p0 $0x1BF5;
	p2 =	por !p2, p0  }
0x20: {  	[sflag:s8] =	ssyncset.s32 @!p0 $0xFFFFF086;
	s6 =	sadd.s32 @!p0 s3, s7;
	s7 =	simm.s32 @!p0 $0x108  }
0x21: {  	s3 =	sadd.s32 s3, s9;
	s6 =	sadd.s32 @!p0 $0x88, s6;
	s7 =	simm.s32 @p2 $0x1082  }
0x22: {  	[simem:s7], [sflag:s8] =	dma.local @!p0 [hbm:s6], $0xF7A  }
0x23: {  	s9 =	sor.u32 $0xD0000000, s2;
	s6 =	simm.s32 $0x108;
	_ =	swait.ge @!p0 [sflag:s8], $0x0  }
0x24: {  	s3 =	sadd.s32 $0x88, s3;
	s6 =	simm.s32 @!p1 $0x1082;
	[sflag:s4] =	ssyncset.s32 $0xFFFFF086  }
0x25: {  	[simem:s6], [sflag:s4] =	dma.local [hbm:s3], $0xF7A  }
0x26: {  	[smem:$0x3F91] =	sst s1;
	(tag) =	ssettag s2;
	_ =	strace s9  }
0x27: {  	s1 =	sld [smem:$0x3FA1]  }
0x28: {  	s2 =	sld [smem:$0x3FA2]  }
0x29: {  	s4 =	sld [smem:$0x3FA4]  }
0x2a: {  	p0 =	seq.s32 s5, $0x0;
	s5 =	sld [smem:$0x3FA5]  }
0x2b: {  	s6 =	sld [smem:$0x3FA6]  }
0x2c: {  	s7 =	sld [smem:$0x3FA7]  }
0x2d: {  	s3 =	simm.s32 $0x108;
	s8 =	sld [smem:$0x3FA8]  }
0x2e: {  	s3 =	simm.s32 @!p0 $0x1082;
	s9 =	sld [smem:$0x3FA9]  }
0x2f: {  	lr =	sadd.s32 s0, s3;
	s0 =	sld [smem:$0x3FA0]  }
0x30: {  	s3 =	sld [smem:$0x3FA3]  }
0x31: {  	[smem:$0x3FAC] =	sst s10  }
0x32: {  	s10 =	sld [smem:$0x3FAA];
	_ =	sdelay $0x3  }
0x33: {  	p0 =	seq.s32 s10, $0x1;
	s10 =	sld [smem:$0x3FAC];
	_ =	sdelay $0x3  }
0x34: {  	[smem:$0x3FAC] =	sst s10  }
0x35: {  	s10 =	sld [smem:$0x3FAB];
	_ =	sdelay $0x3  }
0x36: {  	p1 =	seq.s32 s10, $0x1;
	s10 =	sld [smem:$0x3FAC];
	_ =	sdelay $0x3  }
0x37: {  	[smem:$0x3FAC] =	sst s10  }
0x38: {  	s10 =	sld [smem:$0x3FAD]  }
0x39: {  	_ = 	snop;
	(pc) =	sbr.ind lr, $3  }
0x3a: {  	_ = 	snop  }
0x3b: {  	_ = 	snop  }
0x3c: {  	p2 =	seq.s32 s10, $0x1;
	s10 =	sld [smem:$0x3FAC]  }
0x3d: {  	_ =	shalt  }
0x3e: {  	_ =	shalt  }
0x3f: {  	_ =	shalt  }
0x40: {  	_ =	shalt  }
0x41: {  	_ =	shalt  }
0x42: {  	_ =	shalt  }
0x43: {  	_ =	shalt  }
0x44: {  	_ =	shalt  }
0x45: {  	_ =	shalt  }
0x46: {  	_ =	shalt  }
0x47: {  	_ =	shalt  }
0x48: {  	_ =	shalt  }
0x49: {  	_ =	shalt  }
0x4a: {  	_ =	shalt  }
0x4b: {  	_ =	shalt  }
0x4c: {  	_ =	shalt  }
0x4d: {  	_ =	shalt  }
0x4e: {  	_ =	shalt  }
0x4f: {  	_ =	shalt  }
0x50: {  	_ =	shalt  }
0x51: {  	_ =	shalt  }
0x52: {  	_ =	shalt  }
0x53: {  	_ =	shalt  }
0x54: {  	_ =	shalt  }
0x55: {  	_ =	shalt  }
0x56: {  	_ =	shalt  }
0x57: {  	_ =	shalt  }
0x58: {  	_ =	shalt  }
0x59: {  	_ =	shalt  }
0x5a: {  	_ =	shalt  }
0x5b: {  	_ =	shalt  }
0x5c: {  	_ =	shalt  }
0x5d: {  	_ =	shalt  }
0x5e: {  	_ =	shalt  }
0x5f: {  	_ =	shalt  }
0x60: {  	_ =	shalt  }
0x61: {  	_ =	shalt  }
0x62: {  	_ =	shalt  }
0x63: {  	_ =	shalt  }
0x64: {  	_ =	shalt  }
0x65: {  	_ =	shalt  }
0x66: {  	_ =	shalt  }
0x67: {  	_ =	shalt  }
0x68: {  	_ =	shalt  }
0x69: {  	_ =	shalt  }
0x6a: {  	_ =	shalt  }
0x6b: {  	_ =	shalt  }
0x6c: {  	_ =	shalt  }
0x6d: {  	_ =	shalt  }
0x6e: {  	_ =	shalt  }
0x6f: {  	_ =	shalt  }
0x70: {  	_ =	shalt  }
0x71: {  	_ =	shalt  }
0x72: {  	_ =	shalt  }
0x73: {  	_ =	shalt  }
0x74: {  	_ =	shalt  }
0x75: {  	_ =	shalt  }
0x76: {  	_ =	shalt  }
0x77: {  	_ =	shalt  }
0x78: {  	_ =	shalt  }
0x79: {  	_ =	shalt  }
0x7a: {  	_ =	shalt  }
0x7b: {  	_ =	shalt  }
0x7c: {  	_ =	shalt  }
0x7d: {  	_ =	shalt  }
0x7e: {  	_ =	shalt  }
0x7f: {  	_ =	shalt  }
0x80: {  	_ =	shalt  }
0x81: {  	_ =	shalt  }
0x82: {  	_ =	shalt  }
0x83: {  	_ =	shalt  }
0x84: {  	_ =	shalt  }
0x85: {  	_ =	shalt  }
0x86: {  	_ =	shalt  }
0x87: {  	_ =	shalt  }
.Lfunc_end0:
.L_simem_size_0:
called_computation_lowered:
.L_overlay_start_0:
0x88: {  	s2 =	sld [smem:$0x3FD9]  }
0x89: {  	s3 =	sld [smem:$0x3FFE];
	_ =	sdelay $0x1  }
0x8a: {  	s1 =	srdreg.scid  }
0x8b: {  	s0 =	sand.u32 $0x1, s1  }
0x8c: {  	s17 =	sshll.u32 s0, $0xA;
	s2 =	sadd.s32 s3, s2  }
0x8d: {  	s2 =	sadd.s32 s2, s17  }
0x8e: {  	[smem:$0x3FB8] =	sst s2  }
0x8f: {  	_ = 	snop  }
0x90: {  	s2 =	sld [smem:$0x3FD0];
	(tm) =	ssettm $0x1  }
0x91: {  	s18 =	sld [smem:$0x3FFB];
	_ =	sdelay $0x3  }
0x92: {  	_ =	strace s18  }
0x93: {  	s3 =	sld [smem:$0x3FFC];
	_ =	sdelay $0x3  }
0x94: {  	_ =	strace s3  }
0x95: {  	s3 =	sld [smem:$0x3FFD];
	_ =	sdelay $0x3  }
0x96: {  	_ =	strace s3  }
0x97: {  	_ =	strace $0x8FFFFFFF  }
0x98: {  	s19 =	sld [smem:$0x3FDB];
	_ =	sdelay $0x1  }
0x99: {  	s4 =	simm.s32 $_scs_section_size  }
0x9a: {  	s5 =	simm.s32 $_size__tile_overlayer_lowered;
	s6 =	simm.s32 $_tile_overlayer_lowered  }
0x9b: {  	s22 =	simm.s32 $0x1BFF;
	s21 =	sshll.u32 s6, $0x1;
	s3 =	sadd.s32 s4, s19  }
0x9c: {  	s7 =	simm.s32 $0x0;
	s20 =	sshll.u32 s5, $0x1;
	s5 =	sadd.s32 s21, s3  }
0x9d: {  	[timem:s7], [sflag:s22] =	dma.local [hbm:s5], s20  }
0x9e: {  	_ =	swait.ge [sflag:s22], s20  }
0x9f: {  	s4 =	ssub.s32 $0x0, s20;
	[sflag:s22] =	ssyncset.done $0x0  }
0xa0: {  	[sflag:s22] =	ssyncadd.s32 s4;
	_ =	sdelay $0x1  }
0xa1: {  	s23 =	simm.s32 $0x1B8B  }
0xa2: {  	_ =	swait.ge [sflag:s23], $0x1  }
0xa3: {  	[sflag:s23] =	ssyncset.done $0x0  }
0xa4: {  	s25 =	simm.s32 $0x1B8E;
	s24 =	sld [smem:$0x3FFE];
	[sflag:s23] =	ssyncadd.s32 $0xFFFFFFFF  }
0xa5: {  	s26 =	simm.s32 $execute0_lowered;
	[smem:$0x3FD2] =	sst s25  }
0xa6: {  	s5 =	sshll.u32 s26, $0x1;
	_ =	strace $0x80000046;
	[dreg:$0x1] =	wrdreg $0xFFFFFFFF  }
0xa7: {  	s28 =	simm.s32 $_size_execute0_lowered;
	s3 =	sadd.s32 s3, s5;
	[dreg:$0x0] =	wrdreg $0x0  }
0xa8: {  	s5 =	sshll.u32 s28, $0x1;
	[dreg:$0x2] =	wrdreg s3  }
0xa9: {  	[dreg:$0x3] =	wrdreg s5  }
0xaa: {  	[dreg:$0x4] =	wrdreg $0xC0  }
0xab: {  	_ =	task [dreg:s7], $0x5FFFF  }
0xac: {  	[dreg:$0x1] =	wrdreg $0xFFFFFFFF  }
0xad: {  	[dreg:$0x0] =	wrdreg $0x60  }
0xae: {  	[dreg:$0x2] =	wrdreg s24  }
0xaf: {  	[dreg:$0x3] =	wrdreg s2  }
0xb0: {  	[dreg:$0x4] =	wrdreg $0x9  }
0xb1: {  	_ =	task.clear_ibuf [dreg:s7], $0x5FFFF;
	_ =	strace $0x90000046  }
0xb2: {  	s29 =	simm.s32 $0x9;
	_ =	strace $0x80000048  }
0xb3: {  	_ =	swait.ge [sflag:s29], $0x1  }
0xb4: {  	[sflag:s29] =	ssyncadd.s32 $0xFFFFFFFF  }
0xb5: {  	_ =	strace $0x90000048  }
0xb6: {  	_ =	sfence  }
0xb7: {  	s30 =	sld [smem:$0x0];
	_ =	sdelay $0x2  }
0xb8: {  	s31 =	sshll.u32 s1, $0xD;
	s1 =	sshrl.u32 s1, $0x2  }
0xb9: {  	s3 =	sand.u32 $0x4000, s31;
	s1 =	sadd.s32 s1, s30  }
0xba: {  	s0 =	sor.u32 s3, s0;
	s1 =	sshll.u32 s1, $0x11  }
0xbb: {  	s0 =	sor.u32 s1, s0  }
0xbc: {  	s0 =	sadd.s32 $0x8F2B, s0  }
0xbd: {  	[sflag:s0] =	ssyncadd.remote.s32 $0x1  }
0xbe: {  	_ =	sfence.sel $0xFFFF  }
0xbf: {  	[dreg:$0x0] =	wrdreg $0xFFFFFFFF;
	(pc) =	sbr.abs _section_cstart, $3  }
0xc0: {  	[dreg:$0x1] =	wrdreg $0xFFFFFFFF  }
0xc1: {  	_ =	task.clear_ibuf [dreg:s7], $0x2FFFF;
	_ =	strace $0x9FFFFFFF  }
0xc2: {  	(tm) =	ssettm $0x7FFFFFFF  }
0xc3: {  	_ =	shalt  }
tec
execute0_lowered:
.L_overlay_start_1:
0x0: {  	(tag) =	ssettag $0x1  }
0x1: {  	s4 =	rddreg [dreg:$0x0]  }
0x2: {  	s5 =	rddreg [dreg:$0x1]  }
0x3: {  	s0 =	rddreg [dreg:$0x2]  }
0x4: {  	s2 =	simm.s32 $0x0;
	s1 =	stileid.u32;
	s3 =	srdreg.scid  }
0x5: {  	[smem:$0x7FF] =	sst s2;
	s6 =	sand.u32 $0x1, s3;
	s30 =	sshll.u32 s1, $0x1  }
0x6: {  	s7 =	sshll.u32 s1, $0x5;
	s8 =	ssub.s32 $0x2, s6;
	s3 =	sor.u32 s6, s30  }
0x7: {  	s7 =	sadd.s32 s7, s4;
	_ =	strace $0x80000047;
	s6 =	sshll.u32 s6, $0x4  }
0x8: {  	s31 =	sshrl.u32 s8, $0x1;
	s9 =	smul.u32 $0x4F0, s3;
	s6 =	sadd.s32 s6, s7  }
0x9: {  	s7 =	simm.s32 $0x1;
	s8 =	ssub.s32 s8, s31;
	s6 =	sadd.s32 $0x3600, s6  }
0xa: {  	v0 =	vimm.f32 $0.0e+00;
	s4 =	sadd.s32 s5, s9;
	s5 =	smax.u32 s8, $0x1;
	s8 =	simm.s32 $0x0  }
.LBB2_1:
0xb: {  	s9 =	simm.s32 $0x0  }
.LBB2_2:
0xc: {  	p0 =	sne.s32 s9, $0x9C00  }
.Ltmp0:
0xd: {  	_ = 	snop;
	(pc) =	sbr.rel @p0 .LBB2_2-.Ltmp0, $3  }
0xe: {  	_ =	sdelay $0x1  }
0xf: {  	s10 =	sshra.s32 s9, $0x2  }
0x10: {  	s9 =	sadd.s32 $0x40, s9;
	[tilespmem:s10+$0x0] =	vst v0  }
0x11: {  	s9 =	simm.s32 $0x0;
	s10 =	smov.u32 s6  }
.LBB2_4:
0x12: {  	s11 =	sadd.s32 s9, s3  }
0x13: {  	p0 =	sgt.u32 s11, $0x9C3  }
0x14: {  	s11 =	simm.s32 @!p0 $0x0;
	s12 =	simm.s32 @!p0 $0x2780  }
0x15: {  	[tilespmem:s12], [sflag:$0x1] =	stream.linear.gather @!p0 [hbm4b:s10+s11], $0x80, $0x38;
	[tilespmem:$0x2800] =	vst v63  }
0x16: {  	s12 =	simm.s32 @!p0 $0x1  }
0x17: {  	_ =	swait.ge @!p0 [sflag:s12], $0x80  }
0x18: {  	[sflag:s12] =	ssyncset.done @!p0 $0x0  }
0x19: {  	[sflag:s12] =	ssyncadd.s32 @!p0 $0xFFFFFF80  }
0x1a: {  	v1 =	vld @!p0 [tilespmem:$0x2780];
	_ =	sdelay $0x6  }
0x1b: {  	v2 =	vimm.f32 @!p0 $1.000000000e+00  }
0x1c: {  	[tilespmem:v1+s11+$0x0] =	vst.idx.add.f32.msk @!p0 $0xffff, v2  }
0x1d: {  	v1 =	vld @!p0 [tilespmem:$0x2790];
	_ =	sdelay $0x7  }
0x1e: {  	[tilespmem:v1+s11+$0x0] =	vst.idx.add.f32.msk @!p0 $0xffff, v2  }
0x1f: {  	v1 =	vld @!p0 [tilespmem:$0x27A0];
	_ =	sdelay $0x7  }
0x20: {  	[tilespmem:v1+s11+$0x0] =	vst.idx.add.f32.msk @!p0 $0xffff, v2  }
0x21: {  	v1 =	vld @!p0 [tilespmem:$0x27B0];
	_ =	sdelay $0x7  }
0x22: {  	[tilespmem:v1+s11+$0x0] =	vst.idx.add.f32.msk @!p0 $0xffff, v2  }
0x23: {  	v1 =	vld @!p0 [tilespmem:$0x27C0];
	_ =	sdelay $0x7  }
0x24: {  	[tilespmem:v1+s11+$0x0] =	vst.idx.add.f32.msk @!p0 $0xffff, v2  }
0x25: {  	v1 =	vld @!p0 [tilespmem:$0x27D0];
	_ =	sdelay $0x7  }
0x26: {  	[tilespmem:v1+s11+$0x0] =	vst.idx.add.f32.msk @!p0 $0xffff, v2  }
0x27: {  	v1 =	vld @!p0 [tilespmem:$0x27E0];
	_ =	sdelay $0x7  }
0x28: {  	[tilespmem:v1+s11+$0x0] =	vst.idx.add.f32.msk @!p0 $0xffff, v2  }
0x29: {  	v1 =	vld @!p0 [tilespmem:$0x27F0];
	_ =	sdelay $0x1  }
0x2a: {  	s9 =	sadd.s32 $0x20, s9  }
0x2b: {  	p1 =	sne.s32 s9, $0x9E0  }
.Ltmp1:
0x2c: {  	_ = 	snop;
	(pc) =	sbr.rel @p1 .LBB2_4-.Ltmp1, $2  }
0x2d: {  	_ =	sdelay $0x2  }
0x2e: {  	s10 =	sadd.s32 $0x200, s10;
	[tilespmem:v1+s11+$0x0] =	vst.idx.add.f32.msk @!p0 $0xffff, v2  }
0x2f: {  	s8 =	sadd.s32 $0x1, s8  }
0x30: {  	p0 =	sne.s32 s8, s5  }
.Ltmp2:
0x31: {  	_ = 	snop;
	(pc) =	sbr.rel @p0 .LBB2_1-.Ltmp2, $4  }
0x32: {  	[hbm4b:s4+s2] =	stream.linear.scatter [tilespmem:s2], [sflag:$0x1], $0x2780, $0x38;
	[tilespmem:$0x2800] =	vst v63  }
0x33: {  	_ =	swait.ge [sflag:s7], $0x2780  }
0x34: {  	[sflag:s7] =	ssyncset.done $0x0  }
0x35: {  	[sflag:s7] =	ssyncadd.s32 $0xFFFFD880  }
0x36: {  	_ =	sfence.sel $0x180000  }
0x37: {  	[bflag:$0x0] =	sbarrier.arrive $0xFFFF  }
0x38: {  	p0 =	sne.s32 s1, $0x0;
	_ =	strace $0x90000047  }
0x39: {  	s0 =	sadd.s32 @!p0 $0x100000, s0;
	[bflag:$0x2] =	sbarrier.arrive $0xFFFF  }
0x3a: {  	[sflag:s0] =	ssyncadd.tile.s32 @!p0 $0x1;
	_ =	shalt  }
.Lfunc_end2:
_tile_overlayer_lowered:
.L_overlay_start_2:
0x3b: {  	(tag) =	ssettag $0x2  }
0x3c: {  	s0 =	rddreg [dreg:$0x0];
	s2 =	stileid.u32  }
0x3d: {  	s1 =	rddreg [dreg:$0x1];
	p0 =	sne.s32 s2, $0x0  }
0x3e: {  	s3 =	rddreg [dreg:$0x2];
	[bflag:$0x3] =	sbarrier.arrive $0xFFFF;
	s2 =	simm.s32 @!p0 $0x1C01  }
0x3f: {  	[timem:s3], [sflag:s2] =	dma.local @!p0 [hbm:s0], s1  }
0x40: {  	s0 =	simm.s32 @!p0 $0x1  }
0x41: {  	_ =	swait.ge @!p0 [sflag:s0], s1  }
0x42: {  	s1 =	ssub.s32 @!p0 $0x0, s1;
	[sflag:s0] =	ssyncset.done @!p0 $0x0  }
0x43: {  	[sflag:s0] =	ssyncadd.s32 @!p0 s1  }
0x44: {  	[bflag:$0x3] =	sbarrier.arrive $0xFFFF  }
0x45: {  	_ =	shalt  }

</sc_bundles>
